<compile_context>
chip_gen: v7x
topology: tpu7x:2x2x1
jax: 0.10.2.dev20260603
libtpu: 0.0.44.dev20260713+nightly
codegen_flags: <defaults>
</compile_context>

<pallas_src>
import functools

import jax
import jax.numpy as jnp
from jax import lax
from jax.experimental import pallas as pl
from jax.experimental.pallas import tpu as pltpu
from jax.experimental.pallas import tpu_sc as plsc

_NC = 2
_NS = 16
_L = 16
_NW = _NC * _NS
_EPS = 1e-5



def _ef_stats_body(ef_ref, we_ref, out_ref, s1, m2):
    i = pl.program_id(0)
    ef = ef_ref[...]

    @pl.when(i == 0)
    def _init():
        s1[...] = jnp.zeros_like(s1)
        m2[...] = jnp.zeros_like(m2)

    s1[...] += jnp.sum(ef, axis=0, keepdims=True)
    m2[...] += lax.dot_general(ef, ef, (((0,), (0,)), ((), ())),
                               preferred_element_type=jnp.float32)

    @pl.when(i == pl.num_programs(0) - 1)
    def _fin():
        e_total = pl.num_programs(0) * ef.shape[0]
        mean_ef = s1[...] / e_total
        cov = m2[...] / e_total - lax.dot_general(
            mean_ef, mean_ef, (((0,), (0,)), ((), ())),
            preferred_element_type=jnp.float32)
        w = we_ref[...]
        mean_z = jnp.dot(mean_ef, w, preferred_element_type=jnp.float32)
        cw = jnp.dot(cov, w, preferred_element_type=jnp.float32)
        var_z = jnp.sum(w * cw, axis=0, keepdims=True)
        out_ref[0:1, :] = mean_z
        out_ref[1:2, :] = var_z


def _ef_stats(edge_feats, W_e, tile):
    e, de = edge_feats.shape
    d = W_e.shape[1]
    grid = e // tile
    return pl.pallas_call(
        _ef_stats_body,
        grid=(grid,),
        in_specs=[
            pl.BlockSpec((tile, de), lambda i: (i, 0)),
            pl.BlockSpec((de, d), lambda i: (0, 0)),
        ],
        out_specs=pl.BlockSpec((2, d), lambda i: (0, 0)),
        out_shape=jax.ShapeDtypeStruct((2, d), jnp.float32),
        scratch_shapes=[
            pltpu.VMEM((1, de), jnp.float32),
            pltpu.VMEM((de, de), jnp.float32),
        ],
    )(edge_feats, W_e)


def _bf16_bits(x):
    u = lax.bitcast_convert_type(x, jnp.uint32)
    return (u + jnp.uint32(0x7FFF) + ((u >> 16) & jnp.uint32(1))) >> 16


def _pack2(a, b):
    w = _bf16_bits(a) | (_bf16_bits(b) << 16)
    return lax.bitcast_convert_type(w, jnp.int32)


def _unpk(w):
    lo = lax.bitcast_convert_type(w << 16, jnp.float32)
    hi = lax.bitcast_convert_type(w & jnp.int32(-65536), jnp.float32)
    return lo, hi


def _tables_body(nf_ref, ws_ref, wd_ref, t1_ref, t2_ref):
    nf = nf_ref[...]
    d = t1_ref.shape[1]

    def pk(w):
        res = jnp.dot(nf, w, preferred_element_type=jnp.float32)
        return _pack2(res[:, :d], res[:, d:])

    t1_ref[...] = pk(ws_ref[...])
    t2_ref[...] = pk(wd_ref[...])


def _tables(node_feats, w_src, w_dst, tile):
    n, d = node_feats.shape
    w2 = w_src.shape[1]
    grid = n // tile
    return pl.pallas_call(
        _tables_body,
        grid=(grid,),
        in_specs=[
            pl.BlockSpec((tile, d), lambda i: (i, 0)),
            pl.BlockSpec((d, w2), lambda i: (0, 0)),
            pl.BlockSpec((d, w2), lambda i: (0, 0)),
        ],
        out_specs=[
            pl.BlockSpec((tile, d), lambda i: (i, 0)),
            pl.BlockSpec((tile, d), lambda i: (i, 0)),
        ],
        out_shape=[
            jax.ShapeDtypeStruct((n, d), jnp.int32),
            jax.ShapeDtypeStruct((n, d), jnp.int32),
        ],
    )(node_feats, w_src, w_dst)


def _silu(x):
    return x * (1.0 / (1.0 + jnp.exp(-x)))


def _softplus(x):
    return jnp.maximum(x, 0.0) + jnp.log1p(jnp.exp(-jnp.abs(x)))


def _pre_of(ef_ref, ga_ref, gb_ref, wef_ref, bef_ref, w2m_ref, w2s_ref,
            bm_ref, bs_ref):
    hm = _silu(jnp.dot(ef_ref[...], wef_ref[...],
                       preferred_element_type=jnp.float32) + bef_ref[...])
    qm = jnp.dot(hm, w2m_ref[...], preferred_element_type=jnp.float32)
    qs = jnp.dot(hm, w2s_ref[...], preferred_element_type=jnp.float32)
    gam, gas = _unpk(ga_ref[...])
    gbm, gbs = _unpk(gb_ref[...])
    pre_m = gam + gbm + qm + bm_ref[...]
    pre_s = gas + gbs + qs + bs_ref[...]
    return pre_m, pre_s


def _pre_stats_body(ef_ref, ga_ref, gb_ref, wef_ref, bef_ref, w2m_ref,
                    w2s_ref, bm_ref, bs_ref, sums_ref):
    i = pl.program_id(0)
    pre_m, pre_s = _pre_of(ef_ref, ga_ref, gb_ref, wef_ref, bef_ref,
                           w2m_ref, w2s_ref, bm_ref, bs_ref)

    @pl.when(i == 0)
    def _init():
        sums_ref[...] = jnp.zeros_like(sums_ref)

    sums_ref[0:1, :] += jnp.sum(pre_m, axis=0, keepdims=True)
    sums_ref[1:2, :] += jnp.sum(pre_m * pre_m, axis=0, keepdims=True)
    sums_ref[2:3, :] += jnp.sum(pre_s, axis=0, keepdims=True)
    sums_ref[3:4, :] += jnp.sum(pre_s * pre_s, axis=0, keepdims=True)


def _pre_stats(edge_feats, ga, gb, wef, bef, w2m, w2s, bm, bs, tile):
    e, de = edge_feats.shape
    d = wef.shape[1]
    grid = e // tile
    return pl.pallas_call(
        _pre_stats_body,
        grid=(grid,),
        in_specs=[
            pl.BlockSpec((tile, de), lambda i: (i, 0)),
            pl.BlockSpec((tile, d), lambda i: (i, 0)),
            pl.BlockSpec((tile, d), lambda i: (i, 0)),
            pl.BlockSpec((de, d), lambda i: (0, 0)),
            pl.BlockSpec((1, d), lambda i: (0, 0)),
            pl.BlockSpec((d, d), lambda i: (0, 0)),
            pl.BlockSpec((d, d), lambda i: (0, 0)),
            pl.BlockSpec((1, d), lambda i: (0, 0)),
            pl.BlockSpec((1, d), lambda i: (0, 0)),
        ],
        out_specs=pl.BlockSpec((4, d), lambda i: (0, 0)),
        out_shape=jax.ShapeDtypeStruct((4, d), jnp.float32),
    )(edge_feats, ga, gb, wef, bef, w2m, w2s, bm, bs)


def _act_body(ef_ref, ga_ref, gb_ref, wef_ref, bef_ref, w2m_ref, w2s_ref,
              bm_ref, bs_ref, scm_ref, shm_ref, scs_ref, shs_ref, u_ref):
    pre_m, pre_s = _pre_of(ef_ref, ga_ref, gb_ref, wef_ref, bef_ref,
                           w2m_ref, w2s_ref, bm_ref, bs_ref)
    ym = pre_m * scm_ref[...] + shm_ref[...]
    ys = pre_s * scs_ref[...] + shs_ref[...]
    u_ref[...] = _silu(ym) * _softplus(ys)


def _act(edge_feats, ga, gb, wef, bef, w2m, w2s, bm, bs,
         scm, shm, scs, shs, tile):
    e, de = edge_feats.shape
    d = wef.shape[1]
    grid = e // tile
    vec = pl.BlockSpec((1, d), lambda i: (0, 0))
    return pl.pallas_call(
        _act_body,
        grid=(grid,),
        in_specs=[
            pl.BlockSpec((tile, de), lambda i: (i, 0)),
            pl.BlockSpec((tile, d), lambda i: (i, 0)),
            pl.BlockSpec((tile, d), lambda i: (i, 0)),
            pl.BlockSpec((de, d), lambda i: (0, 0)),
            vec,
            pl.BlockSpec((d, d), lambda i: (0, 0)),
            pl.BlockSpec((d, d), lambda i: (0, 0)),
            vec, vec, vec, vec, vec, vec,
        ],
        out_specs=pl.BlockSpec((tile, d), lambda i: (i, 0)),
        out_shape=jax.ShapeDtypeStruct((e, d), jnp.float32),
    )(edge_feats, ga, gb, wef, bef, w2m, w2s, bm, bs, scm, shm, scs, shs)


def _final_stats_body(p0_ref, p1_ref, agg_ref, sums_ref):
    i = pl.program_id(0)
    agg = p0_ref[...] + p1_ref[...]
    agg_ref[...] = agg

    @pl.when(i == 0)
    def _init():
        sums_ref[...] = jnp.zeros_like(sums_ref)

    sums_ref[0:1, :] += jnp.sum(agg, axis=0, keepdims=True)
    sums_ref[1:2, :] += jnp.sum(agg * agg, axis=0, keepdims=True)


def _final_stats(p0, p1, n, tile):
    d = p0.shape[1]
    grid = n // tile
    return pl.pallas_call(
        _final_stats_body,
        grid=(grid,),
        in_specs=[
            pl.BlockSpec((tile, d), lambda i: (i, 0)),
            pl.BlockSpec((tile, d), lambda i: (i, 0)),
        ],
        out_specs=[
            pl.BlockSpec((tile, d), lambda i: (i, 0)),
            pl.BlockSpec((2, d), lambda i: (0, 0)),
        ],
        out_shape=[
            jax.ShapeDtypeStruct((n, d), jnp.float32),
            jax.ShapeDtypeStruct((2, d), jnp.float32),
        ],
    )(p0, p1)


def _final_out_body(agg_ref, nf_ref, sc_ref, sh_ref, out_ref):
    out_ref[...] = _softplus(agg_ref[...] * sc_ref[...] + sh_ref[...]
                             + nf_ref[...])


def _final_out(agg, node_feats, sc, sh, tile):
    n, d = agg.shape
    grid = n // tile
    return pl.pallas_call(
        _final_out_body,
        grid=(grid,),
        in_specs=[
            pl.BlockSpec((tile, d), lambda i: (i, 0)),
            pl.BlockSpec((tile, d), lambda i: (i, 0)),
            pl.BlockSpec((1, d), lambda i: (0, 0)),
            pl.BlockSpec((1, d), lambda i: (0, 0)),
        ],
        out_specs=pl.BlockSpec((tile, d), lambda i: (i, 0)),
        out_shape=jax.ShapeDtypeStruct((n, d), jnp.float32),
    )(agg, node_feats, sc, sh)



_CH = 40
_NB = 5


def _gather2_sc_r1(t1, t2, src, dst):
    n, lanes = t1.shape
    e = src.shape[0]
    epw = e // _NW
    ch = 80
    nch = epw // ch
    nb = 2
    mesh = plsc.VectorSubcoreMesh(core_axis_name="c", subcore_axis_name="s")

    @functools.partial(
        pl.kernel,
        out_type=[
            jax.ShapeDtypeStruct((e, lanes), jnp.int32),
            jax.ShapeDtypeStruct((e, lanes), jnp.int32),
        ],
        mesh=mesh,
        scratch_types=[
            pltpu.VMEM((nb, ch), jnp.int32),
            pltpu.VMEM((nb, ch), jnp.int32),
            pltpu.VMEM((nb, ch, lanes), jnp.int32),
            pltpu.VMEM((nb, ch, lanes), jnp.int32),
            pltpu.SemaphoreType.DMA,
            pltpu.SemaphoreType.DMA,
            pltpu.SemaphoreType.DMA,
            pltpu.SemaphoreType.DMA,
        ],
    )
    def gk(t1_h, t2_h, src_h, dst_h, oa_h, ob_h,
           sidx, didx, abuf, bbuf, sa0, sa1, sb0, sb1):
        cid = lax.axis_index("c")
        sid = lax.axis_index("s")
        base = (sid * _NC + cid) * epw
        sems_a = (sa0, sa1)
        sems_b = (sb0, sb1)

        def issue(i, slot):
            off = base + i * ch
            pltpu.sync_copy(src_h.at[pl.ds(off, ch)], sidx.at[slot])
            pltpu.sync_copy(dst_h.at[pl.ds(off, ch)], didx.at[slot])
            pltpu.async_copy(t1_h.at[sidx.at[slot]], abuf.at[slot],
                             sems_a[slot])
            pltpu.async_copy(t2_h.at[didx.at[slot]], bbuf.at[slot],
                             sems_b[slot])

        def drain(i, slot):
            off = base + i * ch
            pltpu.make_async_copy(t1_h.at[sidx.at[slot]], abuf.at[slot],
                                  sems_a[slot]).wait()
            pltpu.make_async_copy(t2_h.at[didx.at[slot]], bbuf.at[slot],
                                  sems_b[slot]).wait()
            pltpu.sync_copy(abuf.at[slot], oa_h.at[pl.ds(off, ch)])
            pltpu.sync_copy(bbuf.at[slot], ob_h.at[pl.ds(off, ch)])

        issue(0, 0)

        def pair(p, carry):
            i0 = p * 2
            issue(i0 + 1, 1)
            drain(i0, 0)
            issue(i0 + 2, 0)
            drain(i0 + 1, 1)
            return carry

        lax.fori_loop(0, (nch - 1) // 2, pair, 0)
        drain(nch - 1, 0)

    return gk(t1, t2, src, dst)


def _scatter_sc_r1(u, dst, zeros):
    e, d = u.shape
    n = zeros.shape[0]
    epc = e // _NC
    ept = epc // _NS
    ch = 80
    nch = ept // ch
    rpt = n // _NS
    mesh = plsc.VectorSubcoreMesh(core_axis_name="c", subcore_axis_name="s")

    @functools.partial(
        pl.kernel,
        out_type=jax.ShapeDtypeStruct((_NC * n, d), jnp.float32),
        mesh=mesh,
        scratch_types=[
            pltpu.VMEM((ch,), jnp.int32),
            pltpu.VMEM((ch, d), jnp.float32),
            pltpu.VMEM_SHARED((n, d), jnp.float32),
        ],
    )
    def sk(u_h, dst_h, z_h, out_h, didx, ubuf, acc):
        cid = lax.axis_index("c")
        sid = lax.axis_index("s")
        r0 = sid * rpt
        pltpu.sync_copy(z_h.at[pl.ds(r0, rpt)], acc.at[pl.ds(r0, rpt)])
        plsc.subcore_barrier()
        base = cid * epc + sid * ept

        def chunk(i, carry):
            off = base + i * ch
            pltpu.sync_copy(dst_h.at[pl.ds(off, ch)], didx)
            pltpu.sync_copy(u_h.at[pl.ds(off, ch)], ubuf)
            pltpu.sync_copy(ubuf, acc.at[didx], add=True)
            return carry

        lax.fori_loop(0, nch, chunk, 0)
        plsc.subcore_barrier()
        pltpu.sync_copy(acc.at[pl.ds(r0, rpt)],
                        out_h.at[pl.ds(cid * n + r0, rpt)])

    return sk(u, dst, zeros)


def _gather2_sc(t1, t2, src2, dst2):
    n, lanes = t1.shape
    _, nch, ch = src2.shape
    epw = nch * ch
    e = _NW * epw
    nb = _NB
    ngrp = nch // nb
    mesh = plsc.VectorSubcoreMesh(core_axis_name="c", subcore_axis_name="s")

    @functools.partial(
        pl.kernel,
        out_type=[
            jax.ShapeDtypeStruct((e, lanes), jnp.int32),
            jax.ShapeDtypeStruct((e, lanes), jnp.int32),
        ],
        mesh=mesh,
        scratch_types=[
            pltpu.VMEM((nch, ch), jnp.int32),
            pltpu.VMEM((nch, ch), jnp.int32),
            pltpu.VMEM((nb, ch, lanes), jnp.int32),
            pltpu.VMEM((nb, ch, lanes), jnp.int32),
        ] + [pltpu.SemaphoreType.DMA] * (2 * nb),
    )
    def gk(t1_h, t2_h, src_h, dst_h, oa_h, ob_h,
           sidx, didx, abuf, bbuf, *sems):
        cid = lax.axis_index("c")
        sid = lax.axis_index("s")
        wid = sid * _NC + cid
        base = wid * epw
        sg = sems[:nb]
        ss = sems[nb:]
        pltpu.sync_copy(src_h.at[wid], sidx)
        pltpu.sync_copy(dst_h.at[wid], didx)

        def g_issue(i, b):
            pltpu.async_copy(t1_h.at[sidx.at[i]], abuf.at[b], sg[b])
            pltpu.async_copy(t2_h.at[didx.at[i]], bbuf.at[b], sg[b])

        def g_wait(i, b):
            pltpu.make_async_copy(t1_h.at[sidx.at[i]], abuf.at[b],
                                  sg[b]).wait()
            pltpu.make_async_copy(t2_h.at[didx.at[i]], bbuf.at[b],
                                  sg[b]).wait()

        def s_issue(i, b):
            off = base + i * ch
            pltpu.async_copy(abuf.at[b], oa_h.at[pl.ds(off, ch)], ss[b])
            pltpu.async_copy(bbuf.at[b], ob_h.at[pl.ds(off, ch)], ss[b])

        def s_wait(i, b):
            off = base + i * ch
            pltpu.make_async_copy(abuf.at[b], oa_h.at[pl.ds(off, ch)],
                                  ss[b]).wait()
            pltpu.make_async_copy(bbuf.at[b], ob_h.at[pl.ds(off, ch)],
                                  ss[b]).wait()

        def grp(g, carry):
            i0 = g * nb
            for b in range(nb):
                @pl.when(g > 0)
                def _(b=b, i0=i0):
                    s_wait(i0 - nb + b, b)
                g_issue(i0 + b, b)
            for b in range(nb):
                g_wait(i0 + b, b)
                s_issue(i0 + b, b)
            return carry

        lax.fori_loop(0, ngrp, grp, 0)
        for b in range(nb):
            s_wait(nch - nb + b, b)

    return gk(t1, t2, src2, dst2)


def _scatter_sc(u, dst2, zeros):
    e, d = u.shape
    n = zeros.shape[0]
    epc = e // _NC
    ept = epc // _NS
    ch = _CH
    nch = ept // ch
    nb = 2
    ngrp = nch // nb
    rpt = n // _NS
    mesh = plsc.VectorSubcoreMesh(core_axis_name="c", subcore_axis_name="s")

    @functools.partial(
        pl.kernel,
        out_type=jax.ShapeDtypeStruct((_NC * n, d), jnp.float32),
        mesh=mesh,
        scratch_types=[
            pltpu.VMEM((nch, ch), jnp.int32),
            pltpu.VMEM((nb, ch, d), jnp.float32),
            pltpu.VMEM_SHARED((n, d), jnp.float32),
        ] + [pltpu.SemaphoreType.DMA] * nb,
    )
    def sk(u_h, dst_h, z_h, out_h, didx, ubuf, acc, *sems):
        cid = lax.axis_index("c")
        sid = lax.axis_index("s")
        r0 = sid * rpt
        pltpu.sync_copy(z_h.at[pl.ds(r0, rpt)], acc.at[pl.ds(r0, rpt)])
        wid = cid * _NS + sid
        base = wid * ept
        pltpu.sync_copy(dst_h.at[wid], didx)
        plsc.subcore_barrier()

        def u_issue(i, b):
            pltpu.async_copy(u_h.at[pl.ds(base + i * ch, ch)], ubuf.at[b],
                             sems[b])

        def u_wait(i, b):
            pltpu.make_async_copy(u_h.at[pl.ds(base + i * ch, ch)],
                                  ubuf.at[b], sems[b]).wait()

        def grp(g, carry):
            i0 = g * nb
            for b in range(nb):
                u_issue(i0 + b, b)
            for b in range(nb):
                u_wait(i0 + b, b)
                pltpu.sync_copy(ubuf.at[b], acc.at[didx.at[i0 + b]],
                                add=True)
            return carry

        lax.fori_loop(0, ngrp, grp, 0)
        plsc.subcore_barrier()
        pltpu.sync_copy(acc.at[pl.ds(r0, rpt)],
                        out_h.at[pl.ds(cid * n + r0, rpt)])

    return sk(u, dst2, zeros)



def kernel(node_feats, edge_index, edge_feats, W_e, b_e, g_e, beta_e,
           W_m, b_m, g_m, beta_m, W_s, b_s, g_s, beta_s, g_n, beta_n):
    n, d = node_feats.shape
    e = edge_index.shape[1]
    src = edge_index[0]
    dst = edge_index[1]

    te = 2560
    tn = 2000

    stats_z = _ef_stats(edge_feats, W_e, te)
    s_e = g_e * lax.rsqrt(stats_z[1] + _EPS)
    wef = W_e * s_e[None, :]
    bef = (beta_e - stats_z[0] * s_e)[None, :]

    w_src = jnp.concatenate([W_m[:d], W_s[:d]], axis=1)
    w_dst = jnp.concatenate([W_m[d:2 * d], W_s[d:2 * d]], axis=1)
    w2m = W_m[2 * d:]
    w2s = W_s[2 * d:]
    bm = b_m[None, :]
    bs = b_s[None, :]

    t1i, t2i = _tables(node_feats, w_src, w_dst, tn)
    src2 = src.reshape(_NW, e // (_NW * _CH), _CH)
    dst2 = dst.reshape(_NW, e // (_NW * _CH), _CH)
    ga, gb = _gather2_sc(t1i, t2i, src2, dst2)
    sums = _pre_stats(edge_feats, ga, gb, wef, bef, w2m, w2s, bm, bs, te)

    mean_m = sums[0] / e
    var_m = sums[1] / e - mean_m * mean_m
    scm = g_m * lax.rsqrt(var_m + _EPS)
    shm = beta_m - mean_m * scm
    mean_s = sums[2] / e
    var_s = sums[3] / e - mean_s * mean_s
    scs = g_s * lax.rsqrt(var_s + _EPS)
    shs = beta_s - mean_s * scs

    u = _act(edge_feats, ga, gb, wef, bef, w2m, w2s, bm, bs,
             scm[None, :], shm[None, :], scs[None, :], shs[None, :], te)
    n_pad = ((n + 8 * _NS - 1) // (8 * _NS)) * (8 * _NS)
    partials = _scatter_sc(u, dst2, jnp.zeros((n_pad, d), jnp.float32))
    p0 = partials[:n]
    p1 = partials[n_pad:n_pad + n]

    agg, nsums = _final_stats(p0, p1, n, tn)
    meann = nsums[0] / n
    varn = nsums[1] / n - meann * meann
    scn = g_n * lax.rsqrt(varn + _EPS)
    shn = beta_n - meann * scn
    return _final_out(agg, node_feats, scn[None, :], shn[None, :], tn)

# --- scband reference (transcript-rebuilt; emitter-appended) ---
"""Pipeline reference for scband-conv-func-cgcnn-edge-mlp-13194139533632 (READ-ONLY COPY).

The authoritative reference and input builder live on the scoring server;
editing this copy changes nothing except your own understanding.
"""

import jax, jax.numpy as jnp
import numpy as np

N, E, D, DE = 10000, 320000, 128, 16


def bn_train(x, g, b, eps=1e-5):
    m = jnp.mean(x, axis=0)
    v = jnp.var(x, axis=0)
    return g * (x - m) * jax.lax.rsqrt(v + eps) + b


def setup_inputs(seed: int = 0):
    key = jax.random.key(seed)
    ks = jax.random.split(key, 20)
    inp = {}
    inp["node_feats"] = jax.random.normal(ks[0], (N, D), dtype=jnp.float32)
    inp["edge_index"] = jax.random.randint(ks[1], (2, E), 0, N, dtype=jnp.int32)
    inp["edge_feats"] = jax.random.normal(ks[2], (E, DE), dtype=jnp.float32)
    # edgemlp: Linear(DE -> D) + BN params
    inp["W_e"] = jax.random.normal(ks[3], (DE, D), dtype=jnp.float32) / np.sqrt(DE)
    inp["b_e"] = jnp.zeros((D,), jnp.float32)
    inp["g_e"] = jnp.ones((D,), jnp.float32)
    inp["beta_e"] = jnp.zeros((D,), jnp.float32)
    # mlp: Linear(3D -> D) + BN params
    inp["W_m"] = jax.random.normal(ks[4], (3 * D, D), dtype=jnp.float32) / np.sqrt(3 * D)
    inp["b_m"] = jnp.zeros((D,), jnp.float32)
    inp["g_m"] = jnp.ones((D,), jnp.float32)
    inp["beta_m"] = jnp.zeros((D,), jnp.float32)
    # screen: Linear(3D -> D) + BN params
    inp["W_s"] = jax.random.normal(ks[5], (3 * D, D), dtype=jnp.float32) / np.sqrt(3 * D)
    inp["b_s"] = jnp.zeros((D,), jnp.float32)
    inp["g_s"] = jnp.ones((D,), jnp.float32)
    inp["beta_s"] = jnp.zeros((D,), jnp.float32)
    # node_bn params
    inp["g_n"] = jnp.ones((D,), jnp.float32)
    inp["beta_n"] = jnp.zeros((D,), jnp.float32)
    return inp


def reference(node_feats, edge_index, edge_feats, W_e, b_e, g_e, beta_e, W_m, b_m, g_m, beta_m, W_s, b_s, g_s, beta_s, g_n, beta_n):
    silu = lambda x: x * jax.nn.sigmoid(x)
    sp = jax.nn.softplus
    # edgemlp (Linear + BN(train) + SiLU, dropout p=0)
    hm = silu(bn_train(edge_feats @ W_e + b_e, g_e, beta_e))
    src = edge_index[0]
    dst = edge_index[1]
    h_src = node_feats[src]
    h_dst = node_feats[dst]
    h_combine = jnp.concatenate([h_src, h_dst, hm], axis=1)
    h_mlp = silu(bn_train(h_combine @ W_m + b_m, g_m, beta_m))
    h_screen = sp(bn_train(h_combine @ W_s + b_s, g_s, beta_s))
    h_node_update = h_mlp * h_screen
    agg = jnp.zeros((node_feats.shape[0], h_node_update.shape[1]), h_node_update.dtype).at[dst].add(h_node_update)
    return sp(bn_train(agg, g_n, beta_n) + node_feats)

if __name__ == "__main__":
    import jax
    _d = setup_inputs()
    print(jax.jit(kernel)(*tuple(_d.values())))

</pallas_src>

<mosaic_0001>
#map = affine_map<(d0, d1) -> (0, 0)>
#map1 = affine_map<(d0, d1) -> (0, 0, 0)>
module attributes {stable_mosaic.version = 14 : i64} {
  func.func @gk(%arg0: i32, %arg1: i32, %arg2: memref<10000x128xi32, #tpu.memory_space<hbm>>, %arg3: memref<10000x128xi32, #tpu.memory_space<hbm>>, %arg4: memref<32x250x40xi32, #tpu.memory_space<hbm>>, %arg5: memref<32x250x40xi32, #tpu.memory_space<hbm>>, %arg6: memref<320000x128xi32, #tpu.memory_space<hbm>>, %arg7: memref<320000x128xi32, #tpu.memory_space<hbm>>, %arg8: memref<250x40xi32, #tpu.memory_space<vmem>>, %arg9: memref<250x40xi32, #tpu.memory_space<vmem>>, %arg10: memref<5x40x128xi32, #tpu.memory_space<vmem>>, %arg11: memref<5x40x128xi32, #tpu.memory_space<vmem>>, %arg12: memref<!tpu.dma_semaphore, #tpu.memory_space<semaphore_mem>>, %arg13: memref<!tpu.dma_semaphore, #tpu.memory_space<semaphore_mem>>, %arg14: memref<!tpu.dma_semaphore, #tpu.memory_space<semaphore_mem>>, %arg15: memref<!tpu.dma_semaphore, #tpu.memory_space<semaphore_mem>>, %arg16: memref<!tpu.dma_semaphore, #tpu.memory_space<semaphore_mem>>, %arg17: memref<!tpu.dma_semaphore, #tpu.memory_space<semaphore_mem>>, %arg18: memref<!tpu.dma_semaphore, #tpu.memory_space<semaphore_mem>>, %arg19: memref<!tpu.dma_semaphore, #tpu.memory_space<semaphore_mem>>, %arg20: memref<!tpu.dma_semaphore, #tpu.memory_space<semaphore_mem>>, %arg21: memref<!tpu.dma_semaphore, #tpu.memory_space<semaphore_mem>>) attributes {dimension_semantics = [#tpu.dimension_semantics<core_parallel>, #tpu.dimension_semantics<subcore_parallel>], iteration_bounds = array<i64: 2, 16>, scalar_prefetch = 0 : i64, scratch_operands = 14 : i64, tpu.core_type = #tpu.core_type<sc_vector_subcore>, window_params = [{transform_indices = #map}, {transform_indices = #map}, {transform_indices = #map1}, {transform_indices = #map1}, {transform_indices = #map}, {transform_indices = #map}]} {
    %mul3A = arith.constant 2 : i32
    %mul3A_0 = arith.muli %arg1, %mul3A : i32
    %add3A = arith.addi %mul3A_0, %arg0 : i32
    %mul3A_1 = arith.constant 10000 : i32
    %mul3A_2 = arith.muli %add3A, %mul3A_1 : i32
    "tpu.region"() ({
      %run_scoped3A = tpu.sem_alloc : memref<!tpu.dma_semaphore, #tpu.memory_space<semaphore_mem>>
      %dma_start3A = arith.constant 0 : i32
      %dma_start3A_147 = arith.constant 0 : i32
      %dma_start3A_148 = tpu.memref_slice %arg4[%add3A, %dma_start3A, %dma_start3A_147] : memref<32x250x40xi32, #tpu.memory_space<hbm>> -> memref<1x250x40xi32, #tpu.memory_space<hbm>>
      %dma_start3A_149 = tpu.memref_squeeze %dma_start3A_148 : memref<1x250x40xi32, #tpu.memory_space<hbm>> -> memref<250x40xi32, #tpu.memory_space<hbm>>
      %dma_start3A_150 = arith.constant 0 : i32
      %dma_start3A_151 = arith.constant 0 : i32
      %dma_start3A_152 = tpu.memref_slice %arg4[%add3A, %dma_start3A_150, %dma_start3A_151] : memref<32x250x40xi32, #tpu.memory_space<hbm>> -> memref<1x250x40xi32, #tpu.memory_space<hbm>>
      %dma_start3A_153 = tpu.memref_squeeze %dma_start3A_152 : memref<1x250x40xi32, #tpu.memory_space<hbm>> -> memref<250x40xi32, #tpu.memory_space<hbm>>
      tpu.enqueue_dma source(%dma_start3A_153 : memref<250x40xi32, #tpu.memory_space<hbm>>) target(%arg8 : memref<250x40xi32, #tpu.memory_space<vmem>>) target_semaphore(%run_scoped3A : memref<!tpu.dma_semaphore, #tpu.memory_space<semaphore_mem>>)
      %dma_wait3A_154 = arith.constant 0 : i32
      %dma_wait3A_155 = arith.constant 0 : i32
      %dma_wait3A_156 = tpu.memref_slice %arg4[%add3A, %dma_wait3A_154, %dma_wait3A_155] : memref<32x250x40xi32, #tpu.memory_space<hbm>> -> memref<1x250x40xi32, #tpu.memory_space<hbm>>
      %dma_wait3A_157 = tpu.memref_squeeze %dma_wait3A_156 : memref<1x250x40xi32, #tpu.memory_space<hbm>> -> memref<250x40xi32, #tpu.memory_space<hbm>>
      %dma_wait3A_158 = arith.constant 0 : i32
      %dma_wait3A_159 = arith.constant 0 : i32
      %dma_wait3A_160 = tpu.memref_slice %arg4[%add3A, %dma_wait3A_158, %dma_wait3A_159] : memref<32x250x40xi32, #tpu.memory_space<hbm>> -> memref<1x250x40xi32, #tpu.memory_space<hbm>>
      %dma_wait3A_161 = tpu.memref_squeeze %dma_wait3A_160 : memref<1x250x40xi32, #tpu.memory_space<hbm>> -> memref<250x40xi32, #tpu.memory_space<hbm>>
      tpu.wait_dma2 semaphore(%run_scoped3A : memref<!tpu.dma_semaphore, #tpu.memory_space<semaphore_mem>>) src(%dma_wait3A_161 : memref<250x40xi32, #tpu.memory_space<hbm>>) dst(%arg8 : memref<250x40xi32, #tpu.memory_space<vmem>>)
      tpu.yield
    }) : () -> ()
    "tpu.region"() ({
      %run_scoped3A = tpu.sem_alloc : memref<!tpu.dma_semaphore, #tpu.memory_space<semaphore_mem>>
      %dma_start3A = arith.constant 0 : i32
      %dma_start3A_147 = arith.constant 0 : i32
      %dma_start3A_148 = tpu.memref_slice %arg5[%add3A, %dma_start3A, %dma_start3A_147] : memref<32x250x40xi32, #tpu.memory_space<hbm>> -> memref<1x250x40xi32, #tpu.memory_space<hbm>>
      %dma_start3A_149 = tpu.memref_squeeze %dma_start3A_148 : memref<1x250x40xi32, #tpu.memory_space<hbm>> -> memref<250x40xi32, #tpu.memory_space<hbm>>
      %dma_start3A_150 = arith.constant 0 : i32
      %dma_start3A_151 = arith.constant 0 : i32
      %dma_start3A_152 = tpu.memref_slice %arg5[%add3A, %dma_start3A_150, %dma_start3A_151] : memref<32x250x40xi32, #tpu.memory_space<hbm>> -> memref<1x250x40xi32, #tpu.memory_space<hbm>>
      %dma_start3A_153 = tpu.memref_squeeze %dma_start3A_152 : memref<1x250x40xi32, #tpu.memory_space<hbm>> -> memref<250x40xi32, #tpu.memory_space<hbm>>
      tpu.enqueue_dma source(%dma_start3A_153 : memref<250x40xi32, #tpu.memory_space<hbm>>) target(%arg9 : memref<250x40xi32, #tpu.memory_space<vmem>>) target_semaphore(%run_scoped3A : memref<!tpu.dma_semaphore, #tpu.memory_space<semaphore_mem>>)
      %dma_wait3A_154 = arith.constant 0 : i32
      %dma_wait3A_155 = arith.constant 0 : i32
      %dma_wait3A_156 = tpu.memref_slice %arg5[%add3A, %dma_wait3A_154, %dma_wait3A_155] : memref<32x250x40xi32, #tpu.memory_space<hbm>> -> memref<1x250x40xi32, #tpu.memory_space<hbm>>
      %dma_wait3A_157 = tpu.memref_squeeze %dma_wait3A_156 : memref<1x250x40xi32, #tpu.memory_space<hbm>> -> memref<250x40xi32, #tpu.memory_space<hbm>>
      %dma_wait3A_158 = arith.constant 0 : i32
      %dma_wait3A_159 = arith.constant 0 : i32
      %dma_wait3A_160 = tpu.memref_slice %arg5[%add3A, %dma_wait3A_158, %dma_wait3A_159] : memref<32x250x40xi32, #tpu.memory_space<hbm>> -> memref<1x250x40xi32, #tpu.memory_space<hbm>>
      %dma_wait3A_161 = tpu.memref_squeeze %dma_wait3A_160 : memref<1x250x40xi32, #tpu.memory_space<hbm>> -> memref<250x40xi32, #tpu.memory_space<hbm>>
      tpu.wait_dma2 semaphore(%run_scoped3A : memref<!tpu.dma_semaphore, #tpu.memory_space<semaphore_mem>>) src(%dma_wait3A_161 : memref<250x40xi32, #tpu.memory_space<hbm>>) dst(%arg9 : memref<250x40xi32, #tpu.memory_space<vmem>>)
      tpu.yield
    }) : () -> ()
    %scan3A = arith.constant 0 : i32
    %scan3A_3 = arith.constant 0 : i32
    %scan3A_4 = arith.constant 50 : i32
    %scan3A_5 = arith.addi %scan3A_3, %scan3A_4 : i32
    %scan3A_6 = arith.constant 1 : i32
    scf.for %scan3A_147 = %scan3A_3 to %scan3A_5 step %scan3A_6  : i32 {
      %mul3A_148 = arith.constant 5 : i32
      %mul3A_149 = arith.muli %scan3A_147, %mul3A_148 : i32
      %gt3A = arith.constant 0 : i32
      %gt3A_150 = arith.cmpi sgt, %scan3A_147, %gt3A : i32
      %convert_element_type3A = arith.extui %gt3A_150 : i1 to i32
      %cond3A = arith.constant 0 : i32
      %cond3A_151 = arith.cmpi ne, %convert_element_type3A, %cond3A : i32
      scf.if %cond3A_151 {
        %sub3A = arith.constant 5 : i32
        %sub3A_566 = arith.subi %mul3A_149, %sub3A : i32
        %add3A_567 = arith.constant 0 : i32
        %add3A_568 = arith.addi %sub3A_566, %add3A_567 : i32
        %mul3A_569 = arith.constant 40 : i32
        %mul3A_570 = arith.muli %add3A_568, %mul3A_569 : i32
        %add3A_571 = arith.addi %mul3A_2, %mul3A_570 : i32
        %dma_wait3A_572 = arith.constant 0 : i32
        %dma_wait3A_573 = arith.constant 0 : i32
        %dma_wait3A_574 = arith.constant 0 : i32
        %dma_wait3A_575 = tpu.memref_slice %arg10[%dma_wait3A_572, %dma_wait3A_573, %dma_wait3A_574] : memref<5x40x128xi32, #tpu.memory_space<vmem>> -> memref<1x40x128xi32, #tpu.memory_space<vmem>>
        %dma_wait3A_576 = tpu.memref_squeeze %dma_wait3A_575 : memref<1x40x128xi32, #tpu.memory_space<vmem>> -> memref<40x128xi32, #tpu.memory_space<vmem>>
        %dma_wait3A_577 = arith.constant 0 : i32
        %dma_wait3A_578 = tpu.memref_slice %arg6[%add3A_571, %dma_wait3A_577] : memref<320000x128xi32, #tpu.memory_space<hbm>> -> memref<40x128xi32, #tpu.memory_space<hbm>>
        %dma_wait3A_579 = arith.constant 0 : i32
        %dma_wait3A_580 = tpu.memref_slice %arg6[%add3A_571, %dma_wait3A_579] : memref<320000x128xi32, #tpu.memory_space<hbm>> -> memref<40x128xi32, #tpu.memory_space<hbm>>
        %dma_wait3A_581 = arith.constant 0 : i32
        %dma_wait3A_582 = arith.constant 0 : i32
        %dma_wait3A_583 = tpu.memref_slice %arg10[%dma_wait3A_572, %dma_wait3A_581, %dma_wait3A_582] : memref<5x40x128xi32, #tpu.memory_space<vmem>> -> memref<1x40x128xi32, #tpu.memory_space<vmem>>
        %dma_wait3A_584 = tpu.memref_squeeze %dma_wait3A_583 : memref<1x40x128xi32, #tpu.memory_space<vmem>> -> memref<40x128xi32, #tpu.memory_space<vmem>>
        tpu.wait_dma2 semaphore(%arg17 : memref<!tpu.dma_semaphore, #tpu.memory_space<semaphore_mem>>) src(%dma_wait3A_584 : memref<40x128xi32, #tpu.memory_space<vmem>>) dst(%dma_wait3A_580 : memref<40x128xi32, #tpu.memory_space<hbm>>)
        %dma_wait3A_585 = arith.constant 0 : i32
        %dma_wait3A_586 = arith.constant 0 : i32
        %dma_wait3A_587 = arith.constant 0 : i32
        %dma_wait3A_588 = tpu.memref_slice %arg11[%dma_wait3A_585, %dma_wait3A_586, %dma_wait3A_587] : memref<5x40x128xi32, #tpu.memory_space<vmem>> -> memref<1x40x128xi32, #tpu.memory_space<vmem>>
        %dma_wait3A_589 = tpu.memref_squeeze %dma_wait3A_588 : memref<1x40x128xi32, #tpu.memory_space<vmem>> -> memref<40x128xi32, #tpu.memory_space<vmem>>
        %dma_wait3A_590 = arith.constant 0 : i32
        %dma_wait3A_591 = tpu.memref_slice %arg7[%add3A_571, %dma_wait3A_590] : memref<320000x128xi32, #tpu.memory_space<hbm>> -> memref<40x128xi32, #tpu.memory_space<hbm>>
        %dma_wait3A_592 = arith.constant 0 : i32
        %dma_wait3A_593 = tpu.memref_slice %arg7[%add3A_571, %dma_wait3A_592] : memref<320000x128xi32, #tpu.memory_space<hbm>> -> memref<40x128xi32, #tpu.memory_space<hbm>>
        %dma_wait3A_594 = arith.constant 0 : i32
        %dma_wait3A_595 = arith.constant 0 : i32
        %dma_wait3A_596 = tpu.memref_slice %arg11[%dma_wait3A_585, %dma_wait3A_594, %dma_wait3A_595] : memref<5x40x128xi32, #tpu.memory_space<vmem>> -> memref<1x40x128xi32, #tpu.memory_space<vmem>>
        %dma_wait3A_597 = tpu.memref_squeeze %dma_wait3A_596 : memref<1x40x128xi32, #tpu.memory_space<vmem>> -> memref<40x128xi32, #tpu.memory_space<vmem>>
        tpu.wait_dma2 semaphore(%arg17 : memref<!tpu.dma_semaphore, #tpu.memory_space<semaphore_mem>>) src(%dma_wait3A_597 : memref<40x128xi32, #tpu.memory_space<vmem>>) dst(%dma_wait3A_593 : memref<40x128xi32, #tpu.memory_space<hbm>>)
      } else {
      }
      %add3A_152 = arith.constant 0 : i32
      %add3A_153 = arith.addi %mul3A_149, %add3A_152 : i32
      %dma_start3A = arith.constant 0 : i32
      %dma_start3A_154 = arith.constant 0 : i32
      %dma_start3A_155 = arith.constant 0 : i32
      %dma_start3A_156 = tpu.memref_slice %arg10[%dma_start3A, %dma_start3A_154, %dma_start3A_155] : memref<5x40x128xi32, #tpu.memory_space<vmem>> -> memref<1x40x128xi32, #tpu.memory_space<vmem>>
      %dma_start3A_157 = tpu.memref_squeeze %dma_start3A_156 : memref<1x40x128xi32, #tpu.memory_space<vmem>> -> memref<40x128xi32, #tpu.memory_space<vmem>>
      %dma_start3A_158 = arith.constant 0 : i32
      %dma_start3A_159 = tpu.memref_slice %arg8[%add3A_153, %dma_start3A_158] : memref<250x40xi32, #tpu.memory_space<vmem>> -> memref<1x40xi32, #tpu.memory_space<vmem>>
      %dma_start3A_160 = tpu.memref_squeeze %dma_start3A_159 : memref<1x40xi32, #tpu.memory_space<vmem>> -> memref<40xi32, #tpu.memory_space<vmem>>
      %dma_start3A_161 = arith.constant 0 : i32
      %dma_start3A_162 = arith.constant 0 : i32
      %dma_start3A_163 = tpu.memref_slice %arg2[%dma_start3A_161, %dma_start3A_162] : memref<10000x128xi32, #tpu.memory_space<hbm>> -> memref<10000x128xi32, #tpu.memory_space<hbm>>
      tpu.enqueue_indirect_dma source(%dma_start3A_163 : memref<10000x128xi32, #tpu.memory_space<hbm>>) target(%dma_start3A_157 : memref<40x128xi32, #tpu.memory_space<vmem>>) offsets(%dma_start3A_160 : memref<40xi32, #tpu.memory_space<vmem>>) semaphore(%arg12 : memref<!tpu.dma_semaphore, #tpu.memory_space<semaphore_mem>>)
      %dma_start3A_164 = arith.constant 0 : i32
      %dma_start3A_165 = arith.constant 0 : i32
      %dma_start3A_166 = arith.constant 0 : i32
      %dma_start3A_167 = tpu.memref_slice %arg11[%dma_start3A_164, %dma_start3A_165, %dma_start3A_166] : memref<5x40x128xi32, #tpu.memory_space<vmem>> -> memref<1x40x128xi32, #tpu.memory_space<vmem>>
      %dma_start3A_168 = tpu.memref_squeeze %dma_start3A_167 : memref<1x40x128xi32, #tpu.memory_space<vmem>> -> memref<40x128xi32, #tpu.memory_space<vmem>>
      %dma_start3A_169 = arith.constant 0 : i32
      %dma_start3A_170 = tpu.memref_slice %arg9[%add3A_153, %dma_start3A_169] : memref<250x40xi32, #tpu.memory_space<vmem>> -> memref<1x40xi32, #tpu.memory_space<vmem>>
      %dma_start3A_171 = tpu.memref_squeeze %dma_start3A_170 : memref<1x40xi32, #tpu.memory_space<vmem>> -> memref<40xi32, #tpu.memory_space<vmem>>
      %dma_start3A_172 = arith.constant 0 : i32
      %dma_start3A_173 = arith.constant 0 : i32
      %dma_start3A_174 = tpu.memref_slice %arg3[%dma_start3A_172, %dma_start3A_173] : memref<10000x128xi32, #tpu.memory_space<hbm>> -> memref<10000x128xi32, #tpu.memory_space<hbm>>
      tpu.enqueue_indirect_dma source(%dma_start3A_174 : memref<10000x128xi32, #tpu.memory_space<hbm>>) target(%dma_start3A_168 : memref<40x128xi32, #tpu.memory_space<vmem>>) offsets(%dma_start3A_171 : memref<40xi32, #tpu.memory_space<vmem>>) semaphore(%arg12 : memref<!tpu.dma_semaphore, #tpu.memory_space<semaphore_mem>>)
      %gt3A_175 = arith.constant 0 : i32
      %gt3A_176 = arith.cmpi sgt, %scan3A_147, %gt3A_175 : i32
      %convert_element_type3A_177 = arith.extui %gt3A_176 : i1 to i32
      %cond3A_178 = arith.constant 0 : i32
      %cond3A_179 = arith.cmpi ne, %convert_element_type3A_177, %cond3A_178 : i32
      scf.if %cond3A_179 {
        %sub3A = arith.constant 5 : i32
        %sub3A_566 = arith.subi %mul3A_149, %sub3A : i32
        %add3A_567 = arith.constant 1 : i32
        %add3A_568 = arith.addi %sub3A_566, %add3A_567 : i32
        %mul3A_569 = arith.constant 40 : i32
        %mul3A_570 = arith.muli %add3A_568, %mul3A_569 : i32
        %add3A_571 = arith.addi %mul3A_2, %mul3A_570 : i32
        %dma_wait3A_572 = arith.constant 1 : i32
        %dma_wait3A_573 = arith.constant 0 : i32
        %dma_wait3A_574 = arith.constant 0 : i32
        %dma_wait3A_575 = tpu.memref_slice %arg10[%dma_wait3A_572, %dma_wait3A_573, %dma_wait3A_574] : memref<5x40x128xi32, #tpu.memory_space<vmem>> -> memref<1x40x128xi32, #tpu.memory_space<vmem>>
        %dma_wait3A_576 = tpu.memref_squeeze %dma_wait3A_575 : memref<1x40x128xi32, #tpu.memory_space<vmem>> -> memref<40x128xi32, #tpu.memory_space<vmem>>
        %dma_wait3A_577 = arith.constant 0 : i32
        %dma_wait3A_578 = tpu.memref_slice %arg6[%add3A_571, %dma_wait3A_577] : memref<320000x128xi32, #tpu.memory_space<hbm>> -> memref<40x128xi32, #tpu.memory_space<hbm>>
        %dma_wait3A_579 = arith.constant 0 : i32
        %dma_wait3A_580 = tpu.memref_slice %arg6[%add3A_571, %dma_wait3A_579] : memref<320000x128xi32, #tpu.memory_space<hbm>> -> memref<40x128xi32, #tpu.memory_space<hbm>>
        %dma_wait3A_581 = arith.constant 0 : i32
        %dma_wait3A_582 = arith.constant 0 : i32
        %dma_wait3A_583 = tpu.memref_slice %arg10[%dma_wait3A_572, %dma_wait3A_581, %dma_wait3A_582] : memref<5x40x128xi32, #tpu.memory_space<vmem>> -> memref<1x40x128xi32, #tpu.memory_space<vmem>>
        %dma_wait3A_584 = tpu.memref_squeeze %dma_wait3A_583 : memref<1x40x128xi32, #tpu.memory_space<vmem>> -> memref<40x128xi32, #tpu.memory_space<vmem>>
        tpu.wait_dma2 semaphore(%arg18 : memref<!tpu.dma_semaphore, #tpu.memory_space<semaphore_mem>>) src(%dma_wait3A_584 : memref<40x128xi32, #tpu.memory_space<vmem>>) dst(%dma_wait3A_580 : memref<40x128xi32, #tpu.memory_space<hbm>>)
        %dma_wait3A_585 = arith.constant 1 : i32
        %dma_wait3A_586 = arith.constant 0 : i32
        %dma_wait3A_587 = arith.constant 0 : i32
        %dma_wait3A_588 = tpu.memref_slice %arg11[%dma_wait3A_585, %dma_wait3A_586, %dma_wait3A_587] : memref<5x40x128xi32, #tpu.memory_space<vmem>> -> memref<1x40x128xi32, #tpu.memory_space<vmem>>
        %dma_wait3A_589 = tpu.memref_squeeze %dma_wait3A_588 : memref<1x40x128xi32, #tpu.memory_space<vmem>> -> memref<40x128xi32, #tpu.memory_space<vmem>>
        %dma_wait3A_590 = arith.constant 0 : i32
        %dma_wait3A_591 = tpu.memref_slice %arg7[%add3A_571, %dma_wait3A_590] : memref<320000x128xi32, #tpu.memory_space<hbm>> -> memref<40x128xi32, #tpu.memory_space<hbm>>
        %dma_wait3A_592 = arith.constant 0 : i32
        %dma_wait3A_593 = tpu.memref_slice %arg7[%add3A_571, %dma_wait3A_592] : memref<320000x128xi32, #tpu.memory_space<hbm>> -> memref<40x128xi32, #tpu.memory_space<hbm>>
        %dma_wait3A_594 = arith.constant 0 : i32
        %dma_wait3A_595 = arith.constant 0 : i32
        %dma_wait3A_596 = tpu.memref_slice %arg11[%dma_wait3A_585, %dma_wait3A_594, %dma_wait3A_595] : memref<5x40x128xi32, #tpu.memory_space<vmem>> -> memref<1x40x128xi32, #tpu.memory_space<vmem>>
        %dma_wait3A_597 = tpu.memref_squeeze %dma_wait3A_596 : memref<1x40x128xi32, #tpu.memory_space<vmem>> -> memref<40x128xi32, #tpu.memory_space<vmem>>
        tpu.wait_dma2 semaphore(%arg18 : memref<!tpu.dma_semaphore, #tpu.memory_space<semaphore_mem>>) src(%dma_wait3A_597 : memref<40x128xi32, #tpu.memory_space<vmem>>) dst(%dma_wait3A_593 : memref<40x128xi32, #tpu.memory_space<hbm>>)
      } else {
      }
      %add3A_180 = arith.constant 1 : i32
      %add3A_181 = arith.addi %mul3A_149, %add3A_180 : i32
      %dma_start3A_182 = arith.constant 1 : i32
      %dma_start3A_183 = arith.constant 0 : i32
      %dma_start3A_184 = arith.constant 0 : i32
      %dma_start3A_185 = tpu.memref_slice %arg10[%dma_start3A_182, %dma_start3A_183, %dma_start3A_184] : memref<5x40x128xi32, #tpu.memory_space<vmem>> -> memref<1x40x128xi32, #tpu.memory_space<vmem>>
      %dma_start3A_186 = tpu.memref_squeeze %dma_start3A_185 : memref<1x40x128xi32, #tpu.memory_space<vmem>> -> memref<40x128xi32, #tpu.memory_space<vmem>>
      %dma_start3A_187 = arith.constant 0 : i32
      %dma_start3A_188 = tpu.memref_slice %arg8[%add3A_181, %dma_start3A_187] : memref<250x40xi32, #tpu.memory_space<vmem>> -> memref<1x40xi32, #tpu.memory_space<vmem>>
      %dma_start3A_189 = tpu.memref_squeeze %dma_start3A_188 : memref<1x40xi32, #tpu.memory_space<vmem>> -> memref<40xi32, #tpu.memory_space<vmem>>
      %dma_start3A_190 = arith.constant 0 : i32
      %dma_start3A_191 = arith.constant 0 : i32
      %dma_start3A_192 = tpu.memref_slice %arg2[%dma_start3A_190, %dma_start3A_191] : memref<10000x128xi32, #tpu.memory_space<hbm>> -> memref<10000x128xi32, #tpu.memory_space<hbm>>
      tpu.enqueue_indirect_dma source(%dma_start3A_192 : memref<10000x128xi32, #tpu.memory_space<hbm>>) target(%dma_start3A_186 : memref<40x128xi32, #tpu.memory_space<vmem>>) offsets(%dma_start3A_189 : memref<40xi32, #tpu.memory_space<vmem>>) semaphore(%arg13 : memref<!tpu.dma_semaphore, #tpu.memory_space<semaphore_mem>>)
      %dma_start3A_193 = arith.constant 1 : i32
      %dma_start3A_194 = arith.constant 0 : i32
      %dma_start3A_195 = arith.constant 0 : i32
      %dma_start3A_196 = tpu.memref_slice %arg11[%dma_start3A_193, %dma_start3A_194, %dma_start3A_195] : memref<5x40x128xi32, #tpu.memory_space<vmem>> -> memref<1x40x128xi32, #tpu.memory_space<vmem>>
      %dma_start3A_197 = tpu.memref_squeeze %dma_start3A_196 : memref<1x40x128xi32, #tpu.memory_space<vmem>> -> memref<40x128xi32, #tpu.memory_space<vmem>>
      %dma_start3A_198 = arith.constant 0 : i32
      %dma_start3A_199 = tpu.memref_slice %arg9[%add3A_181, %dma_start3A_198] : memref<250x40xi32, #tpu.memory_space<vmem>> -> memref<1x40xi32, #tpu.memory_space<vmem>>
      %dma_start3A_200 = tpu.memref_squeeze %dma_start3A_199 : memref<1x40xi32, #tpu.memory_space<vmem>> -> memref<40xi32, #tpu.memory_space<vmem>>
      %dma_start3A_201 = arith.constant 0 : i32
      %dma_start3A_202 = arith.constant 0 : i32
      %dma_start3A_203 = tpu.memref_slice %arg3[%dma_start3A_201, %dma_start3A_202] : memref<10000x128xi32, #tpu.memory_space<hbm>> -> memref<10000x128xi32, #tpu.memory_space<hbm>>
      tpu.enqueue_indirect_dma source(%dma_start3A_203 : memref<10000x128xi32, #tpu.memory_space<hbm>>) target(%dma_start3A_197 : memref<40x128xi32, #tpu.memory_space<vmem>>) offsets(%dma_start3A_200 : memref<40xi32, #tpu.memory_space<vmem>>) semaphore(%arg13 : memref<!tpu.dma_semaphore, #tpu.memory_space<semaphore_mem>>)
      %gt3A_204 = arith.constant 0 : i32
      %gt3A_205 = arith.cmpi sgt, %scan3A_147, %gt3A_204 : i32
      %convert_element_type3A_206 = arith.extui %gt3A_205 : i1 to i32
      %cond3A_207 = arith.constant 0 : i32
      %cond3A_208 = arith.cmpi ne, %convert_element_type3A_206, %cond3A_207 : i32
      scf.if %cond3A_208 {
        %sub3A = arith.constant 5 : i32
        %sub3A_566 = arith.subi %mul3A_149, %sub3A : i32
        %add3A_567 = arith.constant 2 : i32
        %add3A_568 = arith.addi %sub3A_566, %add3A_567 : i32
        %mul3A_569 = arith.constant 40 : i32
        %mul3A_570 = arith.muli %add3A_568, %mul3A_569 : i32
        %add3A_571 = arith.addi %mul3A_2, %mul3A_570 : i32
        %dma_wait3A_572 = arith.constant 2 : i32
        %dma_wait3A_573 = arith.constant 0 : i32
        %dma_wait3A_574 = arith.constant 0 : i32
        %dma_wait3A_575 = tpu.memref_slice %arg10[%dma_wait3A_572, %dma_wait3A_573, %dma_wait3A_574] : memref<5x40x128xi32, #tpu.memory_space<vmem>> -> memref<1x40x128xi32, #tpu.memory_space<vmem>>
        %dma_wait3A_576 = tpu.memref_squeeze %dma_wait3A_575 : memref<1x40x128xi32, #tpu.memory_space<vmem>> -> memref<40x128xi32, #tpu.memory_space<vmem>>
        %dma_wait3A_577 = arith.constant 0 : i32
        %dma_wait3A_578 = tpu.memref_slice %arg6[%add3A_571, %dma_wait3A_577] : memref<320000x128xi32, #tpu.memory_space<hbm>> -> memref<40x128xi32, #tpu.memory_space<hbm>>
        %dma_wait3A_579 = arith.constant 0 : i32
        %dma_wait3A_580 = tpu.memref_slice %arg6[%add3A_571, %dma_wait3A_579] : memref<320000x128xi32, #tpu.memory_space<hbm>> -> memref<40x128xi32, #tpu.memory_space<hbm>>
        %dma_wait3A_581 = arith.constant 0 : i32
        %dma_wait3A_582 = arith.constant 0 : i32
        %dma_wait3A_583 = tpu.memref_slice %arg10[%dma_wait3A_572, %dma_wait3A_581, %dma_wait3A_582] : memref<5x40x128xi32, #tpu.memory_space<vmem>> -> memref<1x40x128xi32, #tpu.memory_space<vmem>>
        %dma_wait3A_584 = tpu.memref_squeeze %dma_wait3A_583 : memref<1x40x128xi32, #tpu.memory_space<vmem>> -> memref<40x128xi32, #tpu.memory_space<vmem>>
        tpu.wait_dma2 semaphore(%arg19 : memref<!tpu.dma_semaphore, #tpu.memory_space<semaphore_mem>>) src(%dma_wait3A_584 : memref<40x128xi32, #tpu.memory_space<vmem>>) dst(%dma_wait3A_580 : memref<40x128xi32, #tpu.memory_space<hbm>>)
        %dma_wait3A_585 = arith.constant 2 : i32
        %dma_wait3A_586 = arith.constant 0 : i32
        %dma_wait3A_587 = arith.constant 0 : i32
        %dma_wait3A_588 = tpu.memref_slice %arg11[%dma_wait3A_585, %dma_wait3A_586, %dma_wait3A_587] : memref<5x40x128xi32, #tpu.memory_space<vmem>> -> memref<1x40x128xi32, #tpu.memory_space<vmem>>
        %dma_wait3A_589 = tpu.memref_squeeze %dma_wait3A_588 : memref<1x40x128xi32, #tpu.memory_space<vmem>> -> memref<40x128xi32, #tpu.memory_space<vmem>>
        %dma_wait3A_590 = arith.constant 0 : i32
        %dma_wait3A_591 = tpu.memref_slice %arg7[%add3A_571, %dma_wait3A_590] : memref<320000x128xi32, #tpu.memory_space<hbm>> -> memref<40x128xi32, #tpu.memory_space<hbm>>
        %dma_wait3A_592 = arith.constant 0 : i32
        %dma_wait3A_593 = tpu.memref_slice %arg7[%add3A_571, %dma_wait3A_592] : memref<320000x128xi32, #tpu.memory_space<hbm>> -> memref<40x128xi32, #tpu.memory_space<hbm>>
        %dma_wait3A_594 = arith.constant 0 : i32
        %dma_wait3A_595 = arith.constant 0 : i32
        %dma_wait3A_596 = tpu.memref_slice %arg11[%dma_wait3A_585, %dma_wait3A_594, %dma_wait3A_595] : memref<5x40x128xi32, #tpu.memory_space<vmem>> -> memref<1x40x128xi32, #tpu.memory_space<vmem>>
        %dma_wait3A_597 = tpu.memref_squeeze %dma_wait3A_596 : memref<1x40x128xi32, #tpu.memory_space<vmem>> -> memref<40x128xi32, #tpu.memory_space<vmem>>
        tpu.wait_dma2 semaphore(%arg19 : memref<!tpu.dma_semaphore, #tpu.memory_space<semaphore_mem>>) src(%dma_wait3A_597 : memref<40x128xi32, #tpu.memory_space<vmem>>) dst(%dma_wait3A_593 : memref<40x128xi32, #tpu.memory_space<hbm>>)
      } else {
      }
      %add3A_209 = arith.constant 2 : i32
      %add3A_210 = arith.addi %mul3A_149, %add3A_209 : i32
      %dma_start3A_211 = arith.constant 2 : i32
      %dma_start3A_212 = arith.constant 0 : i32
      %dma_start3A_213 = arith.constant 0 : i32
      %dma_start3A_214 = tpu.memref_slice %arg10[%dma_start3A_211, %dma_start3A_212, %dma_start3A_213] : memref<5x40x128xi32, #tpu.memory_space<vmem>> -> memref<1x40x128xi32, #tpu.memory_space<vmem>>
      %dma_start3A_215 = tpu.memref_squeeze %dma_start3A_214 : memref<1x40x128xi32, #tpu.memory_space<vmem>> -> memref<40x128xi32, #tpu.memory_space<vmem>>
      %dma_start3A_216 = arith.constant 0 : i32
      %dma_start3A_217 = tpu.memref_slice %arg8[%add3A_210, %dma_start3A_216] : memref<250x40xi32, #tpu.memory_space<vmem>> -> memref<1x40xi32, #tpu.memory_space<vmem>>
      %dma_start3A_218 = tpu.memref_squeeze %dma_start3A_217 : memref<1x40xi32, #tpu.memory_space<vmem>> -> memref<40xi32, #tpu.memory_space<vmem>>
      %dma_start3A_219 = arith.constant 0 : i32
      %dma_start3A_220 = arith.constant 0 : i32
      %dma_start3A_221 = tpu.memref_slice %arg2[%dma_start3A_219, %dma_start3A_220] : memref<10000x128xi32, #tpu.memory_space<hbm>> -> memref<10000x128xi32, #tpu.memory_space<hbm>>
      tpu.enqueue_indirect_dma source(%dma_start3A_221 : memref<10000x128xi32, #tpu.memory_space<hbm>>) target(%dma_start3A_215 : memref<40x128xi32, #tpu.memory_space<vmem>>) offsets(%dma_start3A_218 : memref<40xi32, #tpu.memory_space<vmem>>) semaphore(%arg14 : memref<!tpu.dma_semaphore, #tpu.memory_space<semaphore_mem>>)
      %dma_start3A_222 = arith.constant 2 : i32
      %dma_start3A_223 = arith.constant 0 : i32
      %dma_start3A_224 = arith.constant 0 : i32
      %dma_start3A_225 = tpu.memref_slice %arg11[%dma_start3A_222, %dma_start3A_223, %dma_start3A_224] : memref<5x40x128xi32, #tpu.memory_space<vmem>> -> memref<1x40x128xi32, #tpu.memory_space<vmem>>
      %dma_start3A_226 = tpu.memref_squeeze %dma_start3A_225 : memref<1x40x128xi32, #tpu.memory_space<vmem>> -> memref<40x128xi32, #tpu.memory_space<vmem>>
      %dma_start3A_227 = arith.constant 0 : i32
      %dma_start3A_228 = tpu.memref_slice %arg9[%add3A_210, %dma_start3A_227] : memref<250x40xi32, #tpu.memory_space<vmem>> -> memref<1x40xi32, #tpu.memory_space<vmem>>
      %dma_start3A_229 = tpu.memref_squeeze %dma_start3A_228 : memref<1x40xi32, #tpu.memory_space<vmem>> -> memref<40xi32, #tpu.memory_space<vmem>>
      %dma_start3A_230 = arith.constant 0 : i32
      %dma_start3A_231 = arith.constant 0 : i32
      %dma_start3A_232 = tpu.memref_slice %arg3[%dma_start3A_230, %dma_start3A_231] : memref<10000x128xi32, #tpu.memory_space<hbm>> -> memref<10000x128xi32, #tpu.memory_space<hbm>>
      tpu.enqueue_indirect_dma source(%dma_start3A_232 : memref<10000x128xi32, #tpu.memory_space<hbm>>) target(%dma_start3A_226 : memref<40x128xi32, #tpu.memory_space<vmem>>) offsets(%dma_start3A_229 : memref<40xi32, #tpu.memory_space<vmem>>) semaphore(%arg14 : memref<!tpu.dma_semaphore, #tpu.memory_space<semaphore_mem>>)
      %gt3A_233 = arith.constant 0 : i32
      %gt3A_234 = arith.cmpi sgt, %scan3A_147, %gt3A_233 : i32
      %convert_element_type3A_235 = arith.extui %gt3A_234 : i1 to i32
      %cond3A_236 = arith.constant 0 : i32
      %cond3A_237 = arith.cmpi ne, %convert_element_type3A_235, %cond3A_236 : i32
      scf.if %cond3A_237 {
        %sub3A = arith.constant 5 : i32
        %sub3A_566 = arith.subi %mul3A_149, %sub3A : i32
        %add3A_567 = arith.constant 3 : i32
        %add3A_568 = arith.addi %sub3A_566, %add3A_567 : i32
        %mul3A_569 = arith.constant 40 : i32
        %mul3A_570 = arith.muli %add3A_568, %mul3A_569 : i32
        %add3A_571 = arith.addi %mul3A_2, %mul3A_570 : i32
        %dma_wait3A_572 = arith.constant 3 : i32
        %dma_wait3A_573 = arith.constant 0 : i32
        %dma_wait3A_574 = arith.constant 0 : i32
        %dma_wait3A_575 = tpu.memref_slice %arg10[%dma_wait3A_572, %dma_wait3A_573, %dma_wait3A_574] : memref<5x40x128xi32, #tpu.memory_space<vmem>> -> memref<1x40x128xi32, #tpu.memory_space<vmem>>
        %dma_wait3A_576 = tpu.memref_squeeze %dma_wait3A_575 : memref<1x40x128xi32, #tpu.memory_space<vmem>> -> memref<40x128xi32, #tpu.memory_space<vmem>>
        %dma_wait3A_577 = arith.constant 0 : i32
        %dma_wait3A_578 = tpu.memref_slice %arg6[%add3A_571, %dma_wait3A_577] : memref<320000x128xi32, #tpu.memory_space<hbm>> -> memref<40x128xi32, #tpu.memory_space<hbm>>
        %dma_wait3A_579 = arith.constant 0 : i32
        %dma_wait3A_580 = tpu.memref_slice %arg6[%add3A_571, %dma_wait3A_579] : memref<320000x128xi32, #tpu.memory_space<hbm>> -> memref<40x128xi32, #tpu.memory_space<hbm>>
        %dma_wait3A_581 = arith.constant 0 : i32
        %dma_wait3A_582 = arith.constant 0 : i32
        %dma_wait3A_583 = tpu.memref_slice %arg10[%dma_wait3A_572, %dma_wait3A_581, %dma_wait3A_582] : memref<5x40x128xi32, #tpu.memory_space<vmem>> -> memref<1x40x128xi32, #tpu.memory_space<vmem>>
        %dma_wait3A_584 = tpu.memref_squeeze %dma_wait3A_583 : memref<1x40x128xi32, #tpu.memory_space<vmem>> -> memref<40x128xi32, #tpu.memory_space<vmem>>
        tpu.wait_dma2 semaphore(%arg20 : memref<!tpu.dma_semaphore, #tpu.memory_space<semaphore_mem>>) src(%dma_wait3A_584 : memref<40x128xi32, #tpu.memory_space<vmem>>) dst(%dma_wait3A_580 : memref<40x128xi32, #tpu.memory_space<hbm>>)
        %dma_wait3A_585 = arith.constant 3 : i32
        %dma_wait3A_586 = arith.constant 0 : i32
        %dma_wait3A_587 = arith.constant 0 : i32
        %dma_wait3A_588 = tpu.memref_slice %arg11[%dma_wait3A_585, %dma_wait3A_586, %dma_wait3A_587] : memref<5x40x128xi32, #tpu.memory_space<vmem>> -> memref<1x40x128xi32, #tpu.memory_space<vmem>>
        %dma_wait3A_589 = tpu.memref_squeeze %dma_wait3A_588 : memref<1x40x128xi32, #tpu.memory_space<vmem>> -> memref<40x128xi32, #tpu.memory_space<vmem>>
        %dma_wait3A_590 = arith.constant 0 : i32
        %dma_wait3A_591 = tpu.memref_slice %arg7[%add3A_571, %dma_wait3A_590] : memref<320000x128xi32, #tpu.memory_space<hbm>> -> memref<40x128xi32, #tpu.memory_space<hbm>>
        %dma_wait3A_592 = arith.constant 0 : i32
        %dma_wait3A_593 = tpu.memref_slice %arg7[%add3A_571, %dma_wait3A_592] : memref<320000x128xi32, #tpu.memory_space<hbm>> -> memref<40x128xi32, #tpu.memory_space<hbm>>
        %dma_wait3A_594 = arith.constant 0 : i32
        %dma_wait3A_595 = arith.constant 0 : i32
        %dma_wait3A_596 = tpu.memref_slice %arg11[%dma_wait3A_585, %dma_wait3A_594, %dma_wait3A_595] : memref<5x40x128xi32, #tpu.memory_space<vmem>> -> memref<1x40x128xi32, #tpu.memory_space<vmem>>
        %dma_wait3A_597 = tpu.memref_squeeze %dma_wait3A_596 : memref<1x40x128xi32, #tpu.memory_space<vmem>> -> memref<40x128xi32, #tpu.memory_space<vmem>>
        tpu.wait_dma2 semaphore(%arg20 : memref<!tpu.dma_semaphore, #tpu.memory_space<semaphore_mem>>) src(%dma_wait3A_597 : memref<40x128xi32, #tpu.memory_space<vmem>>) dst(%dma_wait3A_593 : memref<40x128xi32, #tpu.memory_space<hbm>>)
      } else {
      }
      %add3A_238 = arith.constant 3 : i32
      %add3A_239 = arith.addi %mul3A_149, %add3A_238 : i32
      %dma_start3A_240 = arith.constant 3 : i32
      %dma_start3A_241 = arith.constant 0 : i32
      %dma_start3A_242 = arith.constant 0 : i32
      %dma_start3A_243 = tpu.memref_slice %arg10[%dma_start3A_240, %dma_start3A_241, %dma_start3A_242] : memref<5x40x128xi32, #tpu.memory_space<vmem>> -> memref<1x40x128xi32, #tpu.memory_space<vmem>>
      %dma_start3A_244 = tpu.memref_squeeze %dma_start3A_243 : memref<1x40x128xi32, #tpu.memory_space<vmem>> -> memref<40x128xi32, #tpu.memory_space<vmem>>
      %dma_start3A_245 = arith.constant 0 : i32
      %dma_start3A_246 = tpu.memref_slice %arg8[%add3A_239, %dma_start3A_245] : memref<250x40xi32, #tpu.memory_space<vmem>> -> memref<1x40xi32, #tpu.memory_space<vmem>>
      %dma_start3A_247 = tpu.memref_squeeze %dma_start3A_246 : memref<1x40xi32, #tpu.memory_space<vmem>> -> memref<40xi32, #tpu.memory_space<vmem>>
      %dma_start3A_248 = arith.constant 0 : i32
      %dma_start3A_249 = arith.constant 0 : i32
      %dma_start3A_250 = tpu.memref_slice %arg2[%dma_start3A_248, %dma_start3A_249] : memref<10000x128xi32, #tpu.memory_space<hbm>> -> memref<10000x128xi32, #tpu.memory_space<hbm>>
      tpu.enqueue_indirect_dma source(%dma_start3A_250 : memref<10000x128xi32, #tpu.memory_space<hbm>>) target(%dma_start3A_244 : memref<40x128xi32, #tpu.memory_space<vmem>>) offsets(%dma_start3A_247 : memref<40xi32, #tpu.memory_space<vmem>>) semaphore(%arg15 : memref<!tpu.dma_semaphore, #tpu.memory_space<semaphore_mem>>)
      %dma_start3A_251 = arith.constant 3 : i32
      %dma_start3A_252 = arith.constant 0 : i32
      %dma_start3A_253 = arith.constant 0 : i32
      %dma_start3A_254 = tpu.memref_slice %arg11[%dma_start3A_251, %dma_start3A_252, %dma_start3A_253] : memref<5x40x128xi32, #tpu.memory_space<vmem>> -> memref<1x40x128xi32, #tpu.memory_space<vmem>>
      %dma_start3A_255 = tpu.memref_squeeze %dma_start3A_254 : memref<1x40x128xi32, #tpu.memory_space<vmem>> -> memref<40x128xi32, #tpu.memory_space<vmem>>
      %dma_start3A_256 = arith.constant 0 : i32
      %dma_start3A_257 = tpu.memref_slice %arg9[%add3A_239, %dma_start3A_256] : memref<250x40xi32, #tpu.memory_space<vmem>> -> memref<1x40xi32, #tpu.memory_space<vmem>>
      %dma_start3A_258 = tpu.memref_squeeze %dma_start3A_257 : memref<1x40xi32, #tpu.memory_space<vmem>> -> memref<40xi32, #tpu.memory_space<vmem>>
      %dma_start3A_259 = arith.constant 0 : i32
      %dma_start3A_260 = arith.constant 0 : i32
      %dma_start3A_261 = tpu.memref_slice %arg3[%dma_start3A_259, %dma_start3A_260] : memref<10000x128xi32, #tpu.memory_space<hbm>> -> memref<10000x128xi32, #tpu.memory_space<hbm>>
      tpu.enqueue_indirect_dma source(%dma_start3A_261 : memref<10000x128xi32, #tpu.memory_space<hbm>>) target(%dma_start3A_255 : memref<40x128xi32, #tpu.memory_space<vmem>>) offsets(%dma_start3A_258 : memref<40xi32, #tpu.memory_space<vmem>>) semaphore(%arg15 : memref<!tpu.dma_semaphore, #tpu.memory_space<semaphore_mem>>)
      %gt3A_262 = arith.constant 0 : i32
      %gt3A_263 = arith.cmpi sgt, %scan3A_147, %gt3A_262 : i32
      %convert_element_type3A_264 = arith.extui %gt3A_263 : i1 to i32
      %cond3A_265 = arith.constant 0 : i32
      %cond3A_266 = arith.cmpi ne, %convert_element_type3A_264, %cond3A_265 : i32
      scf.if %cond3A_266 {
        %sub3A = arith.constant 5 : i32
        %sub3A_566 = arith.subi %mul3A_149, %sub3A : i32
        %add3A_567 = arith.constant 4 : i32
        %add3A_568 = arith.addi %sub3A_566, %add3A_567 : i32
        %mul3A_569 = arith.constant 40 : i32
        %mul3A_570 = arith.muli %add3A_568, %mul3A_569 : i32
        %add3A_571 = arith.addi %mul3A_2, %mul3A_570 : i32
        %dma_wait3A_572 = arith.constant 4 : i32
        %dma_wait3A_573 = arith.constant 0 : i32
        %dma_wait3A_574 = arith.constant 0 : i32
        %dma_wait3A_575 = tpu.memref_slice %arg10[%dma_wait3A_572, %dma_wait3A_573, %dma_wait3A_574] : memref<5x40x128xi32, #tpu.memory_space<vmem>> -> memref<1x40x128xi32, #tpu.memory_space<vmem>>
        %dma_wait3A_576 = tpu.memref_squeeze %dma_wait3A_575 : memref<1x40x128xi32, #tpu.memory_space<vmem>> -> memref<40x128xi32, #tpu.memory_space<vmem>>
        %dma_wait3A_577 = arith.constant 0 : i32
        %dma_wait3A_578 = tpu.memref_slice %arg6[%add3A_571, %dma_wait3A_577] : memref<320000x128xi32, #tpu.memory_space<hbm>> -> memref<40x128xi32, #tpu.memory_space<hbm>>
        %dma_wait3A_579 = arith.constant 0 : i32
        %dma_wait3A_580 = tpu.memref_slice %arg6[%add3A_571, %dma_wait3A_579] : memref<320000x128xi32, #tpu.memory_space<hbm>> -> memref<40x128xi32, #tpu.memory_space<hbm>>
        %dma_wait3A_581 = arith.constant 0 : i32
        %dma_wait3A_582 = arith.constant 0 : i32
        %dma_wait3A_583 = tpu.memref_slice %arg10[%dma_wait3A_572, %dma_wait3A_581, %dma_wait3A_582] : memref<5x40x128xi32, #tpu.memory_space<vmem>> -> memref<1x40x128xi32, #tpu.memory_space<vmem>>
        %dma_wait3A_584 = tpu.memref_squeeze %dma_wait3A_583 : memref<1x40x128xi32, #tpu.memory_space<vmem>> -> memref<40x128xi32, #tpu.memory_space<vmem>>
        tpu.wait_dma2 semaphore(%arg21 : memref<!tpu.dma_semaphore, #tpu.memory_space<semaphore_mem>>) src(%dma_wait3A_584 : memref<40x128xi32, #tpu.memory_space<vmem>>) dst(%dma_wait3A_580 : memref<40x128xi32, #tpu.memory_space<hbm>>)
        %dma_wait3A_585 = arith.constant 4 : i32
        %dma_wait3A_586 = arith.constant 0 : i32
        %dma_wait3A_587 = arith.constant 0 : i32
        %dma_wait3A_588 = tpu.memref_slice %arg11[%dma_wait3A_585, %dma_wait3A_586, %dma_wait3A_587] : memref<5x40x128xi32, #tpu.memory_space<vmem>> -> memref<1x40x128xi32, #tpu.memory_space<vmem>>
        %dma_wait3A_589 = tpu.memref_squeeze %dma_wait3A_588 : memref<1x40x128xi32, #tpu.memory_space<vmem>> -> memref<40x128xi32, #tpu.memory_space<vmem>>
        %dma_wait3A_590 = arith.constant 0 : i32
        %dma_wait3A_591 = tpu.memref_slice %arg7[%add3A_571, %dma_wait3A_590] : memref<320000x128xi32, #tpu.memory_space<hbm>> -> memref<40x128xi32, #tpu.memory_space<hbm>>
        %dma_wait3A_592 = arith.constant 0 : i32
        %dma_wait3A_593 = tpu.memref_slice %arg7[%add3A_571, %dma_wait3A_592] : memref<320000x128xi32, #tpu.memory_space<hbm>> -> memref<40x128xi32, #tpu.memory_space<hbm>>
        %dma_wait3A_594 = arith.constant 0 : i32
        %dma_wait3A_595 = arith.constant 0 : i32
        %dma_wait3A_596 = tpu.memref_slice %arg11[%dma_wait3A_585, %dma_wait3A_594, %dma_wait3A_595] : memref<5x40x128xi32, #tpu.memory_space<vmem>> -> memref<1x40x128xi32, #tpu.memory_space<vmem>>
        %dma_wait3A_597 = tpu.memref_squeeze %dma_wait3A_596 : memref<1x40x128xi32, #tpu.memory_space<vmem>> -> memref<40x128xi32, #tpu.memory_space<vmem>>
        tpu.wait_dma2 semaphore(%arg21 : memref<!tpu.dma_semaphore, #tpu.memory_space<semaphore_mem>>) src(%dma_wait3A_597 : memref<40x128xi32, #tpu.memory_space<vmem>>) dst(%dma_wait3A_593 : memref<40x128xi32, #tpu.memory_space<hbm>>)
      } else {
      }
      %add3A_267 = arith.constant 4 : i32
      %add3A_268 = arith.addi %mul3A_149, %add3A_267 : i32
      %dma_start3A_269 = arith.constant 4 : i32
      %dma_start3A_270 = arith.constant 0 : i32
      %dma_start3A_271 = arith.constant 0 : i32
      %dma_start3A_272 = tpu.memref_slice %arg10[%dma_start3A_269, %dma_start3A_270, %dma_start3A_271] : memref<5x40x128xi32, #tpu.memory_space<vmem>> -> memref<1x40x128xi32, #tpu.memory_space<vmem>>
      %dma_start3A_273 = tpu.memref_squeeze %dma_start3A_272 : memref<1x40x128xi32, #tpu.memory_space<vmem>> -> memref<40x128xi32, #tpu.memory_space<vmem>>
      %dma_start3A_274 = arith.constant 0 : i32
      %dma_start3A_275 = tpu.memref_slice %arg8[%add3A_268, %dma_start3A_274] : memref<250x40xi32, #tpu.memory_space<vmem>> -> memref<1x40xi32, #tpu.memory_space<vmem>>
      %dma_start3A_276 = tpu.memref_squeeze %dma_start3A_275 : memref<1x40xi32, #tpu.memory_space<vmem>> -> memref<40xi32, #tpu.memory_space<vmem>>
      %dma_start3A_277 = arith.constant 0 : i32
      %dma_start3A_278 = arith.constant 0 : i32
      %dma_start3A_279 = tpu.memref_slice %arg2[%dma_start3A_277, %dma_start3A_278] : memref<10000x128xi32, #tpu.memory_space<hbm>> -> memref<10000x128xi32, #tpu.memory_space<hbm>>
      tpu.enqueue_indirect_dma source(%dma_start3A_279 : memref<10000x128xi32, #tpu.memory_space<hbm>>) target(%dma_start3A_273 : memref<40x128xi32, #tpu.memory_space<vmem>>) offsets(%dma_start3A_276 : memref<40xi32, #tpu.memory_space<vmem>>) semaphore(%arg16 : memref<!tpu.dma_semaphore, #tpu.memory_space<semaphore_mem>>)
      %dma_start3A_280 = arith.constant 4 : i32
      %dma_start3A_281 = arith.constant 0 : i32
      %dma_start3A_282 = arith.constant 0 : i32
      %dma_start3A_283 = tpu.memref_slice %arg11[%dma_start3A_280, %dma_start3A_281, %dma_start3A_282] : memref<5x40x128xi32, #tpu.memory_space<vmem>> -> memref<1x40x128xi32, #tpu.memory_space<vmem>>
      %dma_start3A_284 = tpu.memref_squeeze %dma_start3A_283 : memref<1x40x128xi32, #tpu.memory_space<vmem>> -> memref<40x128xi32, #tpu.memory_space<vmem>>
      %dma_start3A_285 = arith.constant 0 : i32
      %dma_start3A_286 = tpu.memref_slice %arg9[%add3A_268, %dma_start3A_285] : memref<250x40xi32, #tpu.memory_space<vmem>> -> memref<1x40xi32, #tpu.memory_space<vmem>>
      %dma_start3A_287 = tpu.memref_squeeze %dma_start3A_286 : memref<1x40xi32, #tpu.memory_space<vmem>> -> memref<40xi32, #tpu.memory_space<vmem>>
      %dma_start3A_288 = arith.constant 0 : i32
      %dma_start3A_289 = arith.constant 0 : i32
      %dma_start3A_290 = tpu.memref_slice %arg3[%dma_start3A_288, %dma_start3A_289] : memref<10000x128xi32, #tpu.memory_space<hbm>> -> memref<10000x128xi32, #tpu.memory_space<hbm>>
      tpu.enqueue_indirect_dma source(%dma_start3A_290 : memref<10000x128xi32, #tpu.memory_space<hbm>>) target(%dma_start3A_284 : memref<40x128xi32, #tpu.memory_space<vmem>>) offsets(%dma_start3A_287 : memref<40xi32, #tpu.memory_space<vmem>>) semaphore(%arg16 : memref<!tpu.dma_semaphore, #tpu.memory_space<semaphore_mem>>)
      %add3A_291 = arith.constant 0 : i32
      %add3A_292 = arith.addi %mul3A_149, %add3A_291 : i32
      %dma_wait3A_293 = arith.constant 0 : i32
      %dma_wait3A_294 = arith.constant 0 : i32
      %dma_wait3A_295 = arith.constant 0 : i32
      %dma_wait3A_296 = tpu.memref_slice %arg10[%dma_wait3A_293, %dma_wait3A_294, %dma_wait3A_295] : memref<5x40x128xi32, #tpu.memory_space<vmem>> -> memref<1x40x128xi32, #tpu.memory_space<vmem>>
      %dma_wait3A_297 = tpu.memref_squeeze %dma_wait3A_296 : memref<1x40x128xi32, #tpu.memory_space<vmem>> -> memref<40x128xi32, #tpu.memory_space<vmem>>
      %dma_wait3A_298 = arith.constant 0 : i32
      %dma_wait3A_299 = tpu.memref_slice %arg8[%add3A_292, %dma_wait3A_298] : memref<250x40xi32, #tpu.memory_space<vmem>> -> memref<1x40xi32, #tpu.memory_space<vmem>>
      %dma_wait3A_300 = tpu.memref_squeeze %dma_wait3A_299 : memref<1x40xi32, #tpu.memory_space<vmem>> -> memref<40xi32, #tpu.memory_space<vmem>>
      %dma_wait3A_301 = arith.constant 0 : i32
      %dma_wait3A_302 = arith.constant 0 : i32
      %dma_wait3A_303 = tpu.memref_slice %arg2[%dma_wait3A_301, %dma_wait3A_302] : memref<10000x128xi32, #tpu.memory_space<hbm>> -> memref<10000x128xi32, #tpu.memory_space<hbm>>
      tpu.wait_indirect_dma semaphore(%arg12 : memref<!tpu.dma_semaphore, #tpu.memory_space<semaphore_mem>>) src(%dma_wait3A_303 : memref<10000x128xi32, #tpu.memory_space<hbm>>) dst(%dma_wait3A_297 : memref<40x128xi32, #tpu.memory_space<vmem>>)
      %dma_wait3A_304 = arith.constant 0 : i32
      %dma_wait3A_305 = arith.constant 0 : i32
      %dma_wait3A_306 = arith.constant 0 : i32
      %dma_wait3A_307 = tpu.memref_slice %arg11[%dma_wait3A_304, %dma_wait3A_305, %dma_wait3A_306] : memref<5x40x128xi32, #tpu.memory_space<vmem>> -> memref<1x40x128xi32, #tpu.memory_space<vmem>>
      %dma_wait3A_308 = tpu.memref_squeeze %dma_wait3A_307 : memref<1x40x128xi32, #tpu.memory_space<vmem>> -> memref<40x128xi32, #tpu.memory_space<vmem>>
      %dma_wait3A_309 = arith.constant 0 : i32
      %dma_wait3A_310 = tpu.memref_slice %arg9[%add3A_292, %dma_wait3A_309] : memref<250x40xi32, #tpu.memory_space<vmem>> -> memref<1x40xi32, #tpu.memory_space<vmem>>
      %dma_wait3A_311 = tpu.memref_squeeze %dma_wait3A_310 : memref<1x40xi32, #tpu.memory_space<vmem>> -> memref<40xi32, #tpu.memory_space<vmem>>
      %dma_wait3A_312 = arith.constant 0 : i32
      %dma_wait3A_313 = arith.constant 0 : i32
      %dma_wait3A_314 = tpu.memref_slice %arg3[%dma_wait3A_312, %dma_wait3A_313] : memref<10000x128xi32, #tpu.memory_space<hbm>> -> memref<10000x128xi32, #tpu.memory_space<hbm>>
      tpu.wait_indirect_dma semaphore(%arg12 : memref<!tpu.dma_semaphore, #tpu.memory_space<semaphore_mem>>) src(%dma_wait3A_314 : memref<10000x128xi32, #tpu.memory_space<hbm>>) dst(%dma_wait3A_308 : memref<40x128xi32, #tpu.memory_space<vmem>>)
      %add3A_315 = arith.constant 0 : i32
      %add3A_316 = arith.addi %mul3A_149, %add3A_315 : i32
      %mul3A_317 = arith.constant 40 : i32
      %mul3A_318 = arith.muli %add3A_316, %mul3A_317 : i32
      %add3A_319 = arith.addi %mul3A_2, %mul3A_318 : i32
      %dma_start3A_320 = arith.constant 0 : i32
      %dma_start3A_321 = arith.constant 0 : i32
      %dma_start3A_322 = arith.constant 0 : i32
      %dma_start3A_323 = tpu.memref_slice %arg10[%dma_start3A_320, %dma_start3A_321, %dma_start3A_322] : memref<5x40x128xi32, #tpu.memory_space<vmem>> -> memref<1x40x128xi32, #tpu.memory_space<vmem>>
      %dma_start3A_324 = tpu.memref_squeeze %dma_start3A_323 : memref<1x40x128xi32, #tpu.memory_space<vmem>> -> memref<40x128xi32, #tpu.memory_space<vmem>>
      %dma_start3A_325 = arith.constant 0 : i32
      %dma_start3A_326 = tpu.memref_slice %arg6[%add3A_319, %dma_start3A_325] : memref<320000x128xi32, #tpu.memory_space<hbm>> -> memref<40x128xi32, #tpu.memory_space<hbm>>
      %dma_start3A_327 = arith.constant 0 : i32
      %dma_start3A_328 = tpu.memref_slice %arg6[%add3A_319, %dma_start3A_327] : memref<320000x128xi32, #tpu.memory_space<hbm>> -> memref<40x128xi32, #tpu.memory_space<hbm>>
      %dma_start3A_329 = arith.constant 0 : i32
      %dma_start3A_330 = arith.constant 0 : i32
      %dma_start3A_331 = tpu.memref_slice %arg10[%dma_start3A_320, %dma_start3A_329, %dma_start3A_330] : memref<5x40x128xi32, #tpu.memory_space<vmem>> -> memref<1x40x128xi32, #tpu.memory_space<vmem>>
      %dma_start3A_332 = tpu.memref_squeeze %dma_start3A_331 : memref<1x40x128xi32, #tpu.memory_space<vmem>> -> memref<40x128xi32, #tpu.memory_space<vmem>>
      tpu.enqueue_dma source(%dma_start3A_332 : memref<40x128xi32, #tpu.memory_space<vmem>>) target(%dma_start3A_328 : memref<40x128xi32, #tpu.memory_space<hbm>>) target_semaphore(%arg17 : memref<!tpu.dma_semaphore, #tpu.memory_space<semaphore_mem>>)
      %dma_start3A_333 = arith.constant 0 : i32
      %dma_start3A_334 = arith.constant 0 : i32
      %dma_start3A_335 = arith.constant 0 : i32
      %dma_start3A_336 = tpu.memref_slice %arg11[%dma_start3A_333, %dma_start3A_334, %dma_start3A_335] : memref<5x40x128xi32, #tpu.memory_space<vmem>> -> memref<1x40x128xi32, #tpu.memory_space<vmem>>
      %dma_start3A_337 = tpu.memref_squeeze %dma_start3A_336 : memref<1x40x128xi32, #tpu.memory_space<vmem>> -> memref<40x128xi32, #tpu.memory_space<vmem>>
      %dma_start3A_338 = arith.constant 0 : i32
      %dma_start3A_339 = tpu.memref_slice %arg7[%add3A_319, %dma_start3A_338] : memref<320000x128xi32, #tpu.memory_space<hbm>> -> memref<40x128xi32, #tpu.memory_space<hbm>>
      %dma_start3A_340 = arith.constant 0 : i32
      %dma_start3A_341 = tpu.memref_slice %arg7[%add3A_319, %dma_start3A_340] : memref<320000x128xi32, #tpu.memory_space<hbm>> -> memref<40x128xi32, #tpu.memory_space<hbm>>
      %dma_start3A_342 = arith.constant 0 : i32
      %dma_start3A_343 = arith.constant 0 : i32
      %dma_start3A_344 = tpu.memref_slice %arg11[%dma_start3A_333, %dma_start3A_342, %dma_start3A_343] : memref<5x40x128xi32, #tpu.memory_space<vmem>> -> memref<1x40x128xi32, #tpu.memory_space<vmem>>
      %dma_start3A_345 = tpu.memref_squeeze %dma_start3A_344 : memref<1x40x128xi32, #tpu.memory_space<vmem>> -> memref<40x128xi32, #tpu.memory_space<vmem>>
      tpu.enqueue_dma source(%dma_start3A_345 : memref<40x128xi32, #tpu.memory_space<vmem>>) target(%dma_start3A_341 : memref<40x128xi32, #tpu.memory_space<hbm>>) target_semaphore(%arg17 : memref<!tpu.dma_semaphore, #tpu.memory_space<semaphore_mem>>)
      %add3A_346 = arith.constant 1 : i32
      %add3A_347 = arith.addi %mul3A_149, %add3A_346 : i32
      %dma_wait3A_348 = arith.constant 1 : i32
      %dma_wait3A_349 = arith.constant 0 : i32
      %dma_wait3A_350 = arith.constant 0 : i32
      %dma_wait3A_351 = tpu.memref_slice %arg10[%dma_wait3A_348, %dma_wait3A_349, %dma_wait3A_350] : memref<5x40x128xi32, #tpu.memory_space<vmem>> -> memref<1x40x128xi32, #tpu.memory_space<vmem>>
      %dma_wait3A_352 = tpu.memref_squeeze %dma_wait3A_351 : memref<1x40x128xi32, #tpu.memory_space<vmem>> -> memref<40x128xi32, #tpu.memory_space<vmem>>
      %dma_wait3A_353 = arith.constant 0 : i32
      %dma_wait3A_354 = tpu.memref_slice %arg8[%add3A_347, %dma_wait3A_353] : memref<250x40xi32, #tpu.memory_space<vmem>> -> memref<1x40xi32, #tpu.memory_space<vmem>>
      %dma_wait3A_355 = tpu.memref_squeeze %dma_wait3A_354 : memref<1x40xi32, #tpu.memory_space<vmem>> -> memref<40xi32, #tpu.memory_space<vmem>>
      %dma_wait3A_356 = arith.constant 0 : i32
      %dma_wait3A_357 = arith.constant 0 : i32
      %dma_wait3A_358 = tpu.memref_slice %arg2[%dma_wait3A_356, %dma_wait3A_357] : memref<10000x128xi32, #tpu.memory_space<hbm>> -> memref<10000x128xi32, #tpu.memory_space<hbm>>
      tpu.wait_indirect_dma semaphore(%arg13 : memref<!tpu.dma_semaphore, #tpu.memory_space<semaphore_mem>>) src(%dma_wait3A_358 : memref<10000x128xi32, #tpu.memory_space<hbm>>) dst(%dma_wait3A_352 : memref<40x128xi32, #tpu.memory_space<vmem>>)
      %dma_wait3A_359 = arith.constant 1 : i32
      %dma_wait3A_360 = arith.constant 0 : i32
      %dma_wait3A_361 = arith.constant 0 : i32
      %dma_wait3A_362 = tpu.memref_slice %arg11[%dma_wait3A_359, %dma_wait3A_360, %dma_wait3A_361] : memref<5x40x128xi32, #tpu.memory_space<vmem>> -> memref<1x40x128xi32, #tpu.memory_space<vmem>>
      %dma_wait3A_363 = tpu.memref_squeeze %dma_wait3A_362 : memref<1x40x128xi32, #tpu.memory_space<vmem>> -> memref<40x128xi32, #tpu.memory_space<vmem>>
      %dma_wait3A_364 = arith.constant 0 : i32
      %dma_wait3A_365 = tpu.memref_slice %arg9[%add3A_347, %dma_wait3A_364] : memref<250x40xi32, #tpu.memory_space<vmem>> -> memref<1x40xi32, #tpu.memory_space<vmem>>
      %dma_wait3A_366 = tpu.memref_squeeze %dma_wait3A_365 : memref<1x40xi32, #tpu.memory_space<vmem>> -> memref<40xi32, #tpu.memory_space<vmem>>
      %dma_wait3A_367 = arith.constant 0 : i32
      %dma_wait3A_368 = arith.constant 0 : i32
      %dma_wait3A_369 = tpu.memref_slice %arg3[%dma_wait3A_367, %dma_wait3A_368] : memref<10000x128xi32, #tpu.memory_space<hbm>> -> memref<10000x128xi32, #tpu.memory_space<hbm>>
      tpu.wait_indirect_dma semaphore(%arg13 : memref<!tpu.dma_semaphore, #tpu.memory_space<semaphore_mem>>) src(%dma_wait3A_369 : memref<10000x128xi32, #tpu.memory_space<hbm>>) dst(%dma_wait3A_363 : memref<40x128xi32, #tpu.memory_space<vmem>>)
      %add3A_370 = arith.constant 1 : i32
      %add3A_371 = arith.addi %mul3A_149, %add3A_370 : i32
      %mul3A_372 = arith.constant 40 : i32
      %mul3A_373 = arith.muli %add3A_371, %mul3A_372 : i32
      %add3A_374 = arith.addi %mul3A_2, %mul3A_373 : i32
      %dma_start3A_375 = arith.constant 1 : i32
      %dma_start3A_376 = arith.constant 0 : i32
      %dma_start3A_377 = arith.constant 0 : i32
      %dma_start3A_378 = tpu.memref_slice %arg10[%dma_start3A_375, %dma_start3A_376, %dma_start3A_377] : memref<5x40x128xi32, #tpu.memory_space<vmem>> -> memref<1x40x128xi32, #tpu.memory_space<vmem>>
      %dma_start3A_379 = tpu.memref_squeeze %dma_start3A_378 : memref<1x40x128xi32, #tpu.memory_space<vmem>> -> memref<40x128xi32, #tpu.memory_space<vmem>>
      %dma_start3A_380 = arith.constant 0 : i32
      %dma_start3A_381 = tpu.memref_slice %arg6[%add3A_374, %dma_start3A_380] : memref<320000x128xi32, #tpu.memory_space<hbm>> -> memref<40x128xi32, #tpu.memory_space<hbm>>
      %dma_start3A_382 = arith.constant 0 : i32
      %dma_start3A_383 = tpu.memref_slice %arg6[%add3A_374, %dma_start3A_382] : memref<320000x128xi32, #tpu.memory_space<hbm>> -> memref<40x128xi32, #tpu.memory_space<hbm>>
      %dma_start3A_384 = arith.constant 0 : i32
      %dma_start3A_385 = arith.constant 0 : i32
      %dma_start3A_386 = tpu.memref_slice %arg10[%dma_start3A_375, %dma_start3A_384, %dma_start3A_385] : memref<5x40x128xi32, #tpu.memory_space<vmem>> -> memref<1x40x128xi32, #tpu.memory_space<vmem>>
      %dma_start3A_387 = tpu.memref_squeeze %dma_start3A_386 : memref<1x40x128xi32, #tpu.memory_space<vmem>> -> memref<40x128xi32, #tpu.memory_space<vmem>>
      tpu.enqueue_dma source(%dma_start3A_387 : memref<40x128xi32, #tpu.memory_space<vmem>>) target(%dma_start3A_383 : memref<40x128xi32, #tpu.memory_space<hbm>>) target_semaphore(%arg18 : memref<!tpu.dma_semaphore, #tpu.memory_space<semaphore_mem>>)
      %dma_start3A_388 = arith.constant 1 : i32
      %dma_start3A_389 = arith.constant 0 : i32
      %dma_start3A_390 = arith.constant 0 : i32
      %dma_start3A_391 = tpu.memref_slice %arg11[%dma_start3A_388, %dma_start3A_389, %dma_start3A_390] : memref<5x40x128xi32, #tpu.memory_space<vmem>> -> memref<1x40x128xi32, #tpu.memory_space<vmem>>
      %dma_start3A_392 = tpu.memref_squeeze %dma_start3A_391 : memref<1x40x128xi32, #tpu.memory_space<vmem>> -> memref<40x128xi32, #tpu.memory_space<vmem>>
      %dma_start3A_393 = arith.constant 0 : i32
      %dma_start3A_394 = tpu.memref_slice %arg7[%add3A_374, %dma_start3A_393] : memref<320000x128xi32, #tpu.memory_space<hbm>> -> memref<40x128xi32, #tpu.memory_space<hbm>>
      %dma_start3A_395 = arith.constant 0 : i32
      %dma_start3A_396 = tpu.memref_slice %arg7[%add3A_374, %dma_start3A_395] : memref<320000x128xi32, #tpu.memory_space<hbm>> -> memref<40x128xi32, #tpu.memory_space<hbm>>
      %dma_start3A_397 = arith.constant 0 : i32
      %dma_start3A_398 = arith.constant 0 : i32
      %dma_start3A_399 = tpu.memref_slice %arg11[%dma_start3A_388, %dma_start3A_397, %dma_start3A_398] : memref<5x40x128xi32, #tpu.memory_space<vmem>> -> memref<1x40x128xi32, #tpu.memory_space<vmem>>
      %dma_start3A_400 = tpu.memref_squeeze %dma_start3A_399 : memref<1x40x128xi32, #tpu.memory_space<vmem>> -> memref<40x128xi32, #tpu.memory_space<vmem>>
      tpu.enqueue_dma source(%dma_start3A_400 : memref<40x128xi32, #tpu.memory_space<vmem>>) target(%dma_start3A_396 : memref<40x128xi32, #tpu.memory_space<hbm>>) target_semaphore(%arg18 : memref<!tpu.dma_semaphore, #tpu.memory_space<semaphore_mem>>)
      %add3A_401 = arith.constant 2 : i32
      %add3A_402 = arith.addi %mul3A_149, %add3A_401 : i32
      %dma_wait3A_403 = arith.constant 2 : i32
      %dma_wait3A_404 = arith.constant 0 : i32
      %dma_wait3A_405 = arith.constant 0 : i32
      %dma_wait3A_406 = tpu.memref_slice %arg10[%dma_wait3A_403, %dma_wait3A_404, %dma_wait3A_405] : memref<5x40x128xi32, #tpu.memory_space<vmem>> -> memref<1x40x128xi32, #tpu.memory_space<vmem>>
      %dma_wait3A_407 = tpu.memref_squeeze %dma_wait3A_406 : memref<1x40x128xi32, #tpu.memory_space<vmem>> -> memref<40x128xi32, #tpu.memory_space<vmem>>
      %dma_wait3A_408 = arith.constant 0 : i32
      %dma_wait3A_409 = tpu.memref_slice %arg8[%add3A_402, %dma_wait3A_408] : memref<250x40xi32, #tpu.memory_space<vmem>> -> memref<1x40xi32, #tpu.memory_space<vmem>>
      %dma_wait3A_410 = tpu.memref_squeeze %dma_wait3A_409 : memref<1x40xi32, #tpu.memory_space<vmem>> -> memref<40xi32, #tpu.memory_space<vmem>>
      %dma_wait3A_411 = arith.constant 0 : i32
      %dma_wait3A_412 = arith.constant 0 : i32
      %dma_wait3A_413 = tpu.memref_slice %arg2[%dma_wait3A_411, %dma_wait3A_412] : memref<10000x128xi32, #tpu.memory_space<hbm>> -> memref<10000x128xi32, #tpu.memory_space<hbm>>
      tpu.wait_indirect_dma semaphore(%arg14 : memref<!tpu.dma_semaphore, #tpu.memory_space<semaphore_mem>>) src(%dma_wait3A_413 : memref<10000x128xi32, #tpu.memory_space<hbm>>) dst(%dma_wait3A_407 : memref<40x128xi32, #tpu.memory_space<vmem>>)
      %dma_wait3A_414 = arith.constant 2 : i32
      %dma_wait3A_415 = arith.constant 0 : i32
      %dma_wait3A_416 = arith.constant 0 : i32
      %dma_wait3A_417 = tpu.memref_slice %arg11[%dma_wait3A_414, %dma_wait3A_415, %dma_wait3A_416] : memref<5x40x128xi32, #tpu.memory_space<vmem>> -> memref<1x40x128xi32, #tpu.memory_space<vmem>>
      %dma_wait3A_418 = tpu.memref_squeeze %dma_wait3A_417 : memref<1x40x128xi32, #tpu.memory_space<vmem>> -> memref<40x128xi32, #tpu.memory_space<vmem>>
      %dma_wait3A_419 = arith.constant 0 : i32
      %dma_wait3A_420 = tpu.memref_slice %arg9[%add3A_402, %dma_wait3A_419] : memref<250x40xi32, #tpu.memory_space<vmem>> -> memref<1x40xi32, #tpu.memory_space<vmem>>
      %dma_wait3A_421 = tpu.memref_squeeze %dma_wait3A_420 : memref<1x40xi32, #tpu.memory_space<vmem>> -> memref<40xi32, #tpu.memory_space<vmem>>
      %dma_wait3A_422 = arith.constant 0 : i32
      %dma_wait3A_423 = arith.constant 0 : i32
      %dma_wait3A_424 = tpu.memref_slice %arg3[%dma_wait3A_422, %dma_wait3A_423] : memref<10000x128xi32, #tpu.memory_space<hbm>> -> memref<10000x128xi32, #tpu.memory_space<hbm>>
      tpu.wait_indirect_dma semaphore(%arg14 : memref<!tpu.dma_semaphore, #tpu.memory_space<semaphore_mem>>) src(%dma_wait3A_424 : memref<10000x128xi32, #tpu.memory_space<hbm>>) dst(%dma_wait3A_418 : memref<40x128xi32, #tpu.memory_space<vmem>>)
      %add3A_425 = arith.constant 2 : i32
      %add3A_426 = arith.addi %mul3A_149, %add3A_425 : i32
      %mul3A_427 = arith.constant 40 : i32
      %mul3A_428 = arith.muli %add3A_426, %mul3A_427 : i32
      %add3A_429 = arith.addi %mul3A_2, %mul3A_428 : i32
      %dma_start3A_430 = arith.constant 2 : i32
      %dma_start3A_431 = arith.constant 0 : i32
      %dma_start3A_432 = arith.constant 0 : i32
      %dma_start3A_433 = tpu.memref_slice %arg10[%dma_start3A_430, %dma_start3A_431, %dma_start3A_432] : memref<5x40x128xi32, #tpu.memory_space<vmem>> -> memref<1x40x128xi32, #tpu.memory_space<vmem>>
      %dma_start3A_434 = tpu.memref_squeeze %dma_start3A_433 : memref<1x40x128xi32, #tpu.memory_space<vmem>> -> memref<40x128xi32, #tpu.memory_space<vmem>>
      %dma_start3A_435 = arith.constant 0 : i32
      %dma_start3A_436 = tpu.memref_slice %arg6[%add3A_429, %dma_start3A_435] : memref<320000x128xi32, #tpu.memory_space<hbm>> -> memref<40x128xi32, #tpu.memory_space<hbm>>
      %dma_start3A_437 = arith.constant 0 : i32
      %dma_start3A_438 = tpu.memref_slice %arg6[%add3A_429, %dma_start3A_437] : memref<320000x128xi32, #tpu.memory_space<hbm>> -> memref<40x128xi32, #tpu.memory_space<hbm>>
      %dma_start3A_439 = arith.constant 0 : i32
      %dma_start3A_440 = arith.constant 0 : i32
      %dma_start3A_441 = tpu.memref_slice %arg10[%dma_start3A_430, %dma_start3A_439, %dma_start3A_440] : memref<5x40x128xi32, #tpu.memory_space<vmem>> -> memref<1x40x128xi32, #tpu.memory_space<vmem>>
      %dma_start3A_442 = tpu.memref_squeeze %dma_start3A_441 : memref<1x40x128xi32, #tpu.memory_space<vmem>> -> memref<40x128xi32, #tpu.memory_space<vmem>>
      tpu.enqueue_dma source(%dma_start3A_442 : memref<40x128xi32, #tpu.memory_space<vmem>>) target(%dma_start3A_438 : memref<40x128xi32, #tpu.memory_space<hbm>>) target_semaphore(%arg19 : memref<!tpu.dma_semaphore, #tpu.memory_space<semaphore_mem>>)
      %dma_start3A_443 = arith.constant 2 : i32
      %dma_start3A_444 = arith.constant 0 : i32
      %dma_start3A_445 = arith.constant 0 : i32
      %dma_start3A_446 = tpu.memref_slice %arg11[%dma_start3A_443, %dma_start3A_444, %dma_start3A_445] : memref<5x40x128xi32, #tpu.memory_space<vmem>> -> memref<1x40x128xi32, #tpu.memory_space<vmem>>
      %dma_start3A_447 = tpu.memref_squeeze %dma_start3A_446 : memref<1x40x128xi32, #tpu.memory_space<vmem>> -> memref<40x128xi32, #tpu.memory_space<vmem>>
      %dma_start3A_448 = arith.constant 0 : i32
      %dma_start3A_449 = tpu.memref_slice %arg7[%add3A_429, %dma_start3A_448] : memref<320000x128xi32, #tpu.memory_space<hbm>> -> memref<40x128xi32, #tpu.memory_space<hbm>>
      %dma_start3A_450 = arith.constant 0 : i32
      %dma_start3A_451 = tpu.memref_slice %arg7[%add3A_429, %dma_start3A_450] : memref<320000x128xi32, #tpu.memory_space<hbm>> -> memref<40x128xi32, #tpu.memory_space<hbm>>
      %dma_start3A_452 = arith.constant 0 : i32
      %dma_start3A_453 = arith.constant 0 : i32
      %dma_start3A_454 = tpu.memref_slice %arg11[%dma_start3A_443, %dma_start3A_452, %dma_start3A_453] : memref<5x40x128xi32, #tpu.memory_space<vmem>> -> memref<1x40x128xi32, #tpu.memory_space<vmem>>
      %dma_start3A_455 = tpu.memref_squeeze %dma_start3A_454 : memref<1x40x128xi32, #tpu.memory_space<vmem>> -> memref<40x128xi32, #tpu.memory_space<vmem>>
      tpu.enqueue_dma source(%dma_start3A_455 : memref<40x128xi32, #tpu.memory_space<vmem>>) target(%dma_start3A_451 : memref<40x128xi32, #tpu.memory_space<hbm>>) target_semaphore(%arg19 : memref<!tpu.dma_semaphore, #tpu.memory_space<semaphore_mem>>)
      %add3A_456 = arith.constant 3 : i32
      %add3A_457 = arith.addi %mul3A_149, %add3A_456 : i32
      %dma_wait3A_458 = arith.constant 3 : i32
      %dma_wait3A_459 = arith.constant 0 : i32
      %dma_wait3A_460 = arith.constant 0 : i32
      %dma_wait3A_461 = tpu.memref_slice %arg10[%dma_wait3A_458, %dma_wait3A_459, %dma_wait3A_460] : memref<5x40x128xi32, #tpu.memory_space<vmem>> -> memref<1x40x128xi32, #tpu.memory_space<vmem>>
      %dma_wait3A_462 = tpu.memref_squeeze %dma_wait3A_461 : memref<1x40x128xi32, #tpu.memory_space<vmem>> -> memref<40x128xi32, #tpu.memory_space<vmem>>
      %dma_wait3A_463 = arith.constant 0 : i32
      %dma_wait3A_464 = tpu.memref_slice %arg8[%add3A_457, %dma_wait3A_463] : memref<250x40xi32, #tpu.memory_space<vmem>> -> memref<1x40xi32, #tpu.memory_space<vmem>>
      %dma_wait3A_465 = tpu.memref_squeeze %dma_wait3A_464 : memref<1x40xi32, #tpu.memory_space<vmem>> -> memref<40xi32, #tpu.memory_space<vmem>>
      %dma_wait3A_466 = arith.constant 0 : i32
      %dma_wait3A_467 = arith.constant 0 : i32
      %dma_wait3A_468 = tpu.memref_slice %arg2[%dma_wait3A_466, %dma_wait3A_467] : memref<10000x128xi32, #tpu.memory_space<hbm>> -> memref<10000x128xi32, #tpu.memory_space<hbm>>
      tpu.wait_indirect_dma semaphore(%arg15 : memref<!tpu.dma_semaphore, #tpu.memory_space<semaphore_mem>>) src(%dma_wait3A_468 : memref<10000x128xi32, #tpu.memory_space<hbm>>) dst(%dma_wait3A_462 : memref<40x128xi32, #tpu.memory_space<vmem>>)
      %dma_wait3A_469 = arith.constant 3 : i32
      %dma_wait3A_470 = arith.constant 0 : i32
      %dma_wait3A_471 = arith.constant 0 : i32
      %dma_wait3A_472 = tpu.memref_slice %arg11[%dma_wait3A_469, %dma_wait3A_470, %dma_wait3A_471] : memref<5x40x128xi32, #tpu.memory_space<vmem>> -> memref<1x40x128xi32, #tpu.memory_space<vmem>>
      %dma_wait3A_473 = tpu.memref_squeeze %dma_wait3A_472 : memref<1x40x128xi32, #tpu.memory_space<vmem>> -> memref<40x128xi32, #tpu.memory_space<vmem>>
      %dma_wait3A_474 = arith.constant 0 : i32
      %dma_wait3A_475 = tpu.memref_slice %arg9[%add3A_457, %dma_wait3A_474] : memref<250x40xi32, #tpu.memory_space<vmem>> -> memref<1x40xi32, #tpu.memory_space<vmem>>
      %dma_wait3A_476 = tpu.memref_squeeze %dma_wait3A_475 : memref<1x40xi32, #tpu.memory_space<vmem>> -> memref<40xi32, #tpu.memory_space<vmem>>
      %dma_wait3A_477 = arith.constant 0 : i32
      %dma_wait3A_478 = arith.constant 0 : i32
      %dma_wait3A_479 = tpu.memref_slice %arg3[%dma_wait3A_477, %dma_wait3A_478] : memref<10000x128xi32, #tpu.memory_space<hbm>> -> memref<10000x128xi32, #tpu.memory_space<hbm>>
      tpu.wait_indirect_dma semaphore(%arg15 : memref<!tpu.dma_semaphore, #tpu.memory_space<semaphore_mem>>) src(%dma_wait3A_479 : memref<10000x128xi32, #tpu.memory_space<hbm>>) dst(%dma_wait3A_473 : memref<40x128xi32, #tpu.memory_space<vmem>>)
      %add3A_480 = arith.constant 3 : i32
      %add3A_481 = arith.addi %mul3A_149, %add3A_480 : i32
      %mul3A_482 = arith.constant 40 : i32
      %mul3A_483 = arith.muli %add3A_481, %mul3A_482 : i32
      %add3A_484 = arith.addi %mul3A_2, %mul3A_483 : i32
      %dma_start3A_485 = arith.constant 3 : i32
      %dma_start3A_486 = arith.constant 0 : i32
      %dma_start3A_487 = arith.constant 0 : i32
      %dma_start3A_488 = tpu.memref_slice %arg10[%dma_start3A_485, %dma_start3A_486, %dma_start3A_487] : memref<5x40x128xi32, #tpu.memory_space<vmem>> -> memref<1x40x128xi32, #tpu.memory_space<vmem>>
      %dma_start3A_489 = tpu.memref_squeeze %dma_start3A_488 : memref<1x40x128xi32, #tpu.memory_space<vmem>> -> memref<40x128xi32, #tpu.memory_space<vmem>>
      %dma_start3A_490 = arith.constant 0 : i32
      %dma_start3A_491 = tpu.memref_slice %arg6[%add3A_484, %dma_start3A_490] : memref<320000x128xi32, #tpu.memory_space<hbm>> -> memref<40x128xi32, #tpu.memory_space<hbm>>
      %dma_start3A_492 = arith.constant 0 : i32
      %dma_start3A_493 = tpu.memref_slice %arg6[%add3A_484, %dma_start3A_492] : memref<320000x128xi32, #tpu.memory_space<hbm>> -> memref<40x128xi32, #tpu.memory_space<hbm>>
      %dma_start3A_494 = arith.constant 0 : i32
      %dma_start3A_495 = arith.constant 0 : i32
      %dma_start3A_496 = tpu.memref_slice %arg10[%dma_start3A_485, %dma_start3A_494, %dma_start3A_495] : memref<5x40x128xi32, #tpu.memory_space<vmem>> -> memref<1x40x128xi32, #tpu.memory_space<vmem>>
      %dma_start3A_497 = tpu.memref_squeeze %dma_start3A_496 : memref<1x40x128xi32, #tpu.memory_space<vmem>> -> memref<40x128xi32, #tpu.memory_space<vmem>>
      tpu.enqueue_dma source(%dma_start3A_497 : memref<40x128xi32, #tpu.memory_space<vmem>>) target(%dma_start3A_493 : memref<40x128xi32, #tpu.memory_space<hbm>>) target_semaphore(%arg20 : memref<!tpu.dma_semaphore, #tpu.memory_space<semaphore_mem>>)
      %dma_start3A_498 = arith.constant 3 : i32
      %dma_start3A_499 = arith.constant 0 : i32
      %dma_start3A_500 = arith.constant 0 : i32
      %dma_start3A_501 = tpu.memref_slice %arg11[%dma_start3A_498, %dma_start3A_499, %dma_start3A_500] : memref<5x40x128xi32, #tpu.memory_space<vmem>> -> memref<1x40x128xi32, #tpu.memory_space<vmem>>
      %dma_start3A_502 = tpu.memref_squeeze %dma_start3A_501 : memref<1x40x128xi32, #tpu.memory_space<vmem>> -> memref<40x128xi32, #tpu.memory_space<vmem>>
      %dma_start3A_503 = arith.constant 0 : i32
      %dma_start3A_504 = tpu.memref_slice %arg7[%add3A_484, %dma_start3A_503] : memref<320000x128xi32, #tpu.memory_space<hbm>> -> memref<40x128xi32, #tpu.memory_space<hbm>>
      %dma_start3A_505 = arith.constant 0 : i32
      %dma_start3A_506 = tpu.memref_slice %arg7[%add3A_484, %dma_start3A_505] : memref<320000x128xi32, #tpu.memory_space<hbm>> -> memref<40x128xi32, #tpu.memory_space<hbm>>
      %dma_start3A_507 = arith.constant 0 : i32
      %dma_start3A_508 = arith.constant 0 : i32
      %dma_start3A_509 = tpu.memref_slice %arg11[%dma_start3A_498, %dma_start3A_507, %dma_start3A_508] : memref<5x40x128xi32, #tpu.memory_space<vmem>> -> memref<1x40x128xi32, #tpu.memory_space<vmem>>
      %dma_start3A_510 = tpu.memref_squeeze %dma_start3A_509 : memref<1x40x128xi32, #tpu.memory_space<vmem>> -> memref<40x128xi32, #tpu.memory_space<vmem>>
      tpu.enqueue_dma source(%dma_start3A_510 : memref<40x128xi32, #tpu.memory_space<vmem>>) target(%dma_start3A_506 : memref<40x128xi32, #tpu.memory_space<hbm>>) target_semaphore(%arg20 : memref<!tpu.dma_semaphore, #tpu.memory_space<semaphore_mem>>)
      %add3A_511 = arith.constant 4 : i32
      %add3A_512 = arith.addi %mul3A_149, %add3A_511 : i32
      %dma_wait3A_513 = arith.constant 4 : i32
      %dma_wait3A_514 = arith.constant 0 : i32
      %dma_wait3A_515 = arith.constant 0 : i32
      %dma_wait3A_516 = tpu.memref_slice %arg10[%dma_wait3A_513, %dma_wait3A_514, %dma_wait3A_515] : memref<5x40x128xi32, #tpu.memory_space<vmem>> -> memref<1x40x128xi32, #tpu.memory_space<vmem>>
      %dma_wait3A_517 = tpu.memref_squeeze %dma_wait3A_516 : memref<1x40x128xi32, #tpu.memory_space<vmem>> -> memref<40x128xi32, #tpu.memory_space<vmem>>
      %dma_wait3A_518 = arith.constant 0 : i32
      %dma_wait3A_519 = tpu.memref_slice %arg8[%add3A_512, %dma_wait3A_518] : memref<250x40xi32, #tpu.memory_space<vmem>> -> memref<1x40xi32, #tpu.memory_space<vmem>>
      %dma_wait3A_520 = tpu.memref_squeeze %dma_wait3A_519 : memref<1x40xi32, #tpu.memory_space<vmem>> -> memref<40xi32, #tpu.memory_space<vmem>>
      %dma_wait3A_521 = arith.constant 0 : i32
      %dma_wait3A_522 = arith.constant 0 : i32
      %dma_wait3A_523 = tpu.memref_slice %arg2[%dma_wait3A_521, %dma_wait3A_522] : memref<10000x128xi32, #tpu.memory_space<hbm>> -> memref<10000x128xi32, #tpu.memory_space<hbm>>
      tpu.wait_indirect_dma semaphore(%arg16 : memref<!tpu.dma_semaphore, #tpu.memory_space<semaphore_mem>>) src(%dma_wait3A_523 : memref<10000x128xi32, #tpu.memory_space<hbm>>) dst(%dma_wait3A_517 : memref<40x128xi32, #tpu.memory_space<vmem>>)
      %dma_wait3A_524 = arith.constant 4 : i32
      %dma_wait3A_525 = arith.constant 0 : i32
      %dma_wait3A_526 = arith.constant 0 : i32
      %dma_wait3A_527 = tpu.memref_slice %arg11[%dma_wait3A_524, %dma_wait3A_525, %dma_wait3A_526] : memref<5x40x128xi32, #tpu.memory_space<vmem>> -> memref<1x40x128xi32, #tpu.memory_space<vmem>>
      %dma_wait3A_528 = tpu.memref_squeeze %dma_wait3A_527 : memref<1x40x128xi32, #tpu.memory_space<vmem>> -> memref<40x128xi32, #tpu.memory_space<vmem>>
      %dma_wait3A_529 = arith.constant 0 : i32
      %dma_wait3A_530 = tpu.memref_slice %arg9[%add3A_512, %dma_wait3A_529] : memref<250x40xi32, #tpu.memory_space<vmem>> -> memref<1x40xi32, #tpu.memory_space<vmem>>
      %dma_wait3A_531 = tpu.memref_squeeze %dma_wait3A_530 : memref<1x40xi32, #tpu.memory_space<vmem>> -> memref<40xi32, #tpu.memory_space<vmem>>
      %dma_wait3A_532 = arith.constant 0 : i32
      %dma_wait3A_533 = arith.constant 0 : i32
      %dma_wait3A_534 = tpu.memref_slice %arg3[%dma_wait3A_532, %dma_wait3A_533] : memref<10000x128xi32, #tpu.memory_space<hbm>> -> memref<10000x128xi32, #tpu.memory_space<hbm>>
      tpu.wait_indirect_dma semaphore(%arg16 : memref<!tpu.dma_semaphore, #tpu.memory_space<semaphore_mem>>) src(%dma_wait3A_534 : memref<10000x128xi32, #tpu.memory_space<hbm>>) dst(%dma_wait3A_528 : memref<40x128xi32, #tpu.memory_space<vmem>>)
      %add3A_535 = arith.constant 4 : i32
      %add3A_536 = arith.addi %mul3A_149, %add3A_535 : i32
      %mul3A_537 = arith.constant 40 : i32
      %mul3A_538 = arith.muli %add3A_536, %mul3A_537 : i32
      %add3A_539 = arith.addi %mul3A_2, %mul3A_538 : i32
      %dma_start3A_540 = arith.constant 4 : i32
      %dma_start3A_541 = arith.constant 0 : i32
      %dma_start3A_542 = arith.constant 0 : i32
      %dma_start3A_543 = tpu.memref_slice %arg10[%dma_start3A_540, %dma_start3A_541, %dma_start3A_542] : memref<5x40x128xi32, #tpu.memory_space<vmem>> -> memref<1x40x128xi32, #tpu.memory_space<vmem>>
      %dma_start3A_544 = tpu.memref_squeeze %dma_start3A_543 : memref<1x40x128xi32, #tpu.memory_space<vmem>> -> memref<40x128xi32, #tpu.memory_space<vmem>>
      %dma_start3A_545 = arith.constant 0 : i32
      %dma_start3A_546 = tpu.memref_slice %arg6[%add3A_539, %dma_start3A_545] : memref<320000x128xi32, #tpu.memory_space<hbm>> -> memref<40x128xi32, #tpu.memory_space<hbm>>
      %dma_start3A_547 = arith.constant 0 : i32
      %dma_start3A_548 = tpu.memref_slice %arg6[%add3A_539, %dma_start3A_547] : memref<320000x128xi32, #tpu.memory_space<hbm>> -> memref<40x128xi32, #tpu.memory_space<hbm>>
      %dma_start3A_549 = arith.constant 0 : i32
      %dma_start3A_550 = arith.constant 0 : i32
      %dma_start3A_551 = tpu.memref_slice %arg10[%dma_start3A_540, %dma_start3A_549, %dma_start3A_550] : memref<5x40x128xi32, #tpu.memory_space<vmem>> -> memref<1x40x128xi32, #tpu.memory_space<vmem>>
      %dma_start3A_552 = tpu.memref_squeeze %dma_start3A_551 : memref<1x40x128xi32, #tpu.memory_space<vmem>> -> memref<40x128xi32, #tpu.memory_space<vmem>>
      tpu.enqueue_dma source(%dma_start3A_552 : memref<40x128xi32, #tpu.memory_space<vmem>>) target(%dma_start3A_548 : memref<40x128xi32, #tpu.memory_space<hbm>>) target_semaphore(%arg21 : memref<!tpu.dma_semaphore, #tpu.memory_space<semaphore_mem>>)
      %dma_start3A_553 = arith.constant 4 : i32
      %dma_start3A_554 = arith.constant 0 : i32
      %dma_start3A_555 = arith.constant 0 : i32
      %dma_start3A_556 = tpu.memref_slice %arg11[%dma_start3A_553, %dma_start3A_554, %dma_start3A_555] : memref<5x40x128xi32, #tpu.memory_space<vmem>> -> memref<1x40x128xi32, #tpu.memory_space<vmem>>
      %dma_start3A_557 = tpu.memref_squeeze %dma_start3A_556 : memref<1x40x128xi32, #tpu.memory_space<vmem>> -> memref<40x128xi32, #tpu.memory_space<vmem>>
      %dma_start3A_558 = arith.constant 0 : i32
      %dma_start3A_559 = tpu.memref_slice %arg7[%add3A_539, %dma_start3A_558] : memref<320000x128xi32, #tpu.memory_space<hbm>> -> memref<40x128xi32, #tpu.memory_space<hbm>>
      %dma_start3A_560 = arith.constant 0 : i32
      %dma_start3A_561 = tpu.memref_slice %arg7[%add3A_539, %dma_start3A_560] : memref<320000x128xi32, #tpu.memory_space<hbm>> -> memref<40x128xi32, #tpu.memory_space<hbm>>
      %dma_start3A_562 = arith.constant 0 : i32
      %dma_start3A_563 = arith.constant 0 : i32
      %dma_start3A_564 = tpu.memref_slice %arg11[%dma_start3A_553, %dma_start3A_562, %dma_start3A_563] : memref<5x40x128xi32, #tpu.memory_space<vmem>> -> memref<1x40x128xi32, #tpu.memory_space<vmem>>
      %dma_start3A_565 = tpu.memref_squeeze %dma_start3A_564 : memref<1x40x128xi32, #tpu.memory_space<vmem>> -> memref<40x128xi32, #tpu.memory_space<vmem>>
      tpu.enqueue_dma source(%dma_start3A_565 : memref<40x128xi32, #tpu.memory_space<vmem>>) target(%dma_start3A_561 : memref<40x128xi32, #tpu.memory_space<hbm>>) target_semaphore(%arg21 : memref<!tpu.dma_semaphore, #tpu.memory_space<semaphore_mem>>)
    }
    %scan3A_7 = arith.constant 50 : i32
    %add3A_8 = arith.constant 9800 : i32
    %add3A_9 = arith.addi %mul3A_2, %add3A_8 : i32
    %dma_wait3A = arith.constant 0 : i32
    %dma_wait3A_10 = arith.constant 0 : i32
    %dma_wait3A_11 = arith.constant 0 : i32
    %dma_wait3A_12 = tpu.memref_slice %arg10[%dma_wait3A, %dma_wait3A_10, %dma_wait3A_11] : memref<5x40x128xi32, #tpu.memory_space<vmem>> -> memref<1x40x128xi32, #tpu.memory_space<vmem>>
    %dma_wait3A_13 = tpu.memref_squeeze %dma_wait3A_12 : memref<1x40x128xi32, #tpu.memory_space<vmem>> -> memref<40x128xi32, #tpu.memory_space<vmem>>
    %dma_wait3A_14 = arith.constant 0 : i32
    %dma_wait3A_15 = tpu.memref_slice %arg6[%add3A_9, %dma_wait3A_14] : memref<320000x128xi32, #tpu.memory_space<hbm>> -> memref<40x128xi32, #tpu.memory_space<hbm>>
    %dma_wait3A_16 = arith.constant 0 : i32
    %dma_wait3A_17 = tpu.memref_slice %arg6[%add3A_9, %dma_wait3A_16] : memref<320000x128xi32, #tpu.memory_space<hbm>> -> memref<40x128xi32, #tpu.memory_space<hbm>>
    %dma_wait3A_18 = arith.constant 0 : i32
    %dma_wait3A_19 = arith.constant 0 : i32
    %dma_wait3A_20 = tpu.memref_slice %arg10[%dma_wait3A, %dma_wait3A_18, %dma_wait3A_19] : memref<5x40x128xi32, #tpu.memory_space<vmem>> -> memref<1x40x128xi32, #tpu.memory_space<vmem>>
    %dma_wait3A_21 = tpu.memref_squeeze %dma_wait3A_20 : memref<1x40x128xi32, #tpu.memory_space<vmem>> -> memref<40x128xi32, #tpu.memory_space<vmem>>
    tpu.wait_dma2 semaphore(%arg17 : memref<!tpu.dma_semaphore, #tpu.memory_space<semaphore_mem>>) src(%dma_wait3A_21 : memref<40x128xi32, #tpu.memory_space<vmem>>) dst(%dma_wait3A_17 : memref<40x128xi32, #tpu.memory_space<hbm>>)
    %dma_wait3A_22 = arith.constant 0 : i32
    %dma_wait3A_23 = arith.constant 0 : i32
    %dma_wait3A_24 = arith.constant 0 : i32
    %dma_wait3A_25 = tpu.memref_slice %arg11[%dma_wait3A_22, %dma_wait3A_23, %dma_wait3A_24] : memref<5x40x128xi32, #tpu.memory_space<vmem>> -> memref<1x40x128xi32, #tpu.memory_space<vmem>>
    %dma_wait3A_26 = tpu.memref_squeeze %dma_wait3A_25 : memref<1x40x128xi32, #tpu.memory_space<vmem>> -> memref<40x128xi32, #tpu.memory_space<vmem>>
    %dma_wait3A_27 = arith.constant 0 : i32
    %dma_wait3A_28 = tpu.memref_slice %arg7[%add3A_9, %dma_wait3A_27] : memref<320000x128xi32, #tpu.memory_space<hbm>> -> memref<40x128xi32, #tpu.memory_space<hbm>>
    %dma_wait3A_29 = arith.constant 0 : i32
    %dma_wait3A_30 = tpu.memref_slice %arg7[%add3A_9, %dma_wait3A_29] : memref<320000x128xi32, #tpu.memory_space<hbm>> -> memref<40x128xi32, #tpu.memory_space<hbm>>
    %dma_wait3A_31 = arith.constant 0 : i32
    %dma_wait3A_32 = arith.constant 0 : i32
    %dma_wait3A_33 = tpu.memref_slice %arg11[%dma_wait3A_22, %dma_wait3A_31, %dma_wait3A_32] : memref<5x40x128xi32, #tpu.memory_space<vmem>> -> memref<1x40x128xi32, #tpu.memory_space<vmem>>
    %dma_wait3A_34 = tpu.memref_squeeze %dma_wait3A_33 : memref<1x40x128xi32, #tpu.memory_space<vmem>> -> memref<40x128xi32, #tpu.memory_space<vmem>>
    tpu.wait_dma2 semaphore(%arg17 : memref<!tpu.dma_semaphore, #tpu.memory_space<semaphore_mem>>) src(%dma_wait3A_34 : memref<40x128xi32, #tpu.memory_space<vmem>>) dst(%dma_wait3A_30 : memref<40x128xi32, #tpu.memory_space<hbm>>)
    %add3A_35 = arith.constant 9840 : i32
    %add3A_36 = arith.addi %mul3A_2, %add3A_35 : i32
    %dma_wait3A_37 = arith.constant 1 : i32
    %dma_wait3A_38 = arith.constant 0 : i32
    %dma_wait3A_39 = arith.constant 0 : i32
    %dma_wait3A_40 = tpu.memref_slice %arg10[%dma_wait3A_37, %dma_wait3A_38, %dma_wait3A_39] : memref<5x40x128xi32, #tpu.memory_space<vmem>> -> memref<1x40x128xi32, #tpu.memory_space<vmem>>
    %dma_wait3A_41 = tpu.memref_squeeze %dma_wait3A_40 : memref<1x40x128xi32, #tpu.memory_space<vmem>> -> memref<40x128xi32, #tpu.memory_space<vmem>>
    %dma_wait3A_42 = arith.constant 0 : i32
    %dma_wait3A_43 = tpu.memref_slice %arg6[%add3A_36, %dma_wait3A_42] : memref<320000x128xi32, #tpu.memory_space<hbm>> -> memref<40x128xi32, #tpu.memory_space<hbm>>
    %dma_wait3A_44 = arith.constant 0 : i32
    %dma_wait3A_45 = tpu.memref_slice %arg6[%add3A_36, %dma_wait3A_44] : memref<320000x128xi32, #tpu.memory_space<hbm>> -> memref<40x128xi32, #tpu.memory_space<hbm>>
    %dma_wait3A_46 = arith.constant 0 : i32
    %dma_wait3A_47 = arith.constant 0 : i32
    %dma_wait3A_48 = tpu.memref_slice %arg10[%dma_wait3A_37, %dma_wait3A_46, %dma_wait3A_47] : memref<5x40x128xi32, #tpu.memory_space<vmem>> -> memref<1x40x128xi32, #tpu.memory_space<vmem>>
    %dma_wait3A_49 = tpu.memref_squeeze %dma_wait3A_48 : memref<1x40x128xi32, #tpu.memory_space<vmem>> -> memref<40x128xi32, #tpu.memory_space<vmem>>
    tpu.wait_dma2 semaphore(%arg18 : memref<!tpu.dma_semaphore, #tpu.memory_space<semaphore_mem>>) src(%dma_wait3A_49 : memref<40x128xi32, #tpu.memory_space<vmem>>) dst(%dma_wait3A_45 : memref<40x128xi32, #tpu.memory_space<hbm>>)
    %dma_wait3A_50 = arith.constant 1 : i32
    %dma_wait3A_51 = arith.constant 0 : i32
    %dma_wait3A_52 = arith.constant 0 : i32
    %dma_wait3A_53 = tpu.memref_slice %arg11[%dma_wait3A_50, %dma_wait3A_51, %dma_wait3A_52] : memref<5x40x128xi32, #tpu.memory_space<vmem>> -> memref<1x40x128xi32, #tpu.memory_space<vmem>>
    %dma_wait3A_54 = tpu.memref_squeeze %dma_wait3A_53 : memref<1x40x128xi32, #tpu.memory_space<vmem>> -> memref<40x128xi32, #tpu.memory_space<vmem>>
    %dma_wait3A_55 = arith.constant 0 : i32
    %dma_wait3A_56 = tpu.memref_slice %arg7[%add3A_36, %dma_wait3A_55] : memref<320000x128xi32, #tpu.memory_space<hbm>> -> memref<40x128xi32, #tpu.memory_space<hbm>>
    %dma_wait3A_57 = arith.constant 0 : i32
    %dma_wait3A_58 = tpu.memref_slice %arg7[%add3A_36, %dma_wait3A_57] : memref<320000x128xi32, #tpu.memory_space<hbm>> -> memref<40x128xi32, #tpu.memory_space<hbm>>
    %dma_wait3A_59 = arith.constant 0 : i32
    %dma_wait3A_60 = arith.constant 0 : i32
    %dma_wait3A_61 = tpu.memref_slice %arg11[%dma_wait3A_50, %dma_wait3A_59, %dma_wait3A_60] : memref<5x40x128xi32, #tpu.memory_space<vmem>> -> memref<1x40x128xi32, #tpu.memory_space<vmem>>
    %dma_wait3A_62 = tpu.memref_squeeze %dma_wait3A_61 : memref<1x40x128xi32, #tpu.memory_space<vmem>> -> memref<40x128xi32, #tpu.memory_space<vmem>>
    tpu.wait_dma2 semaphore(%arg18 : memref<!tpu.dma_semaphore, #tpu.memory_space<semaphore_mem>>) src(%dma_wait3A_62 : memref<40x128xi32, #tpu.memory_space<vmem>>) dst(%dma_wait3A_58 : memref<40x128xi32, #tpu.memory_space<hbm>>)
    %add3A_63 = arith.constant 9880 : i32
    %add3A_64 = arith.addi %mul3A_2, %add3A_63 : i32
    %dma_wait3A_65 = arith.constant 2 : i32
    %dma_wait3A_66 = arith.constant 0 : i32
    %dma_wait3A_67 = arith.constant 0 : i32
    %dma_wait3A_68 = tpu.memref_slice %arg10[%dma_wait3A_65, %dma_wait3A_66, %dma_wait3A_67] : memref<5x40x128xi32, #tpu.memory_space<vmem>> -> memref<1x40x128xi32, #tpu.memory_space<vmem>>
    %dma_wait3A_69 = tpu.memref_squeeze %dma_wait3A_68 : memref<1x40x128xi32, #tpu.memory_space<vmem>> -> memref<40x128xi32, #tpu.memory_space<vmem>>
    %dma_wait3A_70 = arith.constant 0 : i32
    %dma_wait3A_71 = tpu.memref_slice %arg6[%add3A_64, %dma_wait3A_70] : memref<320000x128xi32, #tpu.memory_space<hbm>> -> memref<40x128xi32, #tpu.memory_space<hbm>>
    %dma_wait3A_72 = arith.constant 0 : i32
    %dma_wait3A_73 = tpu.memref_slice %arg6[%add3A_64, %dma_wait3A_72] : memref<320000x128xi32, #tpu.memory_space<hbm>> -> memref<40x128xi32, #tpu.memory_space<hbm>>
    %dma_wait3A_74 = arith.constant 0 : i32
    %dma_wait3A_75 = arith.constant 0 : i32
    %dma_wait3A_76 = tpu.memref_slice %arg10[%dma_wait3A_65, %dma_wait3A_74, %dma_wait3A_75] : memref<5x40x128xi32, #tpu.memory_space<vmem>> -> memref<1x40x128xi32, #tpu.memory_space<vmem>>
    %dma_wait3A_77 = tpu.memref_squeeze %dma_wait3A_76 : memref<1x40x128xi32, #tpu.memory_space<vmem>> -> memref<40x128xi32, #tpu.memory_space<vmem>>
    tpu.wait_dma2 semaphore(%arg19 : memref<!tpu.dma_semaphore, #tpu.memory_space<semaphore_mem>>) src(%dma_wait3A_77 : memref<40x128xi32, #tpu.memory_space<vmem>>) dst(%dma_wait3A_73 : memref<40x128xi32, #tpu.memory_space<hbm>>)
    %dma_wait3A_78 = arith.constant 2 : i32
    %dma_wait3A_79 = arith.constant 0 : i32
    %dma_wait3A_80 = arith.constant 0 : i32
    %dma_wait3A_81 = tpu.memref_slice %arg11[%dma_wait3A_78, %dma_wait3A_79, %dma_wait3A_80] : memref<5x40x128xi32, #tpu.memory_space<vmem>> -> memref<1x40x128xi32, #tpu.memory_space<vmem>>
    %dma_wait3A_82 = tpu.memref_squeeze %dma_wait3A_81 : memref<1x40x128xi32, #tpu.memory_space<vmem>> -> memref<40x128xi32, #tpu.memory_space<vmem>>
    %dma_wait3A_83 = arith.constant 0 : i32
    %dma_wait3A_84 = tpu.memref_slice %arg7[%add3A_64, %dma_wait3A_83] : memref<320000x128xi32, #tpu.memory_space<hbm>> -> memref<40x128xi32, #tpu.memory_space<hbm>>
    %dma_wait3A_85 = arith.constant 0 : i32
    %dma_wait3A_86 = tpu.memref_slice %arg7[%add3A_64, %dma_wait3A_85] : memref<320000x128xi32, #tpu.memory_space<hbm>> -> memref<40x128xi32, #tpu.memory_space<hbm>>
    %dma_wait3A_87 = arith.constant 0 : i32
    %dma_wait3A_88 = arith.constant 0 : i32
    %dma_wait3A_89 = tpu.memref_slice %arg11[%dma_wait3A_78, %dma_wait3A_87, %dma_wait3A_88] : memref<5x40x128xi32, #tpu.memory_space<vmem>> -> memref<1x40x128xi32, #tpu.memory_space<vmem>>
    %dma_wait3A_90 = tpu.memref_squeeze %dma_wait3A_89 : memref<1x40x128xi32, #tpu.memory_space<vmem>> -> memref<40x128xi32, #tpu.memory_space<vmem>>
    tpu.wait_dma2 semaphore(%arg19 : memref<!tpu.dma_semaphore, #tpu.memory_space<semaphore_mem>>) src(%dma_wait3A_90 : memref<40x128xi32, #tpu.memory_space<vmem>>) dst(%dma_wait3A_86 : memref<40x128xi32, #tpu.memory_space<hbm>>)
    %add3A_91 = arith.constant 9920 : i32
    %add3A_92 = arith.addi %mul3A_2, %add3A_91 : i32
    %dma_wait3A_93 = arith.constant 3 : i32
    %dma_wait3A_94 = arith.constant 0 : i32
    %dma_wait3A_95 = arith.constant 0 : i32
    %dma_wait3A_96 = tpu.memref_slice %arg10[%dma_wait3A_93, %dma_wait3A_94, %dma_wait3A_95] : memref<5x40x128xi32, #tpu.memory_space<vmem>> -> memref<1x40x128xi32, #tpu.memory_space<vmem>>
    %dma_wait3A_97 = tpu.memref_squeeze %dma_wait3A_96 : memref<1x40x128xi32, #tpu.memory_space<vmem>> -> memref<40x128xi32, #tpu.memory_space<vmem>>
    %dma_wait3A_98 = arith.constant 0 : i32
    %dma_wait3A_99 = tpu.memref_slice %arg6[%add3A_92, %dma_wait3A_98] : memref<320000x128xi32, #tpu.memory_space<hbm>> -> memref<40x128xi32, #tpu.memory_space<hbm>>
    %dma_wait3A_100 = arith.constant 0 : i32
    %dma_wait3A_101 = tpu.memref_slice %arg6[%add3A_92, %dma_wait3A_100] : memref<320000x128xi32, #tpu.memory_space<hbm>> -> memref<40x128xi32, #tpu.memory_space<hbm>>
    %dma_wait3A_102 = arith.constant 0 : i32
    %dma_wait3A_103 = arith.constant 0 : i32
    %dma_wait3A_104 = tpu.memref_slice %arg10[%dma_wait3A_93, %dma_wait3A_102, %dma_wait3A_103] : memref<5x40x128xi32, #tpu.memory_space<vmem>> -> memref<1x40x128xi32, #tpu.memory_space<vmem>>
    %dma_wait3A_105 = tpu.memref_squeeze %dma_wait3A_104 : memref<1x40x128xi32, #tpu.memory_space<vmem>> -> memref<40x128xi32, #tpu.memory_space<vmem>>
    tpu.wait_dma2 semaphore(%arg20 : memref<!tpu.dma_semaphore, #tpu.memory_space<semaphore_mem>>) src(%dma_wait3A_105 : memref<40x128xi32, #tpu.memory_space<vmem>>) dst(%dma_wait3A_101 : memref<40x128xi32, #tpu.memory_space<hbm>>)
    %dma_wait3A_106 = arith.constant 3 : i32
    %dma_wait3A_107 = arith.constant 0 : i32
    %dma_wait3A_108 = arith.constant 0 : i32
    %dma_wait3A_109 = tpu.memref_slice %arg11[%dma_wait3A_106, %dma_wait3A_107, %dma_wait3A_108] : memref<5x40x128xi32, #tpu.memory_space<vmem>> -> memref<1x40x128xi32, #tpu.memory_space<vmem>>
    %dma_wait3A_110 = tpu.memref_squeeze %dma_wait3A_109 : memref<1x40x128xi32, #tpu.memory_space<vmem>> -> memref<40x128xi32, #tpu.memory_space<vmem>>
    %dma_wait3A_111 = arith.constant 0 : i32
    %dma_wait3A_112 = tpu.memref_slice %arg7[%add3A_92, %dma_wait3A_111] : memref<320000x128xi32, #tpu.memory_space<hbm>> -> memref<40x128xi32, #tpu.memory_space<hbm>>
    %dma_wait3A_113 = arith.constant 0 : i32
    %dma_wait3A_114 = tpu.memref_slice %arg7[%add3A_92, %dma_wait3A_113] : memref<320000x128xi32, #tpu.memory_space<hbm>> -> memref<40x128xi32, #tpu.memory_space<hbm>>
    %dma_wait3A_115 = arith.constant 0 : i32
    %dma_wait3A_116 = arith.constant 0 : i32
    %dma_wait3A_117 = tpu.memref_slice %arg11[%dma_wait3A_106, %dma_wait3A_115, %dma_wait3A_116] : memref<5x40x128xi32, #tpu.memory_space<vmem>> -> memref<1x40x128xi32, #tpu.memory_space<vmem>>
    %dma_wait3A_118 = tpu.memref_squeeze %dma_wait3A_117 : memref<1x40x128xi32, #tpu.memory_space<vmem>> -> memref<40x128xi32, #tpu.memory_space<vmem>>
    tpu.wait_dma2 semaphore(%arg20 : memref<!tpu.dma_semaphore, #tpu.memory_space<semaphore_mem>>) src(%dma_wait3A_118 : memref<40x128xi32, #tpu.memory_space<vmem>>) dst(%dma_wait3A_114 : memref<40x128xi32, #tpu.memory_space<hbm>>)
    %add3A_119 = arith.constant 9960 : i32
    %add3A_120 = arith.addi %mul3A_2, %add3A_119 : i32
    %dma_wait3A_121 = arith.constant 4 : i32
    %dma_wait3A_122 = arith.constant 0 : i32
    %dma_wait3A_123 = arith.constant 0 : i32
    %dma_wait3A_124 = tpu.memref_slice %arg10[%dma_wait3A_121, %dma_wait3A_122, %dma_wait3A_123] : memref<5x40x128xi32, #tpu.memory_space<vmem>> -> memref<1x40x128xi32, #tpu.memory_space<vmem>>
    %dma_wait3A_125 = tpu.memref_squeeze %dma_wait3A_124 : memref<1x40x128xi32, #tpu.memory_space<vmem>> -> memref<40x128xi32, #tpu.memory_space<vmem>>
    %dma_wait3A_126 = arith.constant 0 : i32
    %dma_wait3A_127 = tpu.memref_slice %arg6[%add3A_120, %dma_wait3A_126] : memref<320000x128xi32, #tpu.memory_space<hbm>> -> memref<40x128xi32, #tpu.memory_space<hbm>>
    %dma_wait3A_128 = arith.constant 0 : i32
    %dma_wait3A_129 = tpu.memref_slice %arg6[%add3A_120, %dma_wait3A_128] : memref<320000x128xi32, #tpu.memory_space<hbm>> -> memref<40x128xi32, #tpu.memory_space<hbm>>
    %dma_wait3A_130 = arith.constant 0 : i32
    %dma_wait3A_131 = arith.constant 0 : i32
    %dma_wait3A_132 = tpu.memref_slice %arg10[%dma_wait3A_121, %dma_wait3A_130, %dma_wait3A_131] : memref<5x40x128xi32, #tpu.memory_space<vmem>> -> memref<1x40x128xi32, #tpu.memory_space<vmem>>
    %dma_wait3A_133 = tpu.memref_squeeze %dma_wait3A_132 : memref<1x40x128xi32, #tpu.memory_space<vmem>> -> memref<40x128xi32, #tpu.memory_space<vmem>>
    tpu.wait_dma2 semaphore(%arg21 : memref<!tpu.dma_semaphore, #tpu.memory_space<semaphore_mem>>) src(%dma_wait3A_133 : memref<40x128xi32, #tpu.memory_space<vmem>>) dst(%dma_wait3A_129 : memref<40x128xi32, #tpu.memory_space<hbm>>)
    %dma_wait3A_134 = arith.constant 4 : i32
    %dma_wait3A_135 = arith.constant 0 : i32
    %dma_wait3A_136 = arith.constant 0 : i32
    %dma_wait3A_137 = tpu.memref_slice %arg11[%dma_wait3A_134, %dma_wait3A_135, %dma_wait3A_136] : memref<5x40x128xi32, #tpu.memory_space<vmem>> -> memref<1x40x128xi32, #tpu.memory_space<vmem>>
    %dma_wait3A_138 = tpu.memref_squeeze %dma_wait3A_137 : memref<1x40x128xi32, #tpu.memory_space<vmem>> -> memref<40x128xi32, #tpu.memory_space<vmem>>
    %dma_wait3A_139 = arith.constant 0 : i32
    %dma_wait3A_140 = tpu.memref_slice %arg7[%add3A_120, %dma_wait3A_139] : memref<320000x128xi32, #tpu.memory_space<hbm>> -> memref<40x128xi32, #tpu.memory_space<hbm>>
    %dma_wait3A_141 = arith.constant 0 : i32
    %dma_wait3A_142 = tpu.memref_slice %arg7[%add3A_120, %dma_wait3A_141] : memref<320000x128xi32, #tpu.memory_space<hbm>> -> memref<40x128xi32, #tpu.memory_space<hbm>>
    %dma_wait3A_143 = arith.constant 0 : i32
    %dma_wait3A_144 = arith.constant 0 : i32
    %dma_wait3A_145 = tpu.memref_slice %arg11[%dma_wait3A_134, %dma_wait3A_143, %dma_wait3A_144] : memref<5x40x128xi32, #tpu.memory_space<vmem>> -> memref<1x40x128xi32, #tpu.memory_space<vmem>>
    %dma_wait3A_146 = tpu.memref_squeeze %dma_wait3A_145 : memref<1x40x128xi32, #tpu.memory_space<vmem>> -> memref<40x128xi32, #tpu.memory_space<vmem>>
    tpu.wait_dma2 semaphore(%arg21 : memref<!tpu.dma_semaphore, #tpu.memory_space<semaphore_mem>>) src(%dma_wait3A_146 : memref<40x128xi32, #tpu.memory_space<vmem>>) dst(%dma_wait3A_142 : memref<40x128xi32, #tpu.memory_space<hbm>>)
    return
  }
}

#map = affine_map<(d0, d1) -> (0, 0)>
#map1 = affine_map<(d0, d1) -> (0, 0, 0)>
module attributes {stable_mosaic.version = 14 : i64} {
  func.func @sk(%arg0: i32, %arg1: i32, %arg2: memref<320000x128xf32, #tpu.memory_space<hbm>>, %arg3: memref<32x250x40xi32, #tpu.memory_space<hbm>>, %arg4: memref<10112x128xf32, #tpu.memory_space<hbm>>, %arg5: memref<20224x128xf32, #tpu.memory_space<hbm>>, %arg6: memref<250x40xi32, #tpu.memory_space<vmem>>, %arg7: memref<2x40x128xf32, #tpu.memory_space<vmem>>, %arg8: memref<10112x128xf32, #tpu.memory_space<vmem_shared>>, %arg9: memref<!tpu.dma_semaphore, #tpu.memory_space<semaphore_mem>>, %arg10: memref<!tpu.dma_semaphore, #tpu.memory_space<semaphore_mem>>) attributes {dimension_semantics = [#tpu.dimension_semantics<core_parallel>, #tpu.dimension_semantics<subcore_parallel>], iteration_bounds = array<i64: 2, 16>, scalar_prefetch = 0 : i64, scratch_operands = 5 : i64, tpu.core_type = #tpu.core_type<sc_vector_subcore>, window_params = [{transform_indices = #map}, {transform_indices = #map1}, {transform_indices = #map}, {transform_indices = #map}]} {
    %mul3A = arith.constant 632 : i32
    %mul3A_0 = arith.muli %arg1, %mul3A : i32
    "tpu.region"() ({
      %run_scoped3A = tpu.sem_alloc : memref<!tpu.dma_semaphore, #tpu.memory_space<semaphore_mem>>
      %dma_start3A = arith.constant 0 : i32
      %dma_start3A_14 = tpu.memref_slice %arg8[%mul3A_0, %dma_start3A] : memref<10112x128xf32, #tpu.memory_space<vmem_shared>> -> memref<632x128xf32, #tpu.memory_space<vmem_shared>>
      %dma_start3A_15 = arith.constant 0 : i32
      %dma_start3A_16 = tpu.memref_slice %arg4[%mul3A_0, %dma_start3A_15] : memref<10112x128xf32, #tpu.memory_space<hbm>> -> memref<632x128xf32, #tpu.memory_space<hbm>>
      tpu.enqueue_dma source(%dma_start3A_16 : memref<632x128xf32, #tpu.memory_space<hbm>>) target(%dma_start3A_14 : memref<632x128xf32, #tpu.memory_space<vmem_shared>>) target_semaphore(%run_scoped3A : memref<!tpu.dma_semaphore, #tpu.memory_space<semaphore_mem>>)
      %dma_wait3A = arith.constant 0 : i32
      %dma_wait3A_17 = tpu.memref_slice %arg8[%mul3A_0, %dma_wait3A] : memref<10112x128xf32, #tpu.memory_space<vmem_shared>> -> memref<632x128xf32, #tpu.memory_space<vmem_shared>>
      %dma_wait3A_18 = arith.constant 0 : i32
      %dma_wait3A_19 = tpu.memref_slice %arg4[%mul3A_0, %dma_wait3A_18] : memref<10112x128xf32, #tpu.memory_space<hbm>> -> memref<632x128xf32, #tpu.memory_space<hbm>>
      tpu.wait_dma2 semaphore(%run_scoped3A : memref<!tpu.dma_semaphore, #tpu.memory_space<semaphore_mem>>) src(%dma_wait3A_19 : memref<632x128xf32, #tpu.memory_space<hbm>>) dst(%dma_wait3A_17 : memref<632x128xf32, #tpu.memory_space<vmem_shared>>)
      tpu.yield
    }) : () -> ()
    %mul3A_1 = arith.constant 16 : i32
    %mul3A_2 = arith.muli %arg0, %mul3A_1 : i32
    %add3A = arith.addi %mul3A_2, %arg1 : i32
    %mul3A_3 = arith.constant 10000 : i32
    %mul3A_4 = arith.muli %add3A, %mul3A_3 : i32
    "tpu.region"() ({
      %run_scoped3A = tpu.sem_alloc : memref<!tpu.dma_semaphore, #tpu.memory_space<semaphore_mem>>
      %dma_start3A = arith.constant 0 : i32
      %dma_start3A_14 = arith.constant 0 : i32
      %dma_start3A_15 = tpu.memref_slice %arg3[%add3A, %dma_start3A, %dma_start3A_14] : memref<32x250x40xi32, #tpu.memory_space<hbm>> -> memref<1x250x40xi32, #tpu.memory_space<hbm>>
      %dma_start3A_16 = tpu.memref_squeeze %dma_start3A_15 : memref<1x250x40xi32, #tpu.memory_space<hbm>> -> memref<250x40xi32, #tpu.memory_space<hbm>>
      %dma_start3A_17 = arith.constant 0 : i32
      %dma_start3A_18 = arith.constant 0 : i32
      %dma_start3A_19 = tpu.memref_slice %arg3[%add3A, %dma_start3A_17, %dma_start3A_18] : memref<32x250x40xi32, #tpu.memory_space<hbm>> -> memref<1x250x40xi32, #tpu.memory_space<hbm>>
      %dma_start3A_20 = tpu.memref_squeeze %dma_start3A_19 : memref<1x250x40xi32, #tpu.memory_space<hbm>> -> memref<250x40xi32, #tpu.memory_space<hbm>>
      tpu.enqueue_dma source(%dma_start3A_20 : memref<250x40xi32, #tpu.memory_space<hbm>>) target(%arg6 : memref<250x40xi32, #tpu.memory_space<vmem>>) target_semaphore(%run_scoped3A : memref<!tpu.dma_semaphore, #tpu.memory_space<semaphore_mem>>)
      %dma_wait3A = arith.constant 0 : i32
      %dma_wait3A_21 = arith.constant 0 : i32
      %dma_wait3A_22 = tpu.memref_slice %arg3[%add3A, %dma_wait3A, %dma_wait3A_21] : memref<32x250x40xi32, #tpu.memory_space<hbm>> -> memref<1x250x40xi32, #tpu.memory_space<hbm>>
      %dma_wait3A_23 = tpu.memref_squeeze %dma_wait3A_22 : memref<1x250x40xi32, #tpu.memory_space<hbm>> -> memref<250x40xi32, #tpu.memory_space<hbm>>
      %dma_wait3A_24 = arith.constant 0 : i32
      %dma_wait3A_25 = arith.constant 0 : i32
      %dma_wait3A_26 = tpu.memref_slice %arg3[%add3A, %dma_wait3A_24, %dma_wait3A_25] : memref<32x250x40xi32, #tpu.memory_space<hbm>> -> memref<1x250x40xi32, #tpu.memory_space<hbm>>
      %dma_wait3A_27 = tpu.memref_squeeze %dma_wait3A_26 : memref<1x250x40xi32, #tpu.memory_space<hbm>> -> memref<250x40xi32, #tpu.memory_space<hbm>>
      tpu.wait_dma2 semaphore(%run_scoped3A : memref<!tpu.dma_semaphore, #tpu.memory_space<semaphore_mem>>) src(%dma_wait3A_27 : memref<250x40xi32, #tpu.memory_space<hbm>>) dst(%arg6 : memref<250x40xi32, #tpu.memory_space<vmem>>)
      tpu.yield
    }) : () -> ()
    %barrier3A = arith.constant 0 : index
    tpu.barrier barrier_id(%barrier3A)
    %scan3A = arith.constant 0 : i32
    %scan3A_5 = arith.constant 0 : i32
    %scan3A_6 = arith.constant 125 : i32
    %scan3A_7 = arith.addi %scan3A_5, %scan3A_6 : i32
    %scan3A_8 = arith.constant 1 : i32
    scf.for %scan3A_14 = %scan3A_5 to %scan3A_7 step %scan3A_8  : i32 {
      %mul3A_15 = arith.constant 2 : i32
      %mul3A_16 = arith.muli %scan3A_14, %mul3A_15 : i32
      %add3A_17 = arith.constant 0 : i32
      %add3A_18 = arith.addi %mul3A_16, %add3A_17 : i32
      %mul3A_19 = arith.constant 40 : i32
      %mul3A_20 = arith.muli %add3A_18, %mul3A_19 : i32
      %add3A_21 = arith.addi %mul3A_4, %mul3A_20 : i32
      %dma_start3A = arith.constant 0 : i32
      %dma_start3A_22 = arith.constant 0 : i32
      %dma_start3A_23 = arith.constant 0 : i32
      %dma_start3A_24 = tpu.memref_slice %arg7[%dma_start3A, %dma_start3A_22, %dma_start3A_23] : memref<2x40x128xf32, #tpu.memory_space<vmem>> -> memref<1x40x128xf32, #tpu.memory_space<vmem>>
      %dma_start3A_25 = tpu.memref_squeeze %dma_start3A_24 : memref<1x40x128xf32, #tpu.memory_space<vmem>> -> memref<40x128xf32, #tpu.memory_space<vmem>>
      %dma_start3A_26 = arith.constant 0 : i32
      %dma_start3A_27 = tpu.memref_slice %arg2[%add3A_21, %dma_start3A_26] : memref<320000x128xf32, #tpu.memory_space<hbm>> -> memref<40x128xf32, #tpu.memory_space<hbm>>
      %dma_start3A_28 = arith.constant 0 : i32
      %dma_start3A_29 = arith.constant 0 : i32
      %dma_start3A_30 = tpu.memref_slice %arg7[%dma_start3A, %dma_start3A_28, %dma_start3A_29] : memref<2x40x128xf32, #tpu.memory_space<vmem>> -> memref<1x40x128xf32, #tpu.memory_space<vmem>>
      %dma_start3A_31 = tpu.memref_squeeze %dma_start3A_30 : memref<1x40x128xf32, #tpu.memory_space<vmem>> -> memref<40x128xf32, #tpu.memory_space<vmem>>
      %dma_start3A_32 = arith.constant 0 : i32
      %dma_start3A_33 = tpu.memref_slice %arg2[%add3A_21, %dma_start3A_32] : memref<320000x128xf32, #tpu.memory_space<hbm>> -> memref<40x128xf32, #tpu.memory_space<hbm>>
      tpu.enqueue_dma source(%dma_start3A_33 : memref<40x128xf32, #tpu.memory_space<hbm>>) target(%dma_start3A_31 : memref<40x128xf32, #tpu.memory_space<vmem>>) target_semaphore(%arg9 : memref<!tpu.dma_semaphore, #tpu.memory_space<semaphore_mem>>)
      %add3A_34 = arith.constant 1 : i32
      %add3A_35 = arith.addi %mul3A_16, %add3A_34 : i32
      %mul3A_36 = arith.constant 40 : i32
      %mul3A_37 = arith.muli %add3A_35, %mul3A_36 : i32
      %add3A_38 = arith.addi %mul3A_4, %mul3A_37 : i32
      %dma_start3A_39 = arith.constant 1 : i32
      %dma_start3A_40 = arith.constant 0 : i32
      %dma_start3A_41 = arith.constant 0 : i32
      %dma_start3A_42 = tpu.memref_slice %arg7[%dma_start3A_39, %dma_start3A_40, %dma_start3A_41] : memref<2x40x128xf32, #tpu.memory_space<vmem>> -> memref<1x40x128xf32, #tpu.memory_space<vmem>>
      %dma_start3A_43 = tpu.memref_squeeze %dma_start3A_42 : memref<1x40x128xf32, #tpu.memory_space<vmem>> -> memref<40x128xf32, #tpu.memory_space<vmem>>
      %dma_start3A_44 = arith.constant 0 : i32
      %dma_start3A_45 = tpu.memref_slice %arg2[%add3A_38, %dma_start3A_44] : memref<320000x128xf32, #tpu.memory_space<hbm>> -> memref<40x128xf32, #tpu.memory_space<hbm>>
      %dma_start3A_46 = arith.constant 0 : i32
      %dma_start3A_47 = arith.constant 0 : i32
      %dma_start3A_48 = tpu.memref_slice %arg7[%dma_start3A_39, %dma_start3A_46, %dma_start3A_47] : memref<2x40x128xf32, #tpu.memory_space<vmem>> -> memref<1x40x128xf32, #tpu.memory_space<vmem>>
      %dma_start3A_49 = tpu.memref_squeeze %dma_start3A_48 : memref<1x40x128xf32, #tpu.memory_space<vmem>> -> memref<40x128xf32, #tpu.memory_space<vmem>>
      %dma_start3A_50 = arith.constant 0 : i32
      %dma_start3A_51 = tpu.memref_slice %arg2[%add3A_38, %dma_start3A_50] : memref<320000x128xf32, #tpu.memory_space<hbm>> -> memref<40x128xf32, #tpu.memory_space<hbm>>
      tpu.enqueue_dma source(%dma_start3A_51 : memref<40x128xf32, #tpu.memory_space<hbm>>) target(%dma_start3A_49 : memref<40x128xf32, #tpu.memory_space<vmem>>) target_semaphore(%arg10 : memref<!tpu.dma_semaphore, #tpu.memory_space<semaphore_mem>>)
      %add3A_52 = arith.constant 0 : i32
      %add3A_53 = arith.addi %mul3A_16, %add3A_52 : i32
      %mul3A_54 = arith.constant 40 : i32
      %mul3A_55 = arith.muli %add3A_53, %mul3A_54 : i32
      %add3A_56 = arith.addi %mul3A_4, %mul3A_55 : i32
      %dma_wait3A = arith.constant 0 : i32
      %dma_wait3A_57 = arith.constant 0 : i32
      %dma_wait3A_58 = arith.constant 0 : i32
      %dma_wait3A_59 = tpu.memref_slice %arg7[%dma_wait3A, %dma_wait3A_57, %dma_wait3A_58] : memref<2x40x128xf32, #tpu.memory_space<vmem>> -> memref<1x40x128xf32, #tpu.memory_space<vmem>>
      %dma_wait3A_60 = tpu.memref_squeeze %dma_wait3A_59 : memref<1x40x128xf32, #tpu.memory_space<vmem>> -> memref<40x128xf32, #tpu.memory_space<vmem>>
      %dma_wait3A_61 = arith.constant 0 : i32
      %dma_wait3A_62 = tpu.memref_slice %arg2[%add3A_56, %dma_wait3A_61] : memref<320000x128xf32, #tpu.memory_space<hbm>> -> memref<40x128xf32, #tpu.memory_space<hbm>>
      %dma_wait3A_63 = arith.constant 0 : i32
      %dma_wait3A_64 = arith.constant 0 : i32
      %dma_wait3A_65 = tpu.memref_slice %arg7[%dma_wait3A, %dma_wait3A_63, %dma_wait3A_64] : memref<2x40x128xf32, #tpu.memory_space<vmem>> -> memref<1x40x128xf32, #tpu.memory_space<vmem>>
      %dma_wait3A_66 = tpu.memref_squeeze %dma_wait3A_65 : memref<1x40x128xf32, #tpu.memory_space<vmem>> -> memref<40x128xf32, #tpu.memory_space<vmem>>
      %dma_wait3A_67 = arith.constant 0 : i32
      %dma_wait3A_68 = tpu.memref_slice %arg2[%add3A_56, %dma_wait3A_67] : memref<320000x128xf32, #tpu.memory_space<hbm>> -> memref<40x128xf32, #tpu.memory_space<hbm>>
      tpu.wait_dma2 semaphore(%arg9 : memref<!tpu.dma_semaphore, #tpu.memory_space<semaphore_mem>>) src(%dma_wait3A_68 : memref<40x128xf32, #tpu.memory_space<hbm>>) dst(%dma_wait3A_66 : memref<40x128xf32, #tpu.memory_space<vmem>>)
      %add3A_69 = arith.constant 0 : i32
      %add3A_70 = arith.addi %mul3A_16, %add3A_69 : i32
      %run_scoped3A = arith.constant 0 : i32
      "tpu.region"() ({
        %run_scoped3A_92 = tpu.sem_alloc : memref<!tpu.dma_semaphore, #tpu.memory_space<semaphore_mem>>
        %dma_start3A_93 = arith.constant 0 : i32
        %dma_start3A_94 = arith.constant 0 : i32
        %dma_start3A_95 = tpu.memref_slice %arg7[%run_scoped3A, %dma_start3A_93, %dma_start3A_94] : memref<2x40x128xf32, #tpu.memory_space<vmem>> -> memref<1x40x128xf32, #tpu.memory_space<vmem>>
        %dma_start3A_96 = tpu.memref_squeeze %dma_start3A_95 : memref<1x40x128xf32, #tpu.memory_space<vmem>> -> memref<40x128xf32, #tpu.memory_space<vmem>>
        %dma_start3A_97 = arith.constant 0 : i32
        %dma_start3A_98 = tpu.memref_slice %arg6[%add3A_70, %dma_start3A_97] : memref<250x40xi32, #tpu.memory_space<vmem>> -> memref<1x40xi32, #tpu.memory_space<vmem>>
        %dma_start3A_99 = tpu.memref_squeeze %dma_start3A_98 : memref<1x40xi32, #tpu.memory_space<vmem>> -> memref<40xi32, #tpu.memory_space<vmem>>
        %dma_start3A_100 = arith.constant 0 : i32
        %dma_start3A_101 = arith.constant 0 : i32
        %dma_start3A_102 = tpu.memref_slice %arg8[%dma_start3A_100, %dma_start3A_101] : memref<10112x128xf32, #tpu.memory_space<vmem_shared>> -> memref<10112x128xf32, #tpu.memory_space<vmem_shared>>
        tpu.enqueue_indirect_dma source(%dma_start3A_96 : memref<40x128xf32, #tpu.memory_space<vmem>>) target(%dma_start3A_102 : memref<10112x128xf32, #tpu.memory_space<vmem_shared>>) offsets(%dma_start3A_99 : memref<40xi32, #tpu.memory_space<vmem>>) semaphore(%run_scoped3A_92 : memref<!tpu.dma_semaphore, #tpu.memory_space<semaphore_mem>>) {add = true}
        %dma_wait3A_103 = arith.constant 0 : i32
        %dma_wait3A_104 = arith.constant 0 : i32
        %dma_wait3A_105 = tpu.memref_slice %arg7[%run_scoped3A, %dma_wait3A_103, %dma_wait3A_104] : memref<2x40x128xf32, #tpu.memory_space<vmem>> -> memref<1x40x128xf32, #tpu.memory_space<vmem>>
        %dma_wait3A_106 = tpu.memref_squeeze %dma_wait3A_105 : memref<1x40x128xf32, #tpu.memory_space<vmem>> -> memref<40x128xf32, #tpu.memory_space<vmem>>
        %dma_wait3A_107 = arith.constant 0 : i32
        %dma_wait3A_108 = tpu.memref_slice %arg6[%add3A_70, %dma_wait3A_107] : memref<250x40xi32, #tpu.memory_space<vmem>> -> memref<1x40xi32, #tpu.memory_space<vmem>>
        %dma_wait3A_109 = tpu.memref_squeeze %dma_wait3A_108 : memref<1x40xi32, #tpu.memory_space<vmem>> -> memref<40xi32, #tpu.memory_space<vmem>>
        %dma_wait3A_110 = arith.constant 0 : i32
        %dma_wait3A_111 = arith.constant 0 : i32
        %dma_wait3A_112 = tpu.memref_slice %arg8[%dma_wait3A_110, %dma_wait3A_111] : memref<10112x128xf32, #tpu.memory_space<vmem_shared>> -> memref<10112x128xf32, #tpu.memory_space<vmem_shared>>
        tpu.wait_indirect_dma semaphore(%run_scoped3A_92 : memref<!tpu.dma_semaphore, #tpu.memory_space<semaphore_mem>>) src(%dma_wait3A_106 : memref<40x128xf32, #tpu.memory_space<vmem>>) dst(%dma_wait3A_112 : memref<10112x128xf32, #tpu.memory_space<vmem_shared>>)
        tpu.yield
      }) : () -> ()
      %add3A_71 = arith.constant 1 : i32
      %add3A_72 = arith.addi %mul3A_16, %add3A_71 : i32
      %mul3A_73 = arith.constant 40 : i32
      %mul3A_74 = arith.muli %add3A_72, %mul3A_73 : i32
      %add3A_75 = arith.addi %mul3A_4, %mul3A_74 : i32
      %dma_wait3A_76 = arith.constant 1 : i32
      %dma_wait3A_77 = arith.constant 0 : i32
      %dma_wait3A_78 = arith.constant 0 : i32
      %dma_wait3A_79 = tpu.memref_slice %arg7[%dma_wait3A_76, %dma_wait3A_77, %dma_wait3A_78] : memref<2x40x128xf32, #tpu.memory_space<vmem>> -> memref<1x40x128xf32, #tpu.memory_space<vmem>>
      %dma_wait3A_80 = tpu.memref_squeeze %dma_wait3A_79 : memref<1x40x128xf32, #tpu.memory_space<vmem>> -> memref<40x128xf32, #tpu.memory_space<vmem>>
      %dma_wait3A_81 = arith.constant 0 : i32
      %dma_wait3A_82 = tpu.memref_slice %arg2[%add3A_75, %dma_wait3A_81] : memref<320000x128xf32, #tpu.memory_space<hbm>> -> memref<40x128xf32, #tpu.memory_space<hbm>>
      %dma_wait3A_83 = arith.constant 0 : i32
      %dma_wait3A_84 = arith.constant 0 : i32
      %dma_wait3A_85 = tpu.memref_slice %arg7[%dma_wait3A_76, %dma_wait3A_83, %dma_wait3A_84] : memref<2x40x128xf32, #tpu.memory_space<vmem>> -> memref<1x40x128xf32, #tpu.memory_space<vmem>>
      %dma_wait3A_86 = tpu.memref_squeeze %dma_wait3A_85 : memref<1x40x128xf32, #tpu.memory_space<vmem>> -> memref<40x128xf32, #tpu.memory_space<vmem>>
      %dma_wait3A_87 = arith.constant 0 : i32
      %dma_wait3A_88 = tpu.memref_slice %arg2[%add3A_75, %dma_wait3A_87] : memref<320000x128xf32, #tpu.memory_space<hbm>> -> memref<40x128xf32, #tpu.memory_space<hbm>>
      tpu.wait_dma2 semaphore(%arg10 : memref<!tpu.dma_semaphore, #tpu.memory_space<semaphore_mem>>) src(%dma_wait3A_88 : memref<40x128xf32, #tpu.memory_space<hbm>>) dst(%dma_wait3A_86 : memref<40x128xf32, #tpu.memory_space<vmem>>)
      %add3A_89 = arith.constant 1 : i32
      %add3A_90 = arith.addi %mul3A_16, %add3A_89 : i32
      %run_scoped3A_91 = arith.constant 1 : i32
      "tpu.region"() ({
        %run_scoped3A_92 = tpu.sem_alloc : memref<!tpu.dma_semaphore, #tpu.memory_space<semaphore_mem>>
        %dma_start3A_93 = arith.constant 0 : i32
        %dma_start3A_94 = arith.constant 0 : i32
        %dma_start3A_95 = tpu.memref_slice %arg7[%run_scoped3A_91, %dma_start3A_93, %dma_start3A_94] : memref<2x40x128xf32, #tpu.memory_space<vmem>> -> memref<1x40x128xf32, #tpu.memory_space<vmem>>
        %dma_start3A_96 = tpu.memref_squeeze %dma_start3A_95 : memref<1x40x128xf32, #tpu.memory_space<vmem>> -> memref<40x128xf32, #tpu.memory_space<vmem>>
        %dma_start3A_97 = arith.constant 0 : i32
        %dma_start3A_98 = tpu.memref_slice %arg6[%add3A_90, %dma_start3A_97] : memref<250x40xi32, #tpu.memory_space<vmem>> -> memref<1x40xi32, #tpu.memory_space<vmem>>
        %dma_start3A_99 = tpu.memref_squeeze %dma_start3A_98 : memref<1x40xi32, #tpu.memory_space<vmem>> -> memref<40xi32, #tpu.memory_space<vmem>>
        %dma_start3A_100 = arith.constant 0 : i32
        %dma_start3A_101 = arith.constant 0 : i32
        %dma_start3A_102 = tpu.memref_slice %arg8[%dma_start3A_100, %dma_start3A_101] : memref<10112x128xf32, #tpu.memory_space<vmem_shared>> -> memref<10112x128xf32, #tpu.memory_space<vmem_shared>>
        tpu.enqueue_indirect_dma source(%dma_start3A_96 : memref<40x128xf32, #tpu.memory_space<vmem>>) target(%dma_start3A_102 : memref<10112x128xf32, #tpu.memory_space<vmem_shared>>) offsets(%dma_start3A_99 : memref<40xi32, #tpu.memory_space<vmem>>) semaphore(%run_scoped3A_92 : memref<!tpu.dma_semaphore, #tpu.memory_space<semaphore_mem>>) {add = true}
        %dma_wait3A_103 = arith.constant 0 : i32
        %dma_wait3A_104 = arith.constant 0 : i32
        %dma_wait3A_105 = tpu.memref_slice %arg7[%run_scoped3A_91, %dma_wait3A_103, %dma_wait3A_104] : memref<2x40x128xf32, #tpu.memory_space<vmem>> -> memref<1x40x128xf32, #tpu.memory_space<vmem>>
        %dma_wait3A_106 = tpu.memref_squeeze %dma_wait3A_105 : memref<1x40x128xf32, #tpu.memory_space<vmem>> -> memref<40x128xf32, #tpu.memory_space<vmem>>
        %dma_wait3A_107 = arith.constant 0 : i32
        %dma_wait3A_108 = tpu.memref_slice %arg6[%add3A_90, %dma_wait3A_107] : memref<250x40xi32, #tpu.memory_space<vmem>> -> memref<1x40xi32, #tpu.memory_space<vmem>>
        %dma_wait3A_109 = tpu.memref_squeeze %dma_wait3A_108 : memref<1x40xi32, #tpu.memory_space<vmem>> -> memref<40xi32, #tpu.memory_space<vmem>>
        %dma_wait3A_110 = arith.constant 0 : i32
        %dma_wait3A_111 = arith.constant 0 : i32
        %dma_wait3A_112 = tpu.memref_slice %arg8[%dma_wait3A_110, %dma_wait3A_111] : memref<10112x128xf32, #tpu.memory_space<vmem_shared>> -> memref<10112x128xf32, #tpu.memory_space<vmem_shared>>
        tpu.wait_indirect_dma semaphore(%run_scoped3A_92 : memref<!tpu.dma_semaphore, #tpu.memory_space<semaphore_mem>>) src(%dma_wait3A_106 : memref<40x128xf32, #tpu.memory_space<vmem>>) dst(%dma_wait3A_112 : memref<10112x128xf32, #tpu.memory_space<vmem_shared>>)
        tpu.yield
      }) : () -> ()
    }
    %scan3A_9 = arith.constant 125 : i32
    %barrier3A_10 = arith.constant 0 : index
    tpu.barrier barrier_id(%barrier3A_10)
    %mul3A_11 = arith.constant 10112 : i32
    %mul3A_12 = arith.muli %arg0, %mul3A_11 : i32
    %add3A_13 = arith.addi %mul3A_12, %mul3A_0 : i32
    "tpu.region"() ({
      %run_scoped3A = tpu.sem_alloc : memref<!tpu.dma_semaphore, #tpu.memory_space<semaphore_mem>>
      %dma_start3A = arith.constant 0 : i32
      %dma_start3A_14 = tpu.memref_slice %arg5[%add3A_13, %dma_start3A] : memref<20224x128xf32, #tpu.memory_space<hbm>> -> memref<632x128xf32, #tpu.memory_space<hbm>>
      %dma_start3A_15 = arith.constant 0 : i32
      %dma_start3A_16 = tpu.memref_slice %arg8[%mul3A_0, %dma_start3A_15] : memref<10112x128xf32, #tpu.memory_space<vmem_shared>> -> memref<632x128xf32, #tpu.memory_space<vmem_shared>>
      tpu.enqueue_dma source(%dma_start3A_16 : memref<632x128xf32, #tpu.memory_space<vmem_shared>>) target(%dma_start3A_14 : memref<632x128xf32, #tpu.memory_space<hbm>>) target_semaphore(%run_scoped3A : memref<!tpu.dma_semaphore, #tpu.memory_space<semaphore_mem>>)
      %dma_wait3A = arith.constant 0 : i32
      %dma_wait3A_17 = tpu.memref_slice %arg5[%add3A_13, %dma_wait3A] : memref<20224x128xf32, #tpu.memory_space<hbm>> -> memref<632x128xf32, #tpu.memory_space<hbm>>
      %dma_wait3A_18 = arith.constant 0 : i32
      %dma_wait3A_19 = tpu.memref_slice %arg8[%mul3A_0, %dma_wait3A_18] : memref<10112x128xf32, #tpu.memory_space<vmem_shared>> -> memref<632x128xf32, #tpu.memory_space<vmem_shared>>
      tpu.wait_dma2 semaphore(%run_scoped3A : memref<!tpu.dma_semaphore, #tpu.memory_space<semaphore_mem>>) src(%dma_wait3A_19 : memref<632x128xf32, #tpu.memory_space<vmem_shared>>) dst(%dma_wait3A_17 : memref<632x128xf32, #tpu.memory_space<hbm>>)
      tpu.yield
    }) : () -> ()
    return
  }
}

module attributes {stable_mosaic.version = 14 : i64} {
  func.func @_tables_body(%arg0: i32, %arg1: memref<2000x128xf32, #tpu.memory_space<vmem>>, %arg2: memref<128x256xf32, #tpu.memory_space<vmem>>, %arg3: memref<128x256xf32, #tpu.memory_space<vmem>>, %arg4: memref<2000x128xi32, #tpu.memory_space<vmem>>, %arg5: memref<2000x128xi32, #tpu.memory_space<vmem>>) attributes {dimension_semantics = [#tpu.dimension_semantics<arbitrary>], iteration_bounds = array<i64: 5>, scalar_prefetch = 0 : i64, scratch_operands = 0 : i64, tpu.core_type = #tpu.core_type<tc>, window_params = [{transform_indices = @transform_0, window_bounds = array<i64: 2000, 128>}, {pipeline_mode = #tpu.pipeline_mode<synchronous>, transform_indices = @transform_1, window_bounds = array<i64: 128, 256>}, {pipeline_mode = #tpu.pipeline_mode<synchronous>, transform_indices = @transform_2, window_bounds = array<i64: 128, 256>}, {transform_indices = @transform_3, window_bounds = array<i64: 2000, 128>}, {transform_indices = @transform_4, window_bounds = array<i64: 2000, 128>}]} {
    %get3A = arith.constant 0 : index
    %get3A_0 = arith.constant 0 : index
    %get3A_1 = vector.load %arg1[%get3A, %get3A_0] : memref<2000x128xf32, #tpu.memory_space<vmem>>, vector<2000x128xf32>
    %get3A_2 = arith.constant 0 : index
    %get3A_3 = arith.constant 0 : index
    %get3A_4 = vector.load %arg2[%get3A_2, %get3A_3] : memref<128x256xf32, #tpu.memory_space<vmem>>, vector<128x256xf32>
    %dot_general3A = arith.constant dense<0.000000e+00> : vector<2000x256xf32>
    %dot_general3A_5 = tpu.matmul %get3A_1, %get3A_4, %dot_general3A {dimension_numbers = #tpu.dot_dimension_numbers<[1], [0], [0], [1], [0, 0, 1, 1], [], []>, transpose_lhs_hint = false} : vector<2000x128xf32>, vector<128x256xf32>, vector<2000x256xf32> -> vector<2000x256xf32>
    %slice3A = vector.extract_strided_slice %dot_general3A_5 {offsets = [0, 0], sizes = [2000, 128], strides = [1, 1]} : vector<2000x256xf32> to vector<2000x128xf32>
    %slice3A_6 = vector.extract_strided_slice %dot_general3A_5 {offsets = [0, 128], sizes = [2000, 128], strides = [1, 1]} : vector<2000x256xf32> to vector<2000x128xf32>
    %bitcast_convert_type3A = tpu.bitcast %slice3A : vector<2000x128xf32> -> vector<2000x128xi32>
    %add3A = arith.constant 32767 : i32
    %add3A_7 = vector.broadcast %add3A : i32 to vector<2000x128xi32>
    %add3A_8 = arith.addi %bitcast_convert_type3A, %add3A_7 : vector<2000x128xi32>
    %shift_right_logical3A = arith.constant 16 : i32
    %shift_right_logical3A_9 = vector.broadcast %shift_right_logical3A : i32 to vector<2000x128xi32>
    %shift_right_logical3A_10 = arith.shrui %bitcast_convert_type3A, %shift_right_logical3A_9 : vector<2000x128xi32>
    %and3A = arith.constant 1 : i32
    %and3A_11 = vector.broadcast %and3A : i32 to vector<2000x128xi32>
    %and3A_12 = arith.andi %shift_right_logical3A_10, %and3A_11 : vector<2000x128xi32>
    %add3A_13 = arith.addi %add3A_8, %and3A_12 : vector<2000x128xi32>
    %shift_right_logical3A_14 = arith.constant 16 : i32
    %shift_right_logical3A_15 = vector.broadcast %shift_right_logical3A_14 : i32 to vector<2000x128xi32>
    %shift_right_logical3A_16 = arith.shrui %add3A_13, %shift_right_logical3A_15 : vector<2000x128xi32>
    %bitcast_convert_type3A_17 = tpu.bitcast %slice3A_6 : vector<2000x128xf32> -> vector<2000x128xi32>
    %add3A_18 = arith.constant 32767 : i32
    %add3A_19 = vector.broadcast %add3A_18 : i32 to vector<2000x128xi32>
    %add3A_20 = arith.addi %bitcast_convert_type3A_17, %add3A_19 : vector<2000x128xi32>
    %shift_right_logical3A_21 = arith.constant 16 : i32
    %shift_right_logical3A_22 = vector.broadcast %shift_right_logical3A_21 : i32 to vector<2000x128xi32>
    %shift_right_logical3A_23 = arith.shrui %bitcast_convert_type3A_17, %shift_right_logical3A_22 : vector<2000x128xi32>
    %and3A_24 = arith.constant 1 : i32
    %and3A_25 = vector.broadcast %and3A_24 : i32 to vector<2000x128xi32>
    %and3A_26 = arith.andi %shift_right_logical3A_23, %and3A_25 : vector<2000x128xi32>
    %add3A_27 = arith.addi %add3A_20, %and3A_26 : vector<2000x128xi32>
    %shift_right_logical3A_28 = arith.constant 16 : i32
    %shift_right_logical3A_29 = vector.broadcast %shift_right_logical3A_28 : i32 to vector<2000x128xi32>
    %shift_right_logical3A_30 = arith.shrui %add3A_27, %shift_right_logical3A_29 : vector<2000x128xi32>
    %shift_left3A = arith.constant 16 : i32
    %shift_left3A_31 = vector.broadcast %shift_left3A : i32 to vector<2000x128xi32>
    %shift_left3A_32 = arith.shli %shift_right_logical3A_30, %shift_left3A_31 : vector<2000x128xi32>
    %or3A = arith.ori %shift_right_logical3A_16, %shift_left3A_32 : vector<2000x128xi32>
    %bitcast_convert_type3A_33 = tpu.bitcast %or3A : vector<2000x128xi32> -> vector<2000x128xi32>
    %swap3A = arith.constant 0 : index
    %swap3A_34 = arith.constant 0 : index
    %swap3A_35 = vector.load %arg4[%swap3A, %swap3A_34] : memref<2000x128xi32, #tpu.memory_space<vmem>>, vector<2000x128xi32>
    tpu.vector_store %arg4[%swap3A, %swap3A_34], %bitcast_convert_type3A_33 {strides = array<i32>} : memref<2000x128xi32, #tpu.memory_space<vmem>>, vector<2000x128xi32>,
    %get3A_36 = arith.constant 0 : index
    %get3A_37 = arith.constant 0 : index
    %get3A_38 = vector.load %arg3[%get3A_36, %get3A_37] : memref<128x256xf32, #tpu.memory_space<vmem>>, vector<128x256xf32>
    %dot_general3A_39 = arith.constant dense<0.000000e+00> : vector<2000x256xf32>
    %dot_general3A_40 = tpu.matmul %get3A_1, %get3A_38, %dot_general3A_39 {dimension_numbers = #tpu.dot_dimension_numbers<[1], [0], [0], [1], [0, 0, 1, 1], [], []>, transpose_lhs_hint = false} : vector<2000x128xf32>, vector<128x256xf32>, vector<2000x256xf32> -> vector<2000x256xf32>
    %slice3A_41 = vector.extract_strided_slice %dot_general3A_40 {offsets = [0, 0], sizes = [2000, 128], strides = [1, 1]} : vector<2000x256xf32> to vector<2000x128xf32>
    %slice3A_42 = vector.extract_strided_slice %dot_general3A_40 {offsets = [0, 128], sizes = [2000, 128], strides = [1, 1]} : vector<2000x256xf32> to vector<2000x128xf32>
    %bitcast_convert_type3A_43 = tpu.bitcast %slice3A_41 : vector<2000x128xf32> -> vector<2000x128xi32>
    %add3A_44 = arith.constant 32767 : i32
    %add3A_45 = vector.broadcast %add3A_44 : i32 to vector<2000x128xi32>
    %add3A_46 = arith.addi %bitcast_convert_type3A_43, %add3A_45 : vector<2000x128xi32>
    %shift_right_logical3A_47 = arith.constant 16 : i32
    %shift_right_logical3A_48 = vector.broadcast %shift_right_logical3A_47 : i32 to vector<2000x128xi32>
    %shift_right_logical3A_49 = arith.shrui %bitcast_convert_type3A_43, %shift_right_logical3A_48 : vector<2000x128xi32>
    %and3A_50 = arith.constant 1 : i32
    %and3A_51 = vector.broadcast %and3A_50 : i32 to vector<2000x128xi32>
    %and3A_52 = arith.andi %shift_right_logical3A_49, %and3A_51 : vector<2000x128xi32>
    %add3A_53 = arith.addi %add3A_46, %and3A_52 : vector<2000x128xi32>
    %shift_right_logical3A_54 = arith.constant 16 : i32
    %shift_right_logical3A_55 = vector.broadcast %shift_right_logical3A_54 : i32 to vector<2000x128xi32>
    %shift_right_logical3A_56 = arith.shrui %add3A_53, %shift_right_logical3A_55 : vector<2000x128xi32>
    %bitcast_convert_type3A_57 = tpu.bitcast %slice3A_42 : vector<2000x128xf32> -> vector<2000x128xi32>
    %add3A_58 = arith.constant 32767 : i32
    %add3A_59 = vector.broadcast %add3A_58 : i32 to vector<2000x128xi32>
    %add3A_60 = arith.addi %bitcast_convert_type3A_57, %add3A_59 : vector<2000x128xi32>
    %shift_right_logical3A_61 = arith.constant 16 : i32
    %shift_right_logical3A_62 = vector.broadcast %shift_right_logical3A_61 : i32 to vector<2000x128xi32>
    %shift_right_logical3A_63 = arith.shrui %bitcast_convert_type3A_57, %shift_right_logical3A_62 : vector<2000x128xi32>
    %and3A_64 = arith.constant 1 : i32
    %and3A_65 = vector.broadcast %and3A_64 : i32 to vector<2000x128xi32>
    %and3A_66 = arith.andi %shift_right_logical3A_63, %and3A_65 : vector<2000x128xi32>
    %add3A_67 = arith.addi %add3A_60, %and3A_66 : vector<2000x128xi32>
    %shift_right_logical3A_68 = arith.constant 16 : i32
    %shift_right_logical3A_69 = vector.broadcast %shift_right_logical3A_68 : i32 to vector<2000x128xi32>
    %shift_right_logical3A_70 = arith.shrui %add3A_67, %shift_right_logical3A_69 : vector<2000x128xi32>
    %shift_left3A_71 = arith.constant 16 : i32
    %shift_left3A_72 = vector.broadcast %shift_left3A_71 : i32 to vector<2000x128xi32>
    %shift_left3A_73 = arith.shli %shift_right_logical3A_70, %shift_left3A_72 : vector<2000x128xi32>
    %or3A_74 = arith.ori %shift_right_logical3A_56, %shift_left3A_73 : vector<2000x128xi32>
    %bitcast_convert_type3A_75 = tpu.bitcast %or3A_74 : vector<2000x128xi32> -> vector<2000x128xi32>
    %swap3A_76 = arith.constant 0 : index
    %swap3A_77 = arith.constant 0 : index
    %swap3A_78 = vector.load %arg5[%swap3A_76, %swap3A_77] : memref<2000x128xi32, #tpu.memory_space<vmem>>, vector<2000x128xi32>
    tpu.vector_store %arg5[%swap3A_76, %swap3A_77], %bitcast_convert_type3A_75 {strides = array<i32>} : memref<2000x128xi32, #tpu.memory_space<vmem>>, vector<2000x128xi32>,
    return
  }
  func.func @transform_0(%arg0: i32) -> (i32, i32) {
    %c0_i32 = arith.constant 0 : i32
    %c0_i32_0 = arith.constant 0 : i32
    return %arg0, %c0_i32 : i32, i32
  }
  func.func @transform_1(%arg0: i32) -> (i32, i32) {
    %c0_i32 = arith.constant 0 : i32
    %c0_i32_0 = arith.constant 0 : i32
    %c0_i32_1 = arith.constant 0 : i32
    return %c0_i32, %c0_i32_0 : i32, i32
  }
  func.func @transform_2(%arg0: i32) -> (i32, i32) {
    %c0_i32 = arith.constant 0 : i32
    %c0_i32_0 = arith.constant 0 : i32
    %c0_i32_1 = arith.constant 0 : i32
    return %c0_i32, %c0_i32_0 : i32, i32
  }
  func.func @transform_3(%arg0: i32) -> (i32, i32) {
    %c0_i32 = arith.constant 0 : i32
    %c0_i32_0 = arith.constant 0 : i32
    return %arg0, %c0_i32 : i32, i32
  }
  func.func @transform_4(%arg0: i32) -> (i32, i32) {
    %c0_i32 = arith.constant 0 : i32
    %c0_i32_0 = arith.constant 0 : i32
    return %arg0, %c0_i32 : i32, i32
  }
}

module attributes {stable_mosaic.version = 14 : i64} {
  func.func @_ef_stats_body(%arg0: i32, %arg1: memref<2560x16xf32, #tpu.memory_space<vmem>>, %arg2: memref<16x128xf32, #tpu.memory_space<vmem>>, %arg3: memref<2x128xf32, #tpu.memory_space<vmem>>, %arg4: memref<1x16xf32, #tpu.memory_space<vmem>>, %arg5: memref<16x16xf32, #tpu.memory_space<vmem>>) attributes {dimension_semantics = [#tpu.dimension_semantics<arbitrary>], iteration_bounds = array<i64: 125>, scalar_prefetch = 0 : i64, scratch_operands = 2 : i64, tpu.core_type = #tpu.core_type<tc>, window_params = [{transform_indices = @transform_0, window_bounds = array<i64: 2560, 16>}, {pipeline_mode = #tpu.pipeline_mode<synchronous>, transform_indices = @transform_1, window_bounds = array<i64: 16, 128>}, {pipeline_mode = #tpu.pipeline_mode<synchronous>, transform_indices = @transform_2, window_bounds = array<i64: 2, 128>}]} {
    %get3A = arith.constant 0 : index
    %get3A_0 = arith.constant 0 : index
    %get3A_1 = vector.load %arg1[%get3A, %get3A_0] : memref<2560x16xf32, #tpu.memory_space<vmem>>, vector<2560x16xf32>
    %eq3A = arith.constant 0 : i32
    %eq3A_2 = arith.cmpi eq, %arg0, %eq3A : i32
    %convert_element_type3A = arith.extui %eq3A_2 : i1 to i32
    %cond3A = arith.constant 0 : i32
    %cond3A_3 = arith.cmpi ne, %convert_element_type3A, %cond3A : i32
    scf.if %cond3A_3 {
      %broadcast_in_dim3A_23 = arith.constant 0.000000e+00 : f32
      %broadcast_in_dim3A_24 = vector.broadcast %broadcast_in_dim3A_23 : f32 to vector<1x16xf32>
      %swap3A_25 = arith.constant 0 : index
      %swap3A_26 = arith.constant 0 : index
      %swap3A_27 = vector.load %arg4[%swap3A_25, %swap3A_26] : memref<1x16xf32, #tpu.memory_space<vmem>>, vector<1x16xf32>
      tpu.vector_store %arg4[%swap3A_25, %swap3A_26], %broadcast_in_dim3A_24 {strides = array<i32>} : memref<1x16xf32, #tpu.memory_space<vmem>>, vector<1x16xf32>,
      %broadcast_in_dim3A_28 = arith.constant 0.000000e+00 : f32
      %broadcast_in_dim3A_29 = vector.broadcast %broadcast_in_dim3A_28 : f32 to vector<16x16xf32>
      %swap3A_30 = arith.constant 0 : index
      %swap3A_31 = arith.constant 0 : index
      %swap3A_32 = vector.load %arg5[%swap3A_30, %swap3A_31] : memref<16x16xf32, #tpu.memory_space<vmem>>, vector<16x16xf32>
      tpu.vector_store %arg5[%swap3A_30, %swap3A_31], %broadcast_in_dim3A_29 {strides = array<i32>} : memref<16x16xf32, #tpu.memory_space<vmem>>, vector<16x16xf32>,
    } else {
    }
    %get3A_4 = arith.constant 0 : index
    %get3A_5 = arith.constant 0 : index
    %get3A_6 = vector.load %arg4[%get3A_4, %get3A_5] : memref<1x16xf32, #tpu.memory_space<vmem>>, vector<1x16xf32>
    %reduce_sum3A = arith.constant dense<0.000000e+00> : vector<16xf32>
    %reduce_sum3A_7 = vector.multi_reduction <add>, %get3A_1, %reduce_sum3A [0] : vector<2560x16xf32> to vector<16xf32>
    %broadcast_in_dim3A = vector.shape_cast %reduce_sum3A_7 : vector<16xf32> to vector<1x16xf32>
    %add3A = arith.addf %get3A_6, %broadcast_in_dim3A : vector<1x16xf32>
    %swap3A = arith.constant 0 : index
    %swap3A_8 = arith.constant 0 : index
    %swap3A_9 = vector.load %arg4[%swap3A, %swap3A_8] : memref<1x16xf32, #tpu.memory_space<vmem>>, vector<1x16xf32>
    tpu.vector_store %arg4[%swap3A, %swap3A_8], %add3A {strides = array<i32>} : memref<1x16xf32, #tpu.memory_space<vmem>>, vector<1x16xf32>,
    %get3A_10 = arith.constant 0 : index
    %get3A_11 = arith.constant 0 : index
    %get3A_12 = vector.load %arg5[%get3A_10, %get3A_11] : memref<16x16xf32, #tpu.memory_space<vmem>>, vector<16x16xf32>
    %dot_general3A = arith.constant dense<0.000000e+00> : vector<16x16xf32>
    %dot_general3A_13 = tpu.matmul %get3A_1, %get3A_1, %dot_general3A {dimension_numbers = #tpu.dot_dimension_numbers<[0], [0], [1], [1], [0, 1, 1, 1], [], []>, transpose_lhs_hint = false} : vector<2560x16xf32>, vector<2560x16xf32>, vector<16x16xf32> -> vector<16x16xf32>
    %add3A_14 = arith.addf %get3A_12, %dot_general3A_13 : vector<16x16xf32>
    %swap3A_15 = arith.constant 0 : index
    %swap3A_16 = arith.constant 0 : index
    %swap3A_17 = vector.load %arg5[%swap3A_15, %swap3A_16] : memref<16x16xf32, #tpu.memory_space<vmem>>, vector<16x16xf32>
    tpu.vector_store %arg5[%swap3A_15, %swap3A_16], %add3A_14 {strides = array<i32>} : memref<16x16xf32, #tpu.memory_space<vmem>>, vector<16x16xf32>,
    %eq3A_18 = arith.constant 124 : i32
    %eq3A_19 = arith.cmpi eq, %arg0, %eq3A_18 : i32
    %convert_element_type3A_20 = arith.extui %eq3A_19 : i1 to i32
    %cond3A_21 = arith.constant 0 : i32
    %cond3A_22 = arith.cmpi ne, %convert_element_type3A_20, %cond3A_21 : i32
    scf.if %cond3A_22 {
      %get3A_23 = arith.constant 0 : index
      %get3A_24 = arith.constant 0 : index
      %get3A_25 = vector.load %arg4[%get3A_23, %get3A_24] : memref<1x16xf32, #tpu.memory_space<vmem>>, vector<1x16xf32>
      %div3A = arith.constant 3.200000e+05 : f32
      %div3A_26 = vector.broadcast %div3A : f32 to vector<1x16xf32>
      %div3A_27 = arith.divf %get3A_25, %div3A_26 : vector<1x16xf32>
      %get3A_28 = arith.constant 0 : index
      %get3A_29 = arith.constant 0 : index
      %get3A_30 = vector.load %arg5[%get3A_28, %get3A_29] : memref<16x16xf32, #tpu.memory_space<vmem>>, vector<16x16xf32>
      %div3A_31 = arith.constant 3.200000e+05 : f32
      %div3A_32 = vector.broadcast %div3A_31 : f32 to vector<16x16xf32>
      %div3A_33 = arith.divf %get3A_30, %div3A_32 : vector<16x16xf32>
      %dot_general3A_34 = arith.constant dense<0.000000e+00> : vector<16x16xf32>
      %dot_general3A_35 = tpu.matmul %div3A_27, %div3A_27, %dot_general3A_34 {dimension_numbers = #tpu.dot_dimension_numbers<[0], [0], [1], [1], [0, 1, 1, 1], [], []>, transpose_lhs_hint = false} : vector<1x16xf32>, vector<1x16xf32>, vector<16x16xf32> -> vector<16x16xf32>
      %sub3A = arith.subf %div3A_33, %dot_general3A_35 : vector<16x16xf32>
      %get3A_36 = arith.constant 0 : index
      %get3A_37 = arith.constant 0 : index
      %get3A_38 = vector.load %arg2[%get3A_36, %get3A_37] : memref<16x128xf32, #tpu.memory_space<vmem>>, vector<16x128xf32>
      %dot_general3A_39 = arith.constant dense<0.000000e+00> : vector<1x128xf32>
      %dot_general3A_40 = tpu.matmul %div3A_27, %get3A_38, %dot_general3A_39 {dimension_numbers = #tpu.dot_dimension_numbers<[1], [0], [0], [1], [0, 0, 1, 1], [], []>, transpose_lhs_hint = false} : vector<1x16xf32>, vector<16x128xf32>, vector<1x128xf32> -> vector<1x128xf32>
      %dot_general3A_41 = arith.constant dense<0.000000e+00> : vector<16x128xf32>
      %dot_general3A_42 = tpu.matmul %sub3A, %get3A_38, %dot_general3A_41 {dimension_numbers = #tpu.dot_dimension_numbers<[1], [0], [0], [1], [0, 0, 1, 1], [], []>, transpose_lhs_hint = false} : vector<16x16xf32>, vector<16x128xf32>, vector<16x128xf32> -> vector<16x128xf32>
      %mul3A = arith.mulf %get3A_38, %dot_general3A_42 : vector<16x128xf32>
      %reduce_sum3A_43 = arith.constant dense<0.000000e+00> : vector<128xf32>
      %reduce_sum3A_44 = vector.multi_reduction <add>, %mul3A, %reduce_sum3A_43 [0] : vector<16x128xf32> to vector<128xf32>
      %broadcast_in_dim3A_45 = vector.shape_cast %reduce_sum3A_44 : vector<128xf32> to vector<1x128xf32>
      %swap3A_46 = arith.constant 0 : index
      %swap3A_47 = arith.constant 0 : index
      %swap3A_48 = vector.load %arg3[%swap3A_46, %swap3A_47] : memref<2x128xf32, #tpu.memory_space<vmem>>, vector<1x128xf32>
      tpu.vector_store %arg3[%swap3A_46, %swap3A_47], %dot_general3A_40 {strides = array<i32>} : memref<2x128xf32, #tpu.memory_space<vmem>>, vector<1x128xf32>,
      %swap3A_49 = arith.constant 1 : index
      %swap3A_50 = arith.constant 0 : index
      %swap3A_51 = vector.load %arg3[%swap3A_49, %swap3A_50] : memref<2x128xf32, #tpu.memory_space<vmem>>, vector<1x128xf32>
      tpu.vector_store %arg3[%swap3A_49, %swap3A_50], %broadcast_in_dim3A_45 {strides = array<i32>} : memref<2x128xf32, #tpu.memory_space<vmem>>, vector<1x128xf32>,
    } else {
    }
    return
  }
  func.func @transform_0(%arg0: i32) -> (i32, i32) {
    %c0_i32 = arith.constant 0 : i32
    %c0_i32_0 = arith.constant 0 : i32
    return %arg0, %c0_i32 : i32, i32
  }
  func.func @transform_1(%arg0: i32) -> (i32, i32) {
    %c0_i32 = arith.constant 0 : i32
    %c0_i32_0 = arith.constant 0 : i32
    %c0_i32_1 = arith.constant 0 : i32
    return %c0_i32, %c0_i32_0 : i32, i32
  }
  func.func @transform_2(%arg0: i32) -> (i32, i32) {
    %c0_i32 = arith.constant 0 : i32
    %c0_i32_0 = arith.constant 0 : i32
    %c0_i32_1 = arith.constant 0 : i32
    return %c0_i32, %c0_i32_0 : i32, i32
  }
}

module attributes {stable_mosaic.version = 14 : i64} {
  func.func @_pre_stats_body(%arg0: i32, %arg1: memref<2560x16xf32, #tpu.memory_space<vmem>>, %arg2: memref<2560x128xi32, #tpu.memory_space<vmem>>, %arg3: memref<2560x128xi32, #tpu.memory_space<vmem>>, %arg4: memref<16x128xf32, #tpu.memory_space<vmem>>, %arg5: memref<1x128xf32, #tpu.memory_space<vmem>>, %arg6: memref<128x128xf32, #tpu.memory_space<vmem>>, %arg7: memref<128x128xf32, #tpu.memory_space<vmem>>, %arg8: memref<1x128xf32, #tpu.memory_space<vmem>>, %arg9: memref<1x128xf32, #tpu.memory_space<vmem>>, %arg10: memref<4x128xf32, #tpu.memory_space<vmem>>) attributes {dimension_semantics = [#tpu.dimension_semantics<arbitrary>], iteration_bounds = array<i64: 125>, scalar_prefetch = 0 : i64, scratch_operands = 0 : i64, tpu.core_type = #tpu.core_type<tc>, window_params = [{transform_indices = @transform_0, window_bounds = array<i64: 2560, 16>}, {transform_indices = @transform_1, window_bounds = array<i64: 2560, 128>}, {transform_indices = @transform_2, window_bounds = array<i64: 2560, 128>}, {pipeline_mode = #tpu.pipeline_mode<synchronous>, transform_indices = @transform_3, window_bounds = array<i64: 16, 128>}, {pipeline_mode = #tpu.pipeline_mode<synchronous>, transform_indices = @transform_4, window_bounds = array<i64: 1, 128>}, {pipeline_mode = #tpu.pipeline_mode<synchronous>, transform_indices = @transform_5, window_bounds = array<i64: 128, 128>}, {pipeline_mode = #tpu.pipeline_mode<synchronous>, transform_indices = @transform_6, window_bounds = array<i64: 128, 128>}, {pipeline_mode = #tpu.pipeline_mode<synchronous>, transform_indices = @transform_7, window_bounds = array<i64: 1, 128>}, {pipeline_mode = #tpu.pipeline_mode<synchronous>, transform_indices = @transform_8, window_bounds = array<i64: 1, 128>}, {pipeline_mode = #tpu.pipeline_mode<synchronous>, transform_indices = @transform_9, window_bounds = array<i64: 4, 128>}]} {
    %get3A = arith.constant 0 : index
    %get3A_0 = arith.constant 0 : index
    %get3A_1 = vector.load %arg1[%get3A, %get3A_0] : memref<2560x16xf32, #tpu.memory_space<vmem>>, vector<2560x16xf32>
    %get3A_2 = arith.constant 0 : index
    %get3A_3 = arith.constant 0 : index
    %get3A_4 = vector.load %arg4[%get3A_2, %get3A_3] : memref<16x128xf32, #tpu.memory_space<vmem>>, vector<16x128xf32>
    %dot_general3A = arith.constant dense<0.000000e+00> : vector<2560x128xf32>
    %dot_general3A_5 = tpu.matmul %get3A_1, %get3A_4, %dot_general3A {dimension_numbers = #tpu.dot_dimension_numbers<[1], [0], [0], [1], [0, 0, 1, 1], [], []>, transpose_lhs_hint = false} : vector<2560x16xf32>, vector<16x128xf32>, vector<2560x128xf32> -> vector<2560x128xf32>
    %get3A_6 = arith.constant 0 : index
    %get3A_7 = arith.constant 0 : index
    %get3A_8 = vector.load %arg5[%get3A_6, %get3A_7] : memref<1x128xf32, #tpu.memory_space<vmem>>, vector<1x128xf32>
    %add3A = vector.broadcast %get3A_8 : vector<1x128xf32> to vector<2560x128xf32>
    %add3A_9 = arith.addf %dot_general3A_5, %add3A : vector<2560x128xf32>
    %neg3A = arith.constant 0.000000e+00 : f32
    %neg3A_10 = vector.broadcast %neg3A : f32 to vector<2560x128xf32>
    %neg3A_11 = arith.subf %neg3A_10, %add3A_9 : vector<2560x128xf32>
    %exp3A = math.exp %neg3A_11 : vector<2560x128xf32>
    %add3A_12 = arith.constant 1.000000e+00 : f32
    %add3A_13 = vector.broadcast %add3A_12 : f32 to vector<2560x128xf32>
    %add3A_14 = arith.addf %add3A_13, %exp3A : vector<2560x128xf32>
    %div3A = arith.constant 1.000000e+00 : f32
    %div3A_15 = vector.broadcast %div3A : f32 to vector<2560x128xf32>
    %div3A_16 = arith.divf %div3A_15, %add3A_14 : vector<2560x128xf32>
    %mul3A = arith.mulf %add3A_9, %div3A_16 : vector<2560x128xf32>
    %get3A_17 = arith.constant 0 : index
    %get3A_18 = arith.constant 0 : index
    %get3A_19 = vector.load %arg6[%get3A_17, %get3A_18] : memref<128x128xf32, #tpu.memory_space<vmem>>, vector<128x128xf32>
    %dot_general3A_20 = arith.constant dense<0.000000e+00> : vector<2560x128xf32>
    %dot_general3A_21 = tpu.matmul %mul3A, %get3A_19, %dot_general3A_20 {dimension_numbers = #tpu.dot_dimension_numbers<[1], [0], [0], [1], [0, 0, 1, 1], [], []>, transpose_lhs_hint = false} : vector<2560x128xf32>, vector<128x128xf32>, vector<2560x128xf32> -> vector<2560x128xf32>
    %get3A_22 = arith.constant 0 : index
    %get3A_23 = arith.constant 0 : index
    %get3A_24 = vector.load %arg7[%get3A_22, %get3A_23] : memref<128x128xf32, #tpu.memory_space<vmem>>, vector<128x128xf32>
    %dot_general3A_25 = arith.constant dense<0.000000e+00> : vector<2560x128xf32>
    %dot_general3A_26 = tpu.matmul %mul3A, %get3A_24, %dot_general3A_25 {dimension_numbers = #tpu.dot_dimension_numbers<[1], [0], [0], [1], [0, 0, 1, 1], [], []>, transpose_lhs_hint = false} : vector<2560x128xf32>, vector<128x128xf32>, vector<2560x128xf32> -> vector<2560x128xf32>
    %get3A_27 = arith.constant 0 : index
    %get3A_28 = arith.constant 0 : index
    %get3A_29 = vector.load %arg2[%get3A_27, %get3A_28] : memref<2560x128xi32, #tpu.memory_space<vmem>>, vector<2560x128xi32>
    %shift_left3A = arith.constant 16 : i32
    %shift_left3A_30 = vector.broadcast %shift_left3A : i32 to vector<2560x128xi32>
    %shift_left3A_31 = arith.shli %get3A_29, %shift_left3A_30 : vector<2560x128xi32>
    %bitcast_convert_type3A = tpu.bitcast %shift_left3A_31 : vector<2560x128xi32> -> vector<2560x128xf32>
    %and3A = arith.constant -65536 : i32
    %and3A_32 = vector.broadcast %and3A : i32 to vector<2560x128xi32>
    %and3A_33 = arith.andi %get3A_29, %and3A_32 : vector<2560x128xi32>
    %bitcast_convert_type3A_34 = tpu.bitcast %and3A_33 : vector<2560x128xi32> -> vector<2560x128xf32>
    %get3A_35 = arith.constant 0 : index
    %get3A_36 = arith.constant 0 : index
    %get3A_37 = vector.load %arg3[%get3A_35, %get3A_36] : memref<2560x128xi32, #tpu.memory_space<vmem>>, vector<2560x128xi32>
    %shift_left3A_38 = arith.constant 16 : i32
    %shift_left3A_39 = vector.broadcast %shift_left3A_38 : i32 to vector<2560x128xi32>
    %shift_left3A_40 = arith.shli %get3A_37, %shift_left3A_39 : vector<2560x128xi32>
    %bitcast_convert_type3A_41 = tpu.bitcast %shift_left3A_40 : vector<2560x128xi32> -> vector<2560x128xf32>
    %and3A_42 = arith.constant -65536 : i32
    %and3A_43 = vector.broadcast %and3A_42 : i32 to vector<2560x128xi32>
    %and3A_44 = arith.andi %get3A_37, %and3A_43 : vector<2560x128xi32>
    %bitcast_convert_type3A_45 = tpu.bitcast %and3A_44 : vector<2560x128xi32> -> vector<2560x128xf32>
    %add3A_46 = arith.addf %bitcast_convert_type3A, %bitcast_convert_type3A_41 : vector<2560x128xf32>
    %add3A_47 = arith.addf %add3A_46, %dot_general3A_21 : vector<2560x128xf32>
    %get3A_48 = arith.constant 0 : index
    %get3A_49 = arith.constant 0 : index
    %get3A_50 = vector.load %arg8[%get3A_48, %get3A_49] : memref<1x128xf32, #tpu.memory_space<vmem>>, vector<1x128xf32>
    %add3A_51 = vector.broadcast %get3A_50 : vector<1x128xf32> to vector<2560x128xf32>
    %add3A_52 = arith.addf %add3A_47, %add3A_51 : vector<2560x128xf32>
    %add3A_53 = arith.addf %bitcast_convert_type3A_34, %bitcast_convert_type3A_45 : vector<2560x128xf32>
    %add3A_54 = arith.addf %add3A_53, %dot_general3A_26 : vector<2560x128xf32>
    %get3A_55 = arith.constant 0 : index
    %get3A_56 = arith.constant 0 : index
    %get3A_57 = vector.load %arg9[%get3A_55, %get3A_56] : memref<1x128xf32, #tpu.memory_space<vmem>>, vector<1x128xf32>
    %add3A_58 = vector.broadcast %get3A_57 : vector<1x128xf32> to vector<2560x128xf32>
    %add3A_59 = arith.addf %add3A_54, %add3A_58 : vector<2560x128xf32>
    %eq3A = arith.constant 0 : i32
    %eq3A_60 = arith.cmpi eq, %arg0, %eq3A : i32
    %convert_element_type3A = arith.extui %eq3A_60 : i1 to i32
    %cond3A = arith.constant 0 : i32
    %cond3A_61 = arith.cmpi ne, %convert_element_type3A, %cond3A : i32
    scf.if %cond3A_61 {
      %broadcast_in_dim3A_101 = arith.constant 0.000000e+00 : f32
      %broadcast_in_dim3A_102 = vector.broadcast %broadcast_in_dim3A_101 : f32 to vector<4x128xf32>
      %swap3A_103 = arith.constant 0 : index
      %swap3A_104 = arith.constant 0 : index
      %swap3A_105 = vector.load %arg10[%swap3A_103, %swap3A_104] : memref<4x128xf32, #tpu.memory_space<vmem>>, vector<4x128xf32>
      tpu.vector_store %arg10[%swap3A_103, %swap3A_104], %broadcast_in_dim3A_102 {strides = array<i32>} : memref<4x128xf32, #tpu.memory_space<vmem>>, vector<4x128xf32>,
    } else {
    }
    %get3A_62 = arith.constant 0 : index
    %get3A_63 = arith.constant 0 : index
    %get3A_64 = vector.load %arg10[%get3A_62, %get3A_63] : memref<4x128xf32, #tpu.memory_space<vmem>>, vector<1x128xf32>
    %reduce_sum3A = arith.constant dense<0.000000e+00> : vector<128xf32>
    %reduce_sum3A_65 = vector.multi_reduction <add>, %add3A_52, %reduce_sum3A [0] : vector<2560x128xf32> to vector<128xf32>
    %broadcast_in_dim3A = vector.shape_cast %reduce_sum3A_65 : vector<128xf32> to vector<1x128xf32>
    %add3A_66 = arith.addf %get3A_64, %broadcast_in_dim3A : vector<1x128xf32>
    %swap3A = arith.constant 0 : index
    %swap3A_67 = arith.constant 0 : index
    %swap3A_68 = vector.load %arg10[%swap3A, %swap3A_67] : memref<4x128xf32, #tpu.memory_space<vmem>>, vector<1x128xf32>
    tpu.vector_store %arg10[%swap3A, %swap3A_67], %add3A_66 {strides = array<i32>} : memref<4x128xf32, #tpu.memory_space<vmem>>, vector<1x128xf32>,
    %get3A_69 = arith.constant 1 : index
    %get3A_70 = arith.constant 0 : index
    %get3A_71 = vector.load %arg10[%get3A_69, %get3A_70] : memref<4x128xf32, #tpu.memory_space<vmem>>, vector<1x128xf32>
    %mul3A_72 = arith.mulf %add3A_52, %add3A_52 : vector<2560x128xf32>
    %reduce_sum3A_73 = arith.constant dense<0.000000e+00> : vector<128xf32>
    %reduce_sum3A_74 = vector.multi_reduction <add>, %mul3A_72, %reduce_sum3A_73 [0] : vector<2560x128xf32> to vector<128xf32>
    %broadcast_in_dim3A_75 = vector.shape_cast %reduce_sum3A_74 : vector<128xf32> to vector<1x128xf32>
    %add3A_76 = arith.addf %get3A_71, %broadcast_in_dim3A_75 : vector<1x128xf32>
    %swap3A_77 = arith.constant 1 : index
    %swap3A_78 = arith.constant 0 : index
    %swap3A_79 = vector.load %arg10[%swap3A_77, %swap3A_78] : memref<4x128xf32, #tpu.memory_space<vmem>>, vector<1x128xf32>
    tpu.vector_store %arg10[%swap3A_77, %swap3A_78], %add3A_76 {strides = array<i32>} : memref<4x128xf32, #tpu.memory_space<vmem>>, vector<1x128xf32>,
    %get3A_80 = arith.constant 2 : index
    %get3A_81 = arith.constant 0 : index
    %get3A_82 = vector.load %arg10[%get3A_80, %get3A_81] : memref<4x128xf32, #tpu.memory_space<vmem>>, vector<1x128xf32>
    %reduce_sum3A_83 = arith.constant dense<0.000000e+00> : vector<128xf32>
    %reduce_sum3A_84 = vector.multi_reduction <add>, %add3A_59, %reduce_sum3A_83 [0] : vector<2560x128xf32> to vector<128xf32>
    %broadcast_in_dim3A_85 = vector.shape_cast %reduce_sum3A_84 : vector<128xf32> to vector<1x128xf32>
    %add3A_86 = arith.addf %get3A_82, %broadcast_in_dim3A_85 : vector<1x128xf32>
    %swap3A_87 = arith.constant 2 : index
    %swap3A_88 = arith.constant 0 : index
    %swap3A_89 = vector.load %arg10[%swap3A_87, %swap3A_88] : memref<4x128xf32, #tpu.memory_space<vmem>>, vector<1x128xf32>
    tpu.vector_store %arg10[%swap3A_87, %swap3A_88], %add3A_86 {strides = array<i32>} : memref<4x128xf32, #tpu.memory_space<vmem>>, vector<1x128xf32>,
    %get3A_90 = arith.constant 3 : index
    %get3A_91 = arith.constant 0 : index
    %get3A_92 = vector.load %arg10[%get3A_90, %get3A_91] : memref<4x128xf32, #tpu.memory_space<vmem>>, vector<1x128xf32>
    %mul3A_93 = arith.mulf %add3A_59, %add3A_59 : vector<2560x128xf32>
    %reduce_sum3A_94 = arith.constant dense<0.000000e+00> : vector<128xf32>
    %reduce_sum3A_95 = vector.multi_reduction <add>, %mul3A_93, %reduce_sum3A_94 [0] : vector<2560x128xf32> to vector<128xf32>
    %broadcast_in_dim3A_96 = vector.shape_cast %reduce_sum3A_95 : vector<128xf32> to vector<1x128xf32>
    %add3A_97 = arith.addf %get3A_92, %broadcast_in_dim3A_96 : vector<1x128xf32>
    %swap3A_98 = arith.constant 3 : index
    %swap3A_99 = arith.constant 0 : index
    %swap3A_100 = vector.load %arg10[%swap3A_98, %swap3A_99] : memref<4x128xf32, #tpu.memory_space<vmem>>, vector<1x128xf32>
    tpu.vector_store %arg10[%swap3A_98, %swap3A_99], %add3A_97 {strides = array<i32>} : memref<4x128xf32, #tpu.memory_space<vmem>>, vector<1x128xf32>,
    return
  }
  func.func @transform_0(%arg0: i32) -> (i32, i32) {
    %c0_i32 = arith.constant 0 : i32
    %c0_i32_0 = arith.constant 0 : i32
    return %arg0, %c0_i32 : i32, i32
  }
  func.func @transform_1(%arg0: i32) -> (i32, i32) {
    %c0_i32 = arith.constant 0 : i32
    %c0_i32_0 = arith.constant 0 : i32
    return %arg0, %c0_i32 : i32, i32
  }
  func.func @transform_2(%arg0: i32) -> (i32, i32) {
    %c0_i32 = arith.constant 0 : i32
    %c0_i32_0 = arith.constant 0 : i32
    return %arg0, %c0_i32 : i32, i32
  }
  func.func @transform_3(%arg0: i32) -> (i32, i32) {
    %c0_i32 = arith.constant 0 : i32
    %c0_i32_0 = arith.constant 0 : i32
    %c0_i32_1 = arith.constant 0 : i32
    return %c0_i32, %c0_i32_0 : i32, i32
  }
  func.func @transform_4(%arg0: i32) -> (i32, i32) {
    %c0_i32 = arith.constant 0 : i32
    %c0_i32_0 = arith.constant 0 : i32
    %c0_i32_1 = arith.constant 0 : i32
    return %c0_i32, %c0_i32_0 : i32, i32
  }
  func.func @transform_5(%arg0: i32) -> (i32, i32) {
    %c0_i32 = arith.constant 0 : i32
    %c0_i32_0 = arith.constant 0 : i32
    %c0_i32_1 = arith.constant 0 : i32
    return %c0_i32, %c0_i32_0 : i32, i32
  }
  func.func @transform_6(%arg0: i32) -> (i32, i32) {
    %c0_i32 = arith.constant 0 : i32
    %c0_i32_0 = arith.constant 0 : i32
    %c0_i32_1 = arith.constant 0 : i32
    return %c0_i32, %c0_i32_0 : i32, i32
  }
  func.func @transform_7(%arg0: i32) -> (i32, i32) {
    %c0_i32 = arith.constant 0 : i32
    %c0_i32_0 = arith.constant 0 : i32
    %c0_i32_1 = arith.constant 0 : i32
    return %c0_i32, %c0_i32_0 : i32, i32
  }
  func.func @transform_8(%arg0: i32) -> (i32, i32) {
    %c0_i32 = arith.constant 0 : i32
    %c0_i32_0 = arith.constant 0 : i32
    %c0_i32_1 = arith.constant 0 : i32
    return %c0_i32, %c0_i32_0 : i32, i32
  }
  func.func @transform_9(%arg0: i32) -> (i32, i32) {
    %c0_i32 = arith.constant 0 : i32
    %c0_i32_0 = arith.constant 0 : i32
    %c0_i32_1 = arith.constant 0 : i32
    return %c0_i32, %c0_i32_0 : i32, i32
  }
}

module attributes {stable_mosaic.version = 14 : i64} {
  func.func @_act_body(%arg0: i32, %arg1: memref<2560x16xf32, #tpu.memory_space<vmem>>, %arg2: memref<2560x128xi32, #tpu.memory_space<vmem>>, %arg3: memref<2560x128xi32, #tpu.memory_space<vmem>>, %arg4: memref<16x128xf32, #tpu.memory_space<vmem>>, %arg5: memref<1x128xf32, #tpu.memory_space<vmem>>, %arg6: memref<128x128xf32, #tpu.memory_space<vmem>>, %arg7: memref<128x128xf32, #tpu.memory_space<vmem>>, %arg8: memref<1x128xf32, #tpu.memory_space<vmem>>, %arg9: memref<1x128xf32, #tpu.memory_space<vmem>>, %arg10: memref<1x128xf32, #tpu.memory_space<vmem>>, %arg11: memref<1x128xf32, #tpu.memory_space<vmem>>, %arg12: memref<1x128xf32, #tpu.memory_space<vmem>>, %arg13: memref<1x128xf32, #tpu.memory_space<vmem>>, %arg14: memref<2560x128xf32, #tpu.memory_space<vmem>>) attributes {dimension_semantics = [#tpu.dimension_semantics<arbitrary>], iteration_bounds = array<i64: 125>, scalar_prefetch = 0 : i64, scratch_operands = 0 : i64, tpu.core_type = #tpu.core_type<tc>, window_params = [{transform_indices = @transform_0, window_bounds = array<i64: 2560, 16>}, {transform_indices = @transform_1, window_bounds = array<i64: 2560, 128>}, {transform_indices = @transform_2, window_bounds = array<i64: 2560, 128>}, {pipeline_mode = #tpu.pipeline_mode<synchronous>, transform_indices = @transform_3, window_bounds = array<i64: 16, 128>}, {pipeline_mode = #tpu.pipeline_mode<synchronous>, transform_indices = @transform_4, window_bounds = array<i64: 1, 128>}, {pipeline_mode = #tpu.pipeline_mode<synchronous>, transform_indices = @transform_5, window_bounds = array<i64: 128, 128>}, {pipeline_mode = #tpu.pipeline_mode<synchronous>, transform_indices = @transform_6, window_bounds = array<i64: 128, 128>}, {pipeline_mode = #tpu.pipeline_mode<synchronous>, transform_indices = @transform_7, window_bounds = array<i64: 1, 128>}, {pipeline_mode = #tpu.pipeline_mode<synchronous>, transform_indices = @transform_8, window_bounds = array<i64: 1, 128>}, {pipeline_mode = #tpu.pipeline_mode<synchronous>, transform_indices = @transform_9, window_bounds = array<i64: 1, 128>}, {pipeline_mode = #tpu.pipeline_mode<synchronous>, transform_indices = @transform_10, window_bounds = array<i64: 1, 128>}, {pipeline_mode = #tpu.pipeline_mode<synchronous>, transform_indices = @transform_11, window_bounds = array<i64: 1, 128>}, {pipeline_mode = #tpu.pipeline_mode<synchronous>, transform_indices = @transform_12, window_bounds = array<i64: 1, 128>}, {transform_indices = @transform_13, window_bounds = array<i64: 2560, 128>}]} {
    %get3A = arith.constant 0 : index
    %get3A_0 = arith.constant 0 : index
    %get3A_1 = vector.load %arg1[%get3A, %get3A_0] : memref<2560x16xf32, #tpu.memory_space<vmem>>, vector<2560x16xf32>
    %get3A_2 = arith.constant 0 : index
    %get3A_3 = arith.constant 0 : index
    %get3A_4 = vector.load %arg4[%get3A_2, %get3A_3] : memref<16x128xf32, #tpu.memory_space<vmem>>, vector<16x128xf32>
    %dot_general3A = arith.constant dense<0.000000e+00> : vector<2560x128xf32>
    %dot_general3A_5 = tpu.matmul %get3A_1, %get3A_4, %dot_general3A {dimension_numbers = #tpu.dot_dimension_numbers<[1], [0], [0], [1], [0, 0, 1, 1], [], []>, transpose_lhs_hint = false} : vector<2560x16xf32>, vector<16x128xf32>, vector<2560x128xf32> -> vector<2560x128xf32>
    %get3A_6 = arith.constant 0 : index
    %get3A_7 = arith.constant 0 : index
    %get3A_8 = vector.load %arg5[%get3A_6, %get3A_7] : memref<1x128xf32, #tpu.memory_space<vmem>>, vector<1x128xf32>
    %add3A = vector.broadcast %get3A_8 : vector<1x128xf32> to vector<2560x128xf32>
    %add3A_9 = arith.addf %dot_general3A_5, %add3A : vector<2560x128xf32>
    %neg3A = arith.constant 0.000000e+00 : f32
    %neg3A_10 = vector.broadcast %neg3A : f32 to vector<2560x128xf32>
    %neg3A_11 = arith.subf %neg3A_10, %add3A_9 : vector<2560x128xf32>
    %exp3A = math.exp %neg3A_11 : vector<2560x128xf32>
    %add3A_12 = arith.constant 1.000000e+00 : f32
    %add3A_13 = vector.broadcast %add3A_12 : f32 to vector<2560x128xf32>
    %add3A_14 = arith.addf %add3A_13, %exp3A : vector<2560x128xf32>
    %div3A = arith.constant 1.000000e+00 : f32
    %div3A_15 = vector.broadcast %div3A : f32 to vector<2560x128xf32>
    %div3A_16 = arith.divf %div3A_15, %add3A_14 : vector<2560x128xf32>
    %mul3A = arith.mulf %add3A_9, %div3A_16 : vector<2560x128xf32>
    %get3A_17 = arith.constant 0 : index
    %get3A_18 = arith.constant 0 : index
    %get3A_19 = vector.load %arg6[%get3A_17, %get3A_18] : memref<128x128xf32, #tpu.memory_space<vmem>>, vector<128x128xf32>
    %dot_general3A_20 = arith.constant dense<0.000000e+00> : vector<2560x128xf32>
    %dot_general3A_21 = tpu.matmul %mul3A, %get3A_19, %dot_general3A_20 {dimension_numbers = #tpu.dot_dimension_numbers<[1], [0], [0], [1], [0, 0, 1, 1], [], []>, transpose_lhs_hint = false} : vector<2560x128xf32>, vector<128x128xf32>, vector<2560x128xf32> -> vector<2560x128xf32>
    %get3A_22 = arith.constant 0 : index
    %get3A_23 = arith.constant 0 : index
    %get3A_24 = vector.load %arg7[%get3A_22, %get3A_23] : memref<128x128xf32, #tpu.memory_space<vmem>>, vector<128x128xf32>
    %dot_general3A_25 = arith.constant dense<0.000000e+00> : vector<2560x128xf32>
    %dot_general3A_26 = tpu.matmul %mul3A, %get3A_24, %dot_general3A_25 {dimension_numbers = #tpu.dot_dimension_numbers<[1], [0], [0], [1], [0, 0, 1, 1], [], []>, transpose_lhs_hint = false} : vector<2560x128xf32>, vector<128x128xf32>, vector<2560x128xf32> -> vector<2560x128xf32>
    %get3A_27 = arith.constant 0 : index
    %get3A_28 = arith.constant 0 : index
    %get3A_29 = vector.load %arg2[%get3A_27, %get3A_28] : memref<2560x128xi32, #tpu.memory_space<vmem>>, vector<2560x128xi32>
    %shift_left3A = arith.constant 16 : i32
    %shift_left3A_30 = vector.broadcast %shift_left3A : i32 to vector<2560x128xi32>
    %shift_left3A_31 = arith.shli %get3A_29, %shift_left3A_30 : vector<2560x128xi32>
    %bitcast_convert_type3A = tpu.bitcast %shift_left3A_31 : vector<2560x128xi32> -> vector<2560x128xf32>
    %and3A = arith.constant -65536 : i32
    %and3A_32 = vector.broadcast %and3A : i32 to vector<2560x128xi32>
    %and3A_33 = arith.andi %get3A_29, %and3A_32 : vector<2560x128xi32>
    %bitcast_convert_type3A_34 = tpu.bitcast %and3A_33 : vector<2560x128xi32> -> vector<2560x128xf32>
    %get3A_35 = arith.constant 0 : index
    %get3A_36 = arith.constant 0 : index
    %get3A_37 = vector.load %arg3[%get3A_35, %get3A_36] : memref<2560x128xi32, #tpu.memory_space<vmem>>, vector<2560x128xi32>
    %shift_left3A_38 = arith.constant 16 : i32
    %shift_left3A_39 = vector.broadcast %shift_left3A_38 : i32 to vector<2560x128xi32>
    %shift_left3A_40 = arith.shli %get3A_37, %shift_left3A_39 : vector<2560x128xi32>
    %bitcast_convert_type3A_41 = tpu.bitcast %shift_left3A_40 : vector<2560x128xi32> -> vector<2560x128xf32>
    %and3A_42 = arith.constant -65536 : i32
    %and3A_43 = vector.broadcast %and3A_42 : i32 to vector<2560x128xi32>
    %and3A_44 = arith.andi %get3A_37, %and3A_43 : vector<2560x128xi32>
    %bitcast_convert_type3A_45 = tpu.bitcast %and3A_44 : vector<2560x128xi32> -> vector<2560x128xf32>
    %add3A_46 = arith.addf %bitcast_convert_type3A, %bitcast_convert_type3A_41 : vector<2560x128xf32>
    %add3A_47 = arith.addf %add3A_46, %dot_general3A_21 : vector<2560x128xf32>
    %get3A_48 = arith.constant 0 : index
    %get3A_49 = arith.constant 0 : index
    %get3A_50 = vector.load %arg8[%get3A_48, %get3A_49] : memref<1x128xf32, #tpu.memory_space<vmem>>, vector<1x128xf32>
    %add3A_51 = vector.broadcast %get3A_50 : vector<1x128xf32> to vector<2560x128xf32>
    %add3A_52 = arith.addf %add3A_47, %add3A_51 : vector<2560x128xf32>
    %add3A_53 = arith.addf %bitcast_convert_type3A_34, %bitcast_convert_type3A_45 : vector<2560x128xf32>
    %add3A_54 = arith.addf %add3A_53, %dot_general3A_26 : vector<2560x128xf32>
    %get3A_55 = arith.constant 0 : index
    %get3A_56 = arith.constant 0 : index
    %get3A_57 = vector.load %arg9[%get3A_55, %get3A_56] : memref<1x128xf32, #tpu.memory_space<vmem>>, vector<1x128xf32>
    %add3A_58 = vector.broadcast %get3A_57 : vector<1x128xf32> to vector<2560x128xf32>
    %add3A_59 = arith.addf %add3A_54, %add3A_58 : vector<2560x128xf32>
    %get3A_60 = arith.constant 0 : index
    %get3A_61 = arith.constant 0 : index
    %get3A_62 = vector.load %arg10[%get3A_60, %get3A_61] : memref<1x128xf32, #tpu.memory_space<vmem>>, vector<1x128xf32>
    %mul3A_63 = vector.broadcast %get3A_62 : vector<1x128xf32> to vector<2560x128xf32>
    %mul3A_64 = arith.mulf %add3A_52, %mul3A_63 : vector<2560x128xf32>
    %get3A_65 = arith.constant 0 : index
    %get3A_66 = arith.constant 0 : index
    %get3A_67 = vector.load %arg11[%get3A_65, %get3A_66] : memref<1x128xf32, #tpu.memory_space<vmem>>, vector<1x128xf32>
    %add3A_68 = vector.broadcast %get3A_67 : vector<1x128xf32> to vector<2560x128xf32>
    %add3A_69 = arith.addf %mul3A_64, %add3A_68 : vector<2560x128xf32>
    %get3A_70 = arith.constant 0 : index
    %get3A_71 = arith.constant 0 : index
    %get3A_72 = vector.load %arg12[%get3A_70, %get3A_71] : memref<1x128xf32, #tpu.memory_space<vmem>>, vector<1x128xf32>
    %mul3A_73 = vector.broadcast %get3A_72 : vector<1x128xf32> to vector<2560x128xf32>
    %mul3A_74 = arith.mulf %add3A_59, %mul3A_73 : vector<2560x128xf32>
    %get3A_75 = arith.constant 0 : index
    %get3A_76 = arith.constant 0 : index
    %get3A_77 = vector.load %arg13[%get3A_75, %get3A_76] : memref<1x128xf32, #tpu.memory_space<vmem>>, vector<1x128xf32>
    %add3A_78 = vector.broadcast %get3A_77 : vector<1x128xf32> to vector<2560x128xf32>
    %add3A_79 = arith.addf %mul3A_74, %add3A_78 : vector<2560x128xf32>
    %neg3A_80 = arith.constant 0.000000e+00 : f32
    %neg3A_81 = vector.broadcast %neg3A_80 : f32 to vector<2560x128xf32>
    %neg3A_82 = arith.subf %neg3A_81, %add3A_69 : vector<2560x128xf32>
    %exp3A_83 = math.exp %neg3A_82 : vector<2560x128xf32>
    %add3A_84 = arith.constant 1.000000e+00 : f32
    %add3A_85 = vector.broadcast %add3A_84 : f32 to vector<2560x128xf32>
    %add3A_86 = arith.addf %add3A_85, %exp3A_83 : vector<2560x128xf32>
    %div3A_87 = arith.constant 1.000000e+00 : f32
    %div3A_88 = vector.broadcast %div3A_87 : f32 to vector<2560x128xf32>
    %div3A_89 = arith.divf %div3A_88, %add3A_86 : vector<2560x128xf32>
    %mul3A_90 = arith.mulf %add3A_69, %div3A_89 : vector<2560x128xf32>
    %max3A = arith.constant 0.000000e+00 : f32
    %max3A_91 = vector.broadcast %max3A : f32 to vector<2560x128xf32>
    %max3A_92 = arith.maximumf %add3A_79, %max3A_91 : vector<2560x128xf32>
    %abs3A = math.absf %add3A_79 : vector<2560x128xf32>
    %neg3A_93 = arith.constant 0.000000e+00 : f32
    %neg3A_94 = vector.broadcast %neg3A_93 : f32 to vector<2560x128xf32>
    %neg3A_95 = arith.subf %neg3A_94, %abs3A : vector<2560x128xf32>
    %exp3A_96 = math.exp %neg3A_95 : vector<2560x128xf32>
    %log1p3A = math.log1p %exp3A_96 : vector<2560x128xf32>
    %add3A_97 = arith.addf %max3A_92, %log1p3A : vector<2560x128xf32>
    %mul3A_98 = arith.mulf %mul3A_90, %add3A_97 : vector<2560x128xf32>
    %swap3A = arith.constant 0 : index
    %swap3A_99 = arith.constant 0 : index
    %swap3A_100 = vector.load %arg14[%swap3A, %swap3A_99] : memref<2560x128xf32, #tpu.memory_space<vmem>>, vector<2560x128xf32>
    tpu.vector_store %arg14[%swap3A, %swap3A_99], %mul3A_98 {strides = array<i32>} : memref<2560x128xf32, #tpu.memory_space<vmem>>, vector<2560x128xf32>,
    return
  }
  func.func @transform_0(%arg0: i32) -> (i32, i32) {
    %c0_i32 = arith.constant 0 : i32
    %c0_i32_0 = arith.constant 0 : i32
    return %arg0, %c0_i32 : i32, i32
  }
  func.func @transform_1(%arg0: i32) -> (i32, i32) {
    %c0_i32 = arith.constant 0 : i32
    %c0_i32_0 = arith.constant 0 : i32
    return %arg0, %c0_i32 : i32, i32
  }
  func.func @transform_2(%arg0: i32) -> (i32, i32) {
    %c0_i32 = arith.constant 0 : i32
    %c0_i32_0 = arith.constant 0 : i32
    return %arg0, %c0_i32 : i32, i32
  }
  func.func @transform_3(%arg0: i32) -> (i32, i32) {
    %c0_i32 = arith.constant 0 : i32
    %c0_i32_0 = arith.constant 0 : i32
    %c0_i32_1 = arith.constant 0 : i32
    return %c0_i32, %c0_i32_0 : i32, i32
  }
  func.func @transform_4(%arg0: i32) -> (i32, i32) {
    %c0_i32 = arith.constant 0 : i32
    %c0_i32_0 = arith.constant 0 : i32
    %c0_i32_1 = arith.constant 0 : i32
    return %c0_i32, %c0_i32_0 : i32, i32
  }
  func.func @transform_5(%arg0: i32) -> (i32, i32) {
    %c0_i32 = arith.constant 0 : i32
    %c0_i32_0 = arith.constant 0 : i32
    %c0_i32_1 = arith.constant 0 : i32
    return %c0_i32, %c0_i32_0 : i32, i32
  }
  func.func @transform_6(%arg0: i32) -> (i32, i32) {
    %c0_i32 = arith.constant 0 : i32
    %c0_i32_0 = arith.constant 0 : i32
    %c0_i32_1 = arith.constant 0 : i32
    return %c0_i32, %c0_i32_0 : i32, i32
  }
  func.func @transform_7(%arg0: i32) -> (i32, i32) {
    %c0_i32 = arith.constant 0 : i32
    %c0_i32_0 = arith.constant 0 : i32
    %c0_i32_1 = arith.constant 0 : i32
    return %c0_i32, %c0_i32_0 : i32, i32
  }
  func.func @transform_8(%arg0: i32) -> (i32, i32) {
    %c0_i32 = arith.constant 0 : i32
    %c0_i32_0 = arith.constant 0 : i32
    %c0_i32_1 = arith.constant 0 : i32
    return %c0_i32, %c0_i32_0 : i32, i32
  }
  func.func @transform_9(%arg0: i32) -> (i32, i32) {
    %c0_i32 = arith.constant 0 : i32
    %c0_i32_0 = arith.constant 0 : i32
    %c0_i32_1 = arith.constant 0 : i32
    return %c0_i32, %c0_i32_0 : i32, i32
  }
  func.func @transform_10(%arg0: i32) -> (i32, i32) {
    %c0_i32 = arith.constant 0 : i32
    %c0_i32_0 = arith.constant 0 : i32
    %c0_i32_1 = arith.constant 0 : i32
    return %c0_i32, %c0_i32_0 : i32, i32
  }
  func.func @transform_11(%arg0: i32) -> (i32, i32) {
    %c0_i32 = arith.constant 0 : i32
    %c0_i32_0 = arith.constant 0 : i32
    %c0_i32_1 = arith.constant 0 : i32
    return %c0_i32, %c0_i32_0 : i32, i32
  }
  func.func @transform_12(%arg0: i32) -> (i32, i32) {
    %c0_i32 = arith.constant 0 : i32
    %c0_i32_0 = arith.constant 0 : i32
    %c0_i32_1 = arith.constant 0 : i32
    return %c0_i32, %c0_i32_0 : i32, i32
  }
  func.func @transform_13(%arg0: i32) -> (i32, i32) {
    %c0_i32 = arith.constant 0 : i32
    %c0_i32_0 = arith.constant 0 : i32
    return %arg0, %c0_i32 : i32, i32
  }
}

module attributes {stable_mosaic.version = 14 : i64} {
  func.func @_final_stats_body(%arg0: i32, %arg1: memref<2000x128xf32, #tpu.memory_space<vmem>>, %arg2: memref<2000x128xf32, #tpu.memory_space<vmem>>, %arg3: memref<2000x128xf32, #tpu.memory_space<vmem>>, %arg4: memref<2x128xf32, #tpu.memory_space<vmem>>) attributes {dimension_semantics = [#tpu.dimension_semantics<arbitrary>], iteration_bounds = array<i64: 5>, scalar_prefetch = 0 : i64, scratch_operands = 0 : i64, tpu.core_type = #tpu.core_type<tc>, window_params = [{transform_indices = @transform_0, window_bounds = array<i64: 2000, 128>}, {transform_indices = @transform_1, window_bounds = array<i64: 2000, 128>}, {transform_indices = @transform_2, window_bounds = array<i64: 2000, 128>}, {pipeline_mode = #tpu.pipeline_mode<synchronous>, transform_indices = @transform_3, window_bounds = array<i64: 2, 128>}]} {
    %get3A = arith.constant 0 : index
    %get3A_0 = arith.constant 0 : index
    %get3A_1 = vector.load %arg1[%get3A, %get3A_0] : memref<2000x128xf32, #tpu.memory_space<vmem>>, vector<2000x128xf32>
    %get3A_2 = arith.constant 0 : index
    %get3A_3 = arith.constant 0 : index
    %get3A_4 = vector.load %arg2[%get3A_2, %get3A_3] : memref<2000x128xf32, #tpu.memory_space<vmem>>, vector<2000x128xf32>
    %add3A = arith.addf %get3A_1, %get3A_4 : vector<2000x128xf32>
    %swap3A = arith.constant 0 : index
    %swap3A_5 = arith.constant 0 : index
    %swap3A_6 = vector.load %arg3[%swap3A, %swap3A_5] : memref<2000x128xf32, #tpu.memory_space<vmem>>, vector<2000x128xf32>
    tpu.vector_store %arg3[%swap3A, %swap3A_5], %add3A {strides = array<i32>} : memref<2000x128xf32, #tpu.memory_space<vmem>>, vector<2000x128xf32>,
    %eq3A = arith.constant 0 : i32
    %eq3A_7 = arith.cmpi eq, %arg0, %eq3A : i32
    %convert_element_type3A = arith.extui %eq3A_7 : i1 to i32
    %cond3A = arith.constant 0 : i32
    %cond3A_8 = arith.cmpi ne, %convert_element_type3A, %cond3A : i32
    scf.if %cond3A_8 {
      %broadcast_in_dim3A_27 = arith.constant 0.000000e+00 : f32
      %broadcast_in_dim3A_28 = vector.broadcast %broadcast_in_dim3A_27 : f32 to vector<2x128xf32>
      %swap3A_29 = arith.constant 0 : index
      %swap3A_30 = arith.constant 0 : index
      %swap3A_31 = vector.load %arg4[%swap3A_29, %swap3A_30] : memref<2x128xf32, #tpu.memory_space<vmem>>, vector<2x128xf32>
      tpu.vector_store %arg4[%swap3A_29, %swap3A_30], %broadcast_in_dim3A_28 {strides = array<i32>} : memref<2x128xf32, #tpu.memory_space<vmem>>, vector<2x128xf32>,
    } else {
    }
    %get3A_9 = arith.constant 0 : index
    %get3A_10 = arith.constant 0 : index
    %get3A_11 = vector.load %arg4[%get3A_9, %get3A_10] : memref<2x128xf32, #tpu.memory_space<vmem>>, vector<1x128xf32>
    %reduce_sum3A = arith.constant dense<0.000000e+00> : vector<128xf32>
    %reduce_sum3A_12 = vector.multi_reduction <add>, %add3A, %reduce_sum3A [0] : vector<2000x128xf32> to vector<128xf32>
    %broadcast_in_dim3A = vector.shape_cast %reduce_sum3A_12 : vector<128xf32> to vector<1x128xf32>
    %add3A_13 = arith.addf %get3A_11, %broadcast_in_dim3A : vector<1x128xf32>
    %swap3A_14 = arith.constant 0 : index
    %swap3A_15 = arith.constant 0 : index
    %swap3A_16 = vector.load %arg4[%swap3A_14, %swap3A_15] : memref<2x128xf32, #tpu.memory_space<vmem>>, vector<1x128xf32>
    tpu.vector_store %arg4[%swap3A_14, %swap3A_15], %add3A_13 {strides = array<i32>} : memref<2x128xf32, #tpu.memory_space<vmem>>, vector<1x128xf32>,
    %get3A_17 = arith.constant 1 : index
    %get3A_18 = arith.constant 0 : index
    %get3A_19 = vector.load %arg4[%get3A_17, %get3A_18] : memref<2x128xf32, #tpu.memory_space<vmem>>, vector<1x128xf32>
    %mul3A = arith.mulf %add3A, %add3A : vector<2000x128xf32>
    %reduce_sum3A_20 = arith.constant dense<0.000000e+00> : vector<128xf32>
    %reduce_sum3A_21 = vector.multi_reduction <add>, %mul3A, %reduce_sum3A_20 [0] : vector<2000x128xf32> to vector<128xf32>
    %broadcast_in_dim3A_22 = vector.shape_cast %reduce_sum3A_21 : vector<128xf32> to vector<1x128xf32>
    %add3A_23 = arith.addf %get3A_19, %broadcast_in_dim3A_22 : vector<1x128xf32>
    %swap3A_24 = arith.constant 1 : index
    %swap3A_25 = arith.constant 0 : index
    %swap3A_26 = vector.load %arg4[%swap3A_24, %swap3A_25] : memref<2x128xf32, #tpu.memory_space<vmem>>, vector<1x128xf32>
    tpu.vector_store %arg4[%swap3A_24, %swap3A_25], %add3A_23 {strides = array<i32>} : memref<2x128xf32, #tpu.memory_space<vmem>>, vector<1x128xf32>,
    return
  }
  func.func @transform_0(%arg0: i32) -> (i32, i32) {
    %c0_i32 = arith.constant 0 : i32
    %c0_i32_0 = arith.constant 0 : i32
    return %arg0, %c0_i32 : i32, i32
  }
  func.func @transform_1(%arg0: i32) -> (i32, i32) {
    %c0_i32 = arith.constant 0 : i32
    %c0_i32_0 = arith.constant 0 : i32
    return %arg0, %c0_i32 : i32, i32
  }
  func.func @transform_2(%arg0: i32) -> (i32, i32) {
    %c0_i32 = arith.constant 0 : i32
    %c0_i32_0 = arith.constant 0 : i32
    return %arg0, %c0_i32 : i32, i32
  }
  func.func @transform_3(%arg0: i32) -> (i32, i32) {
    %c0_i32 = arith.constant 0 : i32
    %c0_i32_0 = arith.constant 0 : i32
    %c0_i32_1 = arith.constant 0 : i32
    return %c0_i32, %c0_i32_0 : i32, i32
  }
}

module attributes {stable_mosaic.version = 14 : i64} {
  func.func @_final_out_body(%arg0: i32, %arg1: memref<2000x128xf32, #tpu.memory_space<vmem>>, %arg2: memref<2000x128xf32, #tpu.memory_space<vmem>>, %arg3: memref<1x128xf32, #tpu.memory_space<vmem>>, %arg4: memref<1x128xf32, #tpu.memory_space<vmem>>, %arg5: memref<2000x128xf32, #tpu.memory_space<vmem>>) attributes {dimension_semantics = [#tpu.dimension_semantics<arbitrary>], iteration_bounds = array<i64: 5>, scalar_prefetch = 0 : i64, scratch_operands = 0 : i64, tpu.core_type = #tpu.core_type<tc>, window_params = [{transform_indices = @transform_0, window_bounds = array<i64: 2000, 128>}, {transform_indices = @transform_1, window_bounds = array<i64: 2000, 128>}, {pipeline_mode = #tpu.pipeline_mode<synchronous>, transform_indices = @transform_2, window_bounds = array<i64: 1, 128>}, {pipeline_mode = #tpu.pipeline_mode<synchronous>, transform_indices = @transform_3, window_bounds = array<i64: 1, 128>}, {transform_indices = @transform_4, window_bounds = array<i64: 2000, 128>}]} {
    %get3A = arith.constant 0 : index
    %get3A_0 = arith.constant 0 : index
    %get3A_1 = vector.load %arg1[%get3A, %get3A_0] : memref<2000x128xf32, #tpu.memory_space<vmem>>, vector<2000x128xf32>
    %get3A_2 = arith.constant 0 : index
    %get3A_3 = arith.constant 0 : index
    %get3A_4 = vector.load %arg3[%get3A_2, %get3A_3] : memref<1x128xf32, #tpu.memory_space<vmem>>, vector<1x128xf32>
    %mul3A = vector.broadcast %get3A_4 : vector<1x128xf32> to vector<2000x128xf32>
    %mul3A_5 = arith.mulf %get3A_1, %mul3A : vector<2000x128xf32>
    %get3A_6 = arith.constant 0 : index
    %get3A_7 = arith.constant 0 : index
    %get3A_8 = vector.load %arg4[%get3A_6, %get3A_7] : memref<1x128xf32, #tpu.memory_space<vmem>>, vector<1x128xf32>
    %add3A = vector.broadcast %get3A_8 : vector<1x128xf32> to vector<2000x128xf32>
    %add3A_9 = arith.addf %mul3A_5, %add3A : vector<2000x128xf32>
    %get3A_10 = arith.constant 0 : index
    %get3A_11 = arith.constant 0 : index
    %get3A_12 = vector.load %arg2[%get3A_10, %get3A_11] : memref<2000x128xf32, #tpu.memory_space<vmem>>, vector<2000x128xf32>
    %add3A_13 = arith.addf %add3A_9, %get3A_12 : vector<2000x128xf32>
    %max3A = arith.constant 0.000000e+00 : f32
    %max3A_14 = vector.broadcast %max3A : f32 to vector<2000x128xf32>
    %max3A_15 = arith.maximumf %add3A_13, %max3A_14 : vector<2000x128xf32>
    %abs3A = math.absf %add3A_13 : vector<2000x128xf32>
    %neg3A = arith.constant 0.000000e+00 : f32
    %neg3A_16 = vector.broadcast %neg3A : f32 to vector<2000x128xf32>
    %neg3A_17 = arith.subf %neg3A_16, %abs3A : vector<2000x128xf32>
    %exp3A = math.exp %neg3A_17 : vector<2000x128xf32>
    %log1p3A = math.log1p %exp3A : vector<2000x128xf32>
    %add3A_18 = arith.addf %max3A_15, %log1p3A : vector<2000x128xf32>
    %swap3A = arith.constant 0 : index
    %swap3A_19 = arith.constant 0 : index
    %swap3A_20 = vector.load %arg5[%swap3A, %swap3A_19] : memref<2000x128xf32, #tpu.memory_space<vmem>>, vector<2000x128xf32>
    tpu.vector_store %arg5[%swap3A, %swap3A_19], %add3A_18 {strides = array<i32>} : memref<2000x128xf32, #tpu.memory_space<vmem>>, vector<2000x128xf32>,
    return
  }
  func.func @transform_0(%arg0: i32) -> (i32, i32) {
    %c0_i32 = arith.constant 0 : i32
    %c0_i32_0 = arith.constant 0 : i32
    return %arg0, %c0_i32 : i32, i32
  }
  func.func @transform_1(%arg0: i32) -> (i32, i32) {
    %c0_i32 = arith.constant 0 : i32
    %c0_i32_0 = arith.constant 0 : i32
    return %arg0, %c0_i32 : i32, i32
  }
  func.func @transform_2(%arg0: i32) -> (i32, i32) {
    %c0_i32 = arith.constant 0 : i32
    %c0_i32_0 = arith.constant 0 : i32
    %c0_i32_1 = arith.constant 0 : i32
    return %c0_i32, %c0_i32_0 : i32, i32
  }
  func.func @transform_3(%arg0: i32) -> (i32, i32) {
    %c0_i32 = arith.constant 0 : i32
    %c0_i32_0 = arith.constant 0 : i32
    %c0_i32_1 = arith.constant 0 : i32
    return %c0_i32, %c0_i32_0 : i32, i32
  }
  func.func @transform_4(%arg0: i32) -> (i32, i32) {
    %c0_i32 = arith.constant 0 : i32
    %c0_i32_0 = arith.constant 0 : i32
    return %arg0, %c0_i32 : i32, i32
  }
}

</mosaic_0001>

<sc_bundles>
// kernel: kernel.10.cloned.1.call-start
scs
__scs_entry_jumppad:
0x0: {  	(pc) =	sbr.rel $0x88, $3  }
0x1: {  	(tag) =	ssettag $0x0;
	lr =	simm.s32 $0x1  }
0x2: {  	[smem:$0x3F91] =	sst lr;
	_ =	strace $0xD0000000  }
0x3: {  	_ = 	snop  }
0x4: {  	_ = 	snop  }
0x5: {  	_ = 	snop  }
0x6: {  	_ = 	snop  }
0x7: {  	_ = 	snop  }
__scs_overlays_trampoline_lowered:
0x8: {  	[smem:$0x3FA0] =	sst s0  }
0x9: {  	[smem:$0x3FA1] =	sst s1  }
0xa: {  	[smem:$0x3FA2] =	sst s2  }
0xb: {  	[smem:$0x3FA3] =	sst s3  }
0xc: {  	[smem:$0x3FA4] =	sst s4  }
0xd: {  	[smem:$0x3FA5] =	sst s5  }
0xe: {  	[smem:$0x3FA6] =	sst s6  }
0xf: {  	[smem:$0x3FA7] =	sst s7  }
0x10: {  	[smem:$0x3FA8] =	sst s8  }
0x11: {  	[smem:$0x3FA9] =	sst s9;
	s0 =	simm.s32 @!p0 $0x0  }
0x12: {  	s1 =	sld [smem:$0x3F8F];
	s0 =	simm.s32 @p0 $0x1  }
0x13: {  	[smem:$0x3FAA] =	sst s0;
	s0 =	simm.s32 @!p1 $0x0  }
0x14: {  	s2 =	sld [smem:$0x3F8E];
	s0 =	simm.s32 @p1 $0x1  }
0x15: {  	[smem:$0x3FAB] =	sst s0;
	s0 =	simm.s32 @!p2 $0x0  }
0x16: {  	s3 =	sld [smem:$0x3FDB];
	s0 =	simm.s32 @p2 $0x1  }
0x17: {  	s4 =	simm.s32 $0x1BF5;
	[smem:$0x3FAD] =	sst s0  }
0x18: {  	s0 =	sld [smem:$0x3F90];
	_ =	swait.ge [sflag:s4], $0x0  }
0x19: {  	s7 =	sld [smem:$0x3F91]  }
0x1a: {  	s8 =	sadd.s32 $0xFFFFE003, lr  }
0x1b: {  	s9 =	sadd.s32 $0xFFFFFEF7, lr;
	s5 =	simm.s32 $0xFFFFFFFF;
	p2 =	slt.u32 s8, $0xFFFFF086  }
0x1c: {  	p1 =	slt.u32 s9, $0xF7A;
	s5 =	simm.s32 @!p2 $0x0  }
0x1d: {  	s5 =	simm.s32 @p1 $0x1;
	p0 =	seq.s32 s7, s2  }
0x1e: {  	s7 =	smul.u32 @!p0 $0xF7A, s2;
	p2 =	seq.s32 @!p0 s5, $0x0  }
0x1f: {  	s9 =	smul.u32 $0xF7A, s1;
	s8 =	simm.s32 @!p0 $0x1BF5;
	p2 =	por !p2, p0  }
0x20: {  	[sflag:s8] =	ssyncset.s32 @!p0 $0xFFFFF086;
	s6 =	sadd.s32 @!p0 s3, s7;
	s7 =	simm.s32 @!p0 $0x108  }
0x21: {  	s3 =	sadd.s32 s3, s9;
	s6 =	sadd.s32 @!p0 $0x88, s6;
	s7 =	simm.s32 @p2 $0x1082  }
0x22: {  	[simem:s7], [sflag:s8] =	dma.local @!p0 [hbm:s6], $0xF7A  }
0x23: {  	s9 =	sor.u32 $0xD0000000, s2;
	s6 =	simm.s32 $0x108;
	_ =	swait.ge @!p0 [sflag:s8], $0x0  }
0x24: {  	s3 =	sadd.s32 $0x88, s3;
	s6 =	simm.s32 @!p1 $0x1082;
	[sflag:s4] =	ssyncset.s32 $0xFFFFF086  }
0x25: {  	[simem:s6], [sflag:s4] =	dma.local [hbm:s3], $0xF7A  }
0x26: {  	[smem:$0x3F91] =	sst s1;
	(tag) =	ssettag s2;
	_ =	strace s9  }
0x27: {  	s1 =	sld [smem:$0x3FA1]  }
0x28: {  	s2 =	sld [smem:$0x3FA2]  }
0x29: {  	s4 =	sld [smem:$0x3FA4]  }
0x2a: {  	p0 =	seq.s32 s5, $0x0;
	s5 =	sld [smem:$0x3FA5]  }
0x2b: {  	s6 =	sld [smem:$0x3FA6]  }
0x2c: {  	s7 =	sld [smem:$0x3FA7]  }
0x2d: {  	s3 =	simm.s32 $0x108;
	s8 =	sld [smem:$0x3FA8]  }
0x2e: {  	s3 =	simm.s32 @!p0 $0x1082;
	s9 =	sld [smem:$0x3FA9]  }
0x2f: {  	lr =	sadd.s32 s0, s3;
	s0 =	sld [smem:$0x3FA0]  }
0x30: {  	s3 =	sld [smem:$0x3FA3]  }
0x31: {  	[smem:$0x3FAC] =	sst s10  }
0x32: {  	s10 =	sld [smem:$0x3FAA];
	_ =	sdelay $0x3  }
0x33: {  	p0 =	seq.s32 s10, $0x1;
	s10 =	sld [smem:$0x3FAC];
	_ =	sdelay $0x3  }
0x34: {  	[smem:$0x3FAC] =	sst s10  }
0x35: {  	s10 =	sld [smem:$0x3FAB];
	_ =	sdelay $0x3  }
0x36: {  	p1 =	seq.s32 s10, $0x1;
	s10 =	sld [smem:$0x3FAC];
	_ =	sdelay $0x3  }
0x37: {  	[smem:$0x3FAC] =	sst s10  }
0x38: {  	s10 =	sld [smem:$0x3FAD]  }
0x39: {  	_ = 	snop;
	(pc) =	sbr.ind lr, $3  }
0x3a: {  	_ = 	snop  }
0x3b: {  	_ = 	snop  }
0x3c: {  	p2 =	seq.s32 s10, $0x1;
	s10 =	sld [smem:$0x3FAC]  }
0x3d: {  	_ =	shalt  }
0x3e: {  	_ =	shalt  }
0x3f: {  	_ =	shalt  }
0x40: {  	_ =	shalt  }
0x41: {  	_ =	shalt  }
0x42: {  	_ =	shalt  }
0x43: {  	_ =	shalt  }
0x44: {  	_ =	shalt  }
0x45: {  	_ =	shalt  }
0x46: {  	_ =	shalt  }
0x47: {  	_ =	shalt  }
0x48: {  	_ =	shalt  }
0x49: {  	_ =	shalt  }
0x4a: {  	_ =	shalt  }
0x4b: {  	_ =	shalt  }
0x4c: {  	_ =	shalt  }
0x4d: {  	_ =	shalt  }
0x4e: {  	_ =	shalt  }
0x4f: {  	_ =	shalt  }
0x50: {  	_ =	shalt  }
0x51: {  	_ =	shalt  }
0x52: {  	_ =	shalt  }
0x53: {  	_ =	shalt  }
0x54: {  	_ =	shalt  }
0x55: {  	_ =	shalt  }
0x56: {  	_ =	shalt  }
0x57: {  	_ =	shalt  }
0x58: {  	_ =	shalt  }
0x59: {  	_ =	shalt  }
0x5a: {  	_ =	shalt  }
0x5b: {  	_ =	shalt  }
0x5c: {  	_ =	shalt  }
0x5d: {  	_ =	shalt  }
0x5e: {  	_ =	shalt  }
0x5f: {  	_ =	shalt  }
0x60: {  	_ =	shalt  }
0x61: {  	_ =	shalt  }
0x62: {  	_ =	shalt  }
0x63: {  	_ =	shalt  }
0x64: {  	_ =	shalt  }
0x65: {  	_ =	shalt  }
0x66: {  	_ =	shalt  }
0x67: {  	_ =	shalt  }
0x68: {  	_ =	shalt  }
0x69: {  	_ =	shalt  }
0x6a: {  	_ =	shalt  }
0x6b: {  	_ =	shalt  }
0x6c: {  	_ =	shalt  }
0x6d: {  	_ =	shalt  }
0x6e: {  	_ =	shalt  }
0x6f: {  	_ =	shalt  }
0x70: {  	_ =	shalt  }
0x71: {  	_ =	shalt  }
0x72: {  	_ =	shalt  }
0x73: {  	_ =	shalt  }
0x74: {  	_ =	shalt  }
0x75: {  	_ =	shalt  }
0x76: {  	_ =	shalt  }
0x77: {  	_ =	shalt  }
0x78: {  	_ =	shalt  }
0x79: {  	_ =	shalt  }
0x7a: {  	_ =	shalt  }
0x7b: {  	_ =	shalt  }
0x7c: {  	_ =	shalt  }
0x7d: {  	_ =	shalt  }
0x7e: {  	_ =	shalt  }
0x7f: {  	_ =	shalt  }
0x80: {  	_ =	shalt  }
0x81: {  	_ =	shalt  }
0x82: {  	_ =	shalt  }
0x83: {  	_ =	shalt  }
0x84: {  	_ =	shalt  }
0x85: {  	_ =	shalt  }
0x86: {  	_ =	shalt  }
0x87: {  	_ =	shalt  }
.Lfunc_end0:
.L_simem_size_0:
called_computation_lowered:
.L_overlay_start_0:
0x88: {  	s2 =	sld [smem:$0x3FD9]  }
0x89: {  	s3 =	sld [smem:$0x3FFE];
	_ =	sdelay $0x1  }
0x8a: {  	s1 =	srdreg.scid  }
0x8b: {  	s0 =	sand.u32 $0x1, s1  }
0x8c: {  	s17 =	sshll.u32 s0, $0xA;
	s2 =	sadd.s32 s3, s2  }
0x8d: {  	s2 =	sadd.s32 s2, s17  }
0x8e: {  	[smem:$0x3FB8] =	sst s2  }
0x8f: {  	_ = 	snop  }
0x90: {  	s2 =	sld [smem:$0x3FD0];
	(tm) =	ssettm $0x1  }
0x91: {  	s18 =	sld [smem:$0x3FFB];
	_ =	sdelay $0x3  }
0x92: {  	_ =	strace s18  }
0x93: {  	s3 =	sld [smem:$0x3FFC];
	_ =	sdelay $0x3  }
0x94: {  	_ =	strace s3  }
0x95: {  	s3 =	sld [smem:$0x3FFD];
	_ =	sdelay $0x3  }
0x96: {  	_ =	strace s3  }
0x97: {  	_ =	strace $0x8FFFFFFF  }
0x98: {  	s19 =	sld [smem:$0x3FDB];
	_ =	sdelay $0x1  }
0x99: {  	s4 =	simm.s32 $_scs_section_size  }
0x9a: {  	s5 =	simm.s32 $_size__tile_overlayer_lowered;
	s6 =	simm.s32 $_tile_overlayer_lowered  }
0x9b: {  	s22 =	simm.s32 $0x1BFF;
	s21 =	sshll.u32 s6, $0x1;
	s3 =	sadd.s32 s4, s19  }
0x9c: {  	s7 =	simm.s32 $0x0;
	s20 =	sshll.u32 s5, $0x1;
	s5 =	sadd.s32 s21, s3  }
0x9d: {  	[timem:s7], [sflag:s22] =	dma.local [hbm:s5], s20  }
0x9e: {  	_ =	swait.ge [sflag:s22], s20  }
0x9f: {  	s4 =	ssub.s32 $0x0, s20;
	[sflag:s22] =	ssyncset.done $0x0  }
0xa0: {  	[sflag:s22] =	ssyncadd.s32 s4;
	_ =	sdelay $0x1  }
0xa1: {  	s23 =	simm.s32 $0x1B8B  }
0xa2: {  	_ =	swait.ge [sflag:s23], $0x1  }
0xa3: {  	[sflag:s23] =	ssyncset.done $0x0  }
0xa4: {  	s25 =	simm.s32 $0x1B8E;
	s24 =	sld [smem:$0x3FFE];
	[sflag:s23] =	ssyncadd.s32 $0xFFFFFFFF  }
0xa5: {  	s26 =	simm.s32 $execute0_lowered;
	[smem:$0x3FD2] =	sst s25  }
0xa6: {  	s5 =	sshll.u32 s26, $0x1;
	_ =	strace $0x80000046;
	[dreg:$0x1] =	wrdreg $0xFFFFFFFF  }
0xa7: {  	s28 =	simm.s32 $_size_execute0_lowered;
	s3 =	sadd.s32 s3, s5;
	[dreg:$0x0] =	wrdreg $0x0  }
0xa8: {  	s5 =	sshll.u32 s28, $0x1;
	[dreg:$0x2] =	wrdreg s3  }
0xa9: {  	[dreg:$0x3] =	wrdreg s5  }
0xaa: {  	[dreg:$0x4] =	wrdreg $0xC0  }
0xab: {  	_ =	task [dreg:s7], $0x5FFFF  }
0xac: {  	[dreg:$0x1] =	wrdreg $0xFFFFFFFF  }
0xad: {  	[dreg:$0x0] =	wrdreg $0x60  }
0xae: {  	[dreg:$0x2] =	wrdreg s2  }
0xaf: {  	[dreg:$0x3] =	wrdreg s24  }
0xb0: {  	[dreg:$0x4] =	wrdreg $0x9  }
0xb1: {  	_ =	task.clear_ibuf [dreg:s7], $0x5FFFF;
	_ =	strace $0x90000046  }
0xb2: {  	s29 =	simm.s32 $0x9;
	_ =	strace $0x80000048  }
0xb3: {  	_ =	swait.ge [sflag:s29], $0x1  }
0xb4: {  	[sflag:s29] =	ssyncadd.s32 $0xFFFFFFFF  }
0xb5: {  	_ =	strace $0x90000048  }
0xb6: {  	_ =	sfence  }
0xb7: {  	s30 =	sld [smem:$0x0];
	_ =	sdelay $0x2  }
0xb8: {  	s31 =	sshll.u32 s1, $0xD;
	s1 =	sshrl.u32 s1, $0x2  }
0xb9: {  	s3 =	sand.u32 $0x4000, s31;
	s1 =	sadd.s32 s1, s30  }
0xba: {  	s0 =	sor.u32 s3, s0;
	s1 =	sshll.u32 s1, $0x11  }
0xbb: {  	s0 =	sor.u32 s1, s0  }
0xbc: {  	s0 =	sadd.s32 $0x8F2B, s0  }
0xbd: {  	[sflag:s0] =	ssyncadd.remote.s32 $0x1  }
0xbe: {  	_ =	sfence.sel $0xFFFF  }
0xbf: {  	[dreg:$0x0] =	wrdreg $0xFFFFFFFF;
	(pc) =	sbr.abs _section_cstart, $3  }
0xc0: {  	[dreg:$0x1] =	wrdreg $0xFFFFFFFF  }
0xc1: {  	_ =	task.clear_ibuf [dreg:s7], $0x2FFFF;
	_ =	strace $0x9FFFFFFF  }
0xc2: {  	(tm) =	ssettm $0x7FFFFFFF  }
0xc3: {  	_ =	shalt  }
tec
execute0_lowered:
.L_overlay_start_1:
0x0: {  	(tag) =	ssettag $0x1  }
0x1: {  	s1 =	rddreg [dreg:$0x0]  }
0x2: {  	s0 =	rddreg [dreg:$0x1];
	s3 =	simm.s32 $0x0  }
0x3: {  	s2 =	srdreg.scid;
	s4 =	stileid.u32;
	s13 =	simm.s32 $0x28  }
0x4: {  	s14 =	simm.s32 $0x11400;
	s15 =	simm.s32 $0x17800;
	s16 =	simm.s32 $0x12800  }
0x5: {  	s17 =	simm.s32 $0x18C00;
	s18 =	simm.s32 $0x13C00;
	s19 =	simm.s32 $0x1A000  }
0x6: {  	s20 =	simm.s32 $0x15000;
	s28 =	simm.s32 $0x10000;
	s21 =	simm.s32 $0x1B400  }
0x7: {  	s29 =	simm.s32 $0x16400;
	s30 =	simm.s32 $0x8;
	s31 =	simm.s32 $0x9  }
0x8: {  	[smem:$0x7FF] =	sst s3;
	s2 =	sand.u32 $0x1, s2;
	s5 =	sshll.u32 s4, $0xD  }
0x9: {  	s7 =	smul.u32 $0x4E200, s4;
	s4 =	sadd.s32 $0x44E00, s0;
	s6 =	sshll.u32 s2, $0xC  }
0xa: {  	_ =	strace $0x80000047;
	s22 =	ssub.s32 $0x2, s2;
	s5 =	sor.u32 s6, s5  }
0xb: {  	s8 =	smul.u32 $0x27100, s2;
	[dreg:$0x3] =	wrdreg s28;
	s5 =	sadd.s32 s5, s0  }
0xc: {  	[dreg:$0x4] =	wrdreg s29;
	s23 =	sshrl.u32 s22, $0x1;
	s24 =	sadd.s32 $0x24E00, s5  }
0xd: {  	s6 =	ssub.s32 s22, s23;
	s5 =	sadd.s32 $0x4E00, s5;
	[dreg:$0x5] =	wrdreg s24  }
0xe: {  	s0 =	sadd.s32 s7, s0;
	s25 =	smax.u32 s6, $0x1;
	[dreg:$0x6] =	wrdreg s5  }
0xf: {  	s2 =	simm.s32 $0x0;
	s26 =	sadd.s32 $0x6C000, s0;
	[dreg:$0x7] =	wrdreg s25  }
0x10: {  	s22 =	simm.s32 $0x1;
	s0 =	sadd.s32 $0x54E000, s0;
	[dreg:$0x8] =	wrdreg s26  }
0x11: {  	s23 =	simm.s32 $0x2;
	[dreg:$0x9] =	wrdreg s0;
	s24 =	simm.s32 $0x3  }
0x12: {  	s25 =	simm.s32 $0x4;
	s26 =	simm.s32 $0x5;
	s0 =	simm.s32 $0xA  }
.LBB2_1:
0x13: {  	s5 =	rddreg [dreg:$0x5];
	s6 =	simm.s32 $0xB  }
0x14: {  	[tilespmem:s3], [sflag:$0xB] =	stream.linear.gather [hbm4b:s5+s3], $0x7D00, $0x38;
	[tilespmem:$0x1C800] =	vst v63  }
0x15: {  	_ =	swait.ge [sflag:s6], $0x7D00  }
0x16: {  	s7 =	simm.s32 $0x8000;
	[sflag:s6] =	ssyncset.done $0x0  }
0x17: {  	p0 =	por $0x1, $0x1;
	s29 =	rddreg [dreg:$0x6];
	[sflag:s6] =	ssyncadd.s32 $0xFFFF8300  }
0x18: {  	[tilespmem:s7], [sflag:$0xB] =	stream.linear.gather [hbm4b:s29+s3], $0x7D00, $0x38;
	[tilespmem:$0x1C800] =	vst v63  }
0x19: {  	p0 =	por p0, p0;
	_ =	swait.ge [sflag:s6], $0x7D00  }
0x1a: {  	s5 =	simm.s32 @p0 $0x28;
	[sflag:s6] =	ssyncset.done $0x0  }
0x1b: {  	s7 =	simm.s32 @p0 $0x10000;
	[sflag:s6] =	ssyncadd.s32 $0xFFFF8300;
	s6 =	simm.s32 @p0 $0x0  }
0x1c: {  	[tilespmem:s7], [sflag:$0x1] =	stream.indirect.gather @p0 [hbm4b:s1+s5], $0x80, s6, s5, $0xb8;
	[tilespmem:$0x1C800] =	vst v63  }
0x1d: {  	s9 =	simm.s32 @p0 $0x16400;
	s6 =	simm.s32 @!p0 $0x6;
	s7 =	simm.s32 @p0 $0x8000  }
0x1e: {  	[tilespmem:s9], [sflag:$0x1] =	stream.indirect.gather @p0 [hbm4b:s4+s5], $0x80, s7, s5, $0xb8;
	[tilespmem:$0x1C800] =	vst v63  }
0x1f: {  	_ =	swait.ge @!p0 [sflag:s6], $0x1400  }
0x20: {  	[sflag:s6] =	ssyncset.done @!p0 $0x0  }
0x21: {  	[sflag:s6] =	ssyncadd.s32 @!p0 $0xFFFFEC00  }
0x22: {  	_ =	swait.ge @!p0 [sflag:s6], $0x1400  }
0x23: {  	s5 =	simm.s32 @!p0 $0x10000;
	[sflag:s6] =	ssyncset.done @!p0 $0x0  }
0x24: {  	s7 =	simm.s32 @!p0 $0x28;
	[sflag:s6] =	ssyncadd.s32 @!p0 $0xFFFFEC00;
	s6 =	simm.s32 @!p0 $0x0  }
0x25: {  	[tilespmem:s5], [sflag:$0x1] =	stream.indirect.gather @!p0 [hbm4b:s1+s7], $0x80, s6, s7, $0xb8;
	[tilespmem:$0x1C800] =	vst v63  }
0x26: {  	s9 =	simm.s32 @!p0 $0x7;
	s5 =	simm.s32 @!p0 $0x8000;
	s6 =	simm.s32 @!p0 $0x16400  }
0x27: {  	[tilespmem:s6], [sflag:$0x1] =	stream.indirect.gather @!p0 [hbm4b:s4+s7], $0x80, s5, s7, $0xb8;
	[tilespmem:$0x1C800] =	vst v63  }
0x28: {  	_ =	swait.ge @!p0 [sflag:s9], $0x1400  }
0x29: {  	[sflag:s9] =	ssyncset.done @!p0 $0x0  }
0x2a: {  	[sflag:s9] =	ssyncadd.s32 @!p0 $0xFFFFEC00  }
0x2b: {  	_ =	swait.ge @!p0 [sflag:s9], $0x1400  }
0x2c: {  	[sflag:s9] =	ssyncset.done @!p0 $0x0  }
0x2d: {  	[sflag:s9] =	ssyncadd.s32 @!p0 $0xFFFFEC00;
	s9 =	simm.s32 $0x80  }
0x2e: {  	[tilespmem:s14], [sflag:$0x2] =	stream.indirect.gather [hbm4b:s1+s13], $0x80, s9, s13, $0xb8;
	[tilespmem:$0x1C800] =	vst v63  }
0x2f: {  	s10 =	simm.s32 $0x8080;
	s6 =	simm.s32 @!p0 $0x8  }
0x30: {  	[tilespmem:s15], [sflag:$0x2] =	stream.indirect.gather [hbm4b:s4+s13], $0x80, s10, s13, $0xb8;
	[tilespmem:$0x1C800] =	vst v63  }
0x31: {  	_ =	swait.ge @!p0 [sflag:s6], $0x1400  }
0x32: {  	[sflag:s6] =	ssyncset.done @!p0 $0x0  }
0x33: {  	[sflag:s6] =	ssyncadd.s32 @!p0 $0xFFFFEC00  }
0x34: {  	_ =	swait.ge @!p0 [sflag:s6], $0x1400  }
0x35: {  	[sflag:s6] =	ssyncset.done @!p0 $0x0  }
0x36: {  	s11 =	simm.s32 $0x100;
	[sflag:s6] =	ssyncadd.s32 @!p0 $0xFFFFEC00  }
0x37: {  	[tilespmem:s16], [sflag:$0x3] =	stream.indirect.gather [hbm4b:s1+s13], $0x80, s11, s13, $0xb8;
	[tilespmem:$0x1C800] =	vst v63  }
0x38: {  	s12 =	simm.s32 $0x8100;
	s6 =	simm.s32 @!p0 $0x9  }
0x39: {  	[tilespmem:s17], [sflag:$0x3] =	stream.indirect.gather [hbm4b:s4+s13], $0x80, s12, s13, $0xb8;
	[tilespmem:$0x1C800] =	vst v63  }
0x3a: {  	_ =	swait.ge @!p0 [sflag:s6], $0x1400  }
0x3b: {  	[sflag:s6] =	ssyncset.done @!p0 $0x0  }
0x3c: {  	[sflag:s6] =	ssyncadd.s32 @!p0 $0xFFFFEC00  }
0x3d: {  	_ =	swait.ge @!p0 [sflag:s6], $0x1400  }
0x3e: {  	[sflag:s6] =	ssyncset.done @!p0 $0x0  }
0x3f: {  	s28 =	simm.s32 $0x180;
	[sflag:s6] =	ssyncadd.s32 @!p0 $0xFFFFEC00  }
0x40: {  	[tilespmem:s18], [sflag:$0x4] =	stream.indirect.gather [hbm4b:s1+s13], $0x80, s28, s13, $0xb8;
	[tilespmem:$0x1C800] =	vst v63  }
0x41: {  	s29 =	simm.s32 $0x8180;
	s6 =	simm.s32 @!p0 $0xA  }
0x42: {  	[tilespmem:s19], [sflag:$0x4] =	stream.indirect.gather [hbm4b:s4+s13], $0x80, s29, s13, $0xb8;
	[tilespmem:$0x1C800] =	vst v63  }
0x43: {  	_ =	swait.ge @!p0 [sflag:s6], $0x1400  }
0x44: {  	[sflag:s6] =	ssyncset.done @!p0 $0x0  }
0x45: {  	[sflag:s6] =	ssyncadd.s32 @!p0 $0xFFFFEC00  }
0x46: {  	_ =	swait.ge @!p0 [sflag:s6], $0x1400  }
0x47: {  	[sflag:s6] =	ssyncset.done @!p0 $0x0  }
0x48: {  	s7 =	simm.s32 $0x200;
	[sflag:s6] =	ssyncadd.s32 @!p0 $0xFFFFEC00  }
0x49: {  	[tilespmem:s20], [sflag:$0x5] =	stream.indirect.gather [hbm4b:s1+s13], $0x80, s7, s13, $0xb8;
	[tilespmem:$0x1C800] =	vst v63  }
0x4a: {  	s9 =	simm.s32 $0x8200  }
0x4b: {  	[tilespmem:s21], [sflag:$0x5] =	stream.indirect.gather [hbm4b:s4+s13], $0x80, s9, s13, $0xb8;
	[tilespmem:$0x1C800] =	vst v63  }
0x4c: {  	_ =	swait.ge [sflag:s22], $0x1400  }
0x4d: {  	[sflag:s22] =	ssyncset.done $0x0  }
0x4e: {  	[sflag:s22] =	ssyncadd.s32 $0xFFFFEC00  }
0x4f: {  	_ =	swait.ge [sflag:s22], $0x1400  }
0x50: {  	s10 =	rddreg [dreg:$0x3]  }
0x51: {  	[sflag:s22] =	ssyncset.done $0x0;
	s11 =	rddreg [dreg:$0x8]  }
0x52: {  	s9 =	rddreg [dreg:$0x9];
	[sflag:s22] =	ssyncadd.s32 $0xFFFFEC00;
	s7 =	sadd.s32 s11, s8  }
0x53: {  	[hbm4b:s7+s3] =	stream.linear.scatter [tilespmem:s10], [sflag:$0x6], $0x1400, $0x38;
	[tilespmem:$0x1C800] =	vst v63  }
0x54: {  	s12 =	rddreg [dreg:$0x4];
	s5 =	sadd.s32 s9, s8  }
0x55: {  	[hbm4b:s5+s3] =	stream.linear.scatter [tilespmem:s12], [sflag:$0x6], $0x1400, $0x38;
	[tilespmem:$0x1C800] =	vst v63  }
0x56: {  	_ =	swait.ge [sflag:s23], $0x1400  }
0x57: {  	[sflag:s23] =	ssyncset.done $0x0  }
0x58: {  	[sflag:s23] =	ssyncadd.s32 $0xFFFFEC00  }
0x59: {  	_ =	swait.ge [sflag:s23], $0x1400  }
0x5a: {  	[sflag:s23] =	ssyncset.done $0x0  }
0x5b: {  	s28 =	sadd.s32 $0x280, s7;
	[sflag:s23] =	ssyncadd.s32 $0xFFFFEC00  }
0x5c: {  	[hbm4b:s28+s3] =	stream.linear.scatter [tilespmem:s14], [sflag:$0x7], $0x1400, $0x38;
	[tilespmem:$0x1C800] =	vst v63  }
0x5d: {  	s29 =	sadd.s32 $0x280, s5  }
0x5e: {  	[hbm4b:s29+s3] =	stream.linear.scatter [tilespmem:s15], [sflag:$0x7], $0x1400, $0x38;
	[tilespmem:$0x1C800] =	vst v63  }
0x5f: {  	_ =	swait.ge [sflag:s24], $0x1400  }
0x60: {  	[sflag:s24] =	ssyncset.done $0x0  }
0x61: {  	[sflag:s24] =	ssyncadd.s32 $0xFFFFEC00  }
0x62: {  	_ =	swait.ge [sflag:s24], $0x1400  }
0x63: {  	[sflag:s24] =	ssyncset.done $0x0  }
0x64: {  	s10 =	sadd.s32 $0x500, s7;
	[sflag:s24] =	ssyncadd.s32 $0xFFFFEC00  }
0x65: {  	[hbm4b:s10+s3] =	stream.linear.scatter [tilespmem:s16], [sflag:$0x8], $0x1400, $0x38;
	[tilespmem:$0x1C800] =	vst v63  }
0x66: {  	s12 =	sadd.s32 $0x500, s5  }
0x67: {  	[hbm4b:s12+s3] =	stream.linear.scatter [tilespmem:s17], [sflag:$0x8], $0x1400, $0x38;
	[tilespmem:$0x1C800] =	vst v63  }
0x68: {  	_ =	swait.ge [sflag:s25], $0x1400  }
0x69: {  	[sflag:s25] =	ssyncset.done $0x0  }
0x6a: {  	[sflag:s25] =	ssyncadd.s32 $0xFFFFEC00  }
0x6b: {  	_ =	swait.ge [sflag:s25], $0x1400  }
0x6c: {  	[sflag:s25] =	ssyncset.done $0x0  }
0x6d: {  	s28 =	sadd.s32 $0x780, s7;
	[sflag:s25] =	ssyncadd.s32 $0xFFFFEC00  }
0x6e: {  	[hbm4b:s28+s3] =	stream.linear.scatter [tilespmem:s18], [sflag:$0x9], $0x1400, $0x38;
	[tilespmem:$0x1C800] =	vst v63  }
0x6f: {  	s29 =	sadd.s32 $0x780, s5  }
0x70: {  	[hbm4b:s29+s3] =	stream.linear.scatter [tilespmem:s19], [sflag:$0x9], $0x1400, $0x38;
	[tilespmem:$0x1C800] =	vst v63  }
0x71: {  	_ =	swait.ge [sflag:s26], $0x1400  }
0x72: {  	[sflag:s26] =	ssyncset.done $0x0  }
0x73: {  	[sflag:s26] =	ssyncadd.s32 $0xFFFFEC00  }
0x74: {  	p6 =	por $0x0, $0x0;
	s6 =	simm.s32 $0xA00;
	_ =	swait.ge [sflag:s26], $0x1400  }
0x75: {  	p0 =	por p6, p6;
	s7 =	sadd.s32 $0xA00, s7;
	[sflag:s26] =	ssyncset.done $0x0  }
0x76: {  	s10 =	simm.s32 @!p0 $0x6;
	s12 =	sadd.s32 $0xC80, s9;
	[sflag:s26] =	ssyncadd.s32 $0xFFFFEC00  }
0x77: {  	[hbm4b:s7+s3] =	stream.linear.scatter [tilespmem:s20], [sflag:$0xA], $0x1400, $0x38;
	[tilespmem:$0x1C800] =	vst v63  }
0x78: {  	s9 =	sadd.s32 $0xA00, s5;
	s5 =	sadd.s32 $0xC80, s11;
	s7 =	simm.s32 $0x1400  }
.LBB2_2:
0x79: {  	[hbm4b:s9+s3] =	stream.linear.scatter [tilespmem:s21], [sflag:$0xA], $0x1400, $0x38;
	[tilespmem:$0x1C800] =	vst v63  }
0x7a: {  	s9 =	simm.s32 @p0 $0x28;
	s11 =	simm.s32 @p0 $0x0;
	s28 =	simm.s32 @p0 $0x10000  }
0x7b: {  	[tilespmem:s28], [sflag:$0x1] =	stream.indirect.gather @p0 [hbm4b:s1+s9], $0x80, s11, s9, $0xb8;
	[tilespmem:$0x1C800] =	vst v63  }
0x7c: {  	s11 =	simm.s32 @p0 $0x8000;
	s28 =	simm.s32 @p0 $0x16400  }
0x7d: {  	[tilespmem:s28], [sflag:$0x1] =	stream.indirect.gather @p0 [hbm4b:s4+s9], $0x80, s11, s9, $0xb8;
	[tilespmem:$0x1C800] =	vst v63  }
0x7e: {  	_ =	swait.ge @!p0 [sflag:s10], $0x1400  }
0x7f: {  	[sflag:s10] =	ssyncset.done @!p0 $0x0  }
0x80: {  	[sflag:s10] =	ssyncadd.s32 @!p0 $0xFFFFEC00  }
0x81: {  	_ =	swait.ge @!p0 [sflag:s10], $0x1400  }
0x82: {  	s9 =	simm.s32 @!p0 $0x10000;
	[sflag:s10] =	ssyncset.done @!p0 $0x0  }
0x83: {  	s28 =	simm.s32 @!p0 $0x28;
	[sflag:s10] =	ssyncadd.s32 @!p0 $0xFFFFEC00;
	s10 =	sshra.s32 @!p0 s6, $0x2  }
0x84: {  	[tilespmem:s9], [sflag:$0x1] =	stream.indirect.gather @!p0 [hbm4b:s1+s28], $0x80, s10, s28, $0xb8;
	[tilespmem:$0x1C800] =	vst v63  }
0x85: {  	s29 =	simm.s32 @!p0 $0x7;
	s9 =	sadd.s32 @!p0 $0x8000, s10;
	s10 =	simm.s32 @!p0 $0x16400  }
0x86: {  	[tilespmem:s10], [sflag:$0x1] =	stream.indirect.gather @!p0 [hbm4b:s4+s28], $0x80, s9, s28, $0xb8;
	[tilespmem:$0x1C800] =	vst v63  }
0x87: {  	_ =	swait.ge @!p0 [sflag:s29], $0x1400  }
0x88: {  	[sflag:s29] =	ssyncset.done @!p0 $0x0  }
0x89: {  	[sflag:s29] =	ssyncadd.s32 @!p0 $0xFFFFEC00  }
0x8a: {  	_ =	swait.ge @!p0 [sflag:s29], $0x1400  }
0x8b: {  	s9 =	sshra.s32 s6, $0x2;
	[sflag:s29] =	ssyncset.done @!p0 $0x0  }
0x8c: {  	s11 =	smov.u32 s7;
	s28 =	sadd.s32 $0x80, s9;
	[sflag:s29] =	ssyncadd.s32 @!p0 $0xFFFFEC00  }
0x8d: {  	[tilespmem:s14], [sflag:$0x2] =	stream.indirect.gather [hbm4b:s1+s13], $0x80, s28, s13, $0xb8;
	[tilespmem:$0x1C800] =	vst v63  }
0x8e: {  	s6 =	smov.u32 s11;
	s11 =	simm.s32 @!p0 $0x8;
	s29 =	sadd.s32 $0x8080, s9  }
0x8f: {  	[tilespmem:s15], [sflag:$0x2] =	stream.indirect.gather [hbm4b:s4+s13], $0x80, s29, s13, $0xb8;
	[tilespmem:$0x1C800] =	vst v63  }
0x90: {  	_ =	swait.ge @!p0 [sflag:s11], $0x1400  }
0x91: {  	[sflag:s11] =	ssyncset.done @!p0 $0x0  }
0x92: {  	[sflag:s11] =	ssyncadd.s32 @!p0 $0xFFFFEC00  }
0x93: {  	_ =	swait.ge @!p0 [sflag:s11], $0x1400  }
0x94: {  	[sflag:s11] =	ssyncset.done @!p0 $0x0  }
0x95: {  	s28 =	sadd.s32 $0x100, s9;
	[sflag:s11] =	ssyncadd.s32 @!p0 $0xFFFFEC00  }
0x96: {  	[tilespmem:s16], [sflag:$0x3] =	stream.indirect.gather [hbm4b:s1+s13], $0x80, s28, s13, $0xb8;
	[tilespmem:$0x1C800] =	vst v63  }
0x97: {  	s29 =	sadd.s32 $0x8100, s9;
	s11 =	simm.s32 @!p0 $0x9  }
0x98: {  	[tilespmem:s17], [sflag:$0x3] =	stream.indirect.gather [hbm4b:s4+s13], $0x80, s29, s13, $0xb8;
	[tilespmem:$0x1C800] =	vst v63  }
0x99: {  	_ =	swait.ge @!p0 [sflag:s11], $0x1400  }
0x9a: {  	[sflag:s11] =	ssyncset.done @!p0 $0x0  }
0x9b: {  	[sflag:s11] =	ssyncadd.s32 @!p0 $0xFFFFEC00  }
0x9c: {  	_ =	swait.ge @!p0 [sflag:s11], $0x1400  }
0x9d: {  	[sflag:s11] =	ssyncset.done @!p0 $0x0  }
0x9e: {  	s28 =	sadd.s32 $0x180, s9;
	[sflag:s11] =	ssyncadd.s32 @!p0 $0xFFFFEC00  }
0x9f: {  	[tilespmem:s18], [sflag:$0x4] =	stream.indirect.gather [hbm4b:s1+s13], $0x80, s28, s13, $0xb8;
	[tilespmem:$0x1C800] =	vst v63  }
0xa0: {  	s29 =	sadd.s32 $0x8180, s9;
	s11 =	simm.s32 @!p0 $0xA  }
0xa1: {  	[tilespmem:s19], [sflag:$0x4] =	stream.indirect.gather [hbm4b:s4+s13], $0x80, s29, s13, $0xb8;
	[tilespmem:$0x1C800] =	vst v63  }
0xa2: {  	_ =	swait.ge @!p0 [sflag:s11], $0x1400  }
0xa3: {  	[sflag:s11] =	ssyncset.done @!p0 $0x0  }
0xa4: {  	[sflag:s11] =	ssyncadd.s32 @!p0 $0xFFFFEC00  }
0xa5: {  	_ =	swait.ge @!p0 [sflag:s11], $0x1400  }
0xa6: {  	[sflag:s11] =	ssyncset.done @!p0 $0x0  }
0xa7: {  	[sflag:s11] =	ssyncadd.s32 @!p0 $0xFFFFEC00;
	s11 =	sadd.s32 $0x200, s9  }
0xa8: {  	[tilespmem:s20], [sflag:$0x5] =	stream.indirect.gather [hbm4b:s1+s13], $0x80, s11, s13, $0xb8;
	[tilespmem:$0x1C800] =	vst v63  }
0xa9: {  	s9 =	sadd.s32 $0x8200, s9  }
0xaa: {  	[tilespmem:s21], [sflag:$0x5] =	stream.indirect.gather [hbm4b:s4+s13], $0x80, s9, s13, $0xb8;
	[tilespmem:$0x1C800] =	vst v63  }
0xab: {  	_ =	swait.ge [sflag:s22], $0x1400  }
0xac: {  	[sflag:s22] =	ssyncset.done $0x0  }
0xad: {  	[sflag:s22] =	ssyncadd.s32 $0xFFFFEC00  }
0xae: {  	_ =	swait.ge [sflag:s22], $0x1400  }
0xaf: {  	[sflag:s22] =	ssyncset.done $0x0  }
0xb0: {  	s10 =	sadd.s32 s5, s8;
	s28 =	rddreg [dreg:$0x3];
	[sflag:s22] =	ssyncadd.s32 $0xFFFFEC00  }
0xb1: {  	[hbm4b:s10+s3] =	stream.linear.scatter [tilespmem:s28], [sflag:$0x6], $0x1400, $0x38;
	[tilespmem:$0x1C800] =	vst v63  }
0xb2: {  	s9 =	sadd.s32 s12, s8;
	s29 =	rddreg [dreg:$0x4]  }
0xb3: {  	[hbm4b:s9+s3] =	stream.linear.scatter [tilespmem:s29], [sflag:$0x6], $0x1400, $0x38;
	[tilespmem:$0x1C800] =	vst v63  }
0xb4: {  	_ =	swait.ge [sflag:s23], $0x1400  }
0xb5: {  	[sflag:s23] =	ssyncset.done $0x0  }
0xb6: {  	[sflag:s23] =	ssyncadd.s32 $0xFFFFEC00  }
0xb7: {  	_ =	swait.ge [sflag:s23], $0x1400  }
0xb8: {  	[sflag:s23] =	ssyncset.done $0x0  }
0xb9: {  	s28 =	sadd.s32 $0x280, s10;
	[sflag:s23] =	ssyncadd.s32 $0xFFFFEC00  }
0xba: {  	[hbm4b:s28+s3] =	stream.linear.scatter [tilespmem:s14], [sflag:$0x7], $0x1400, $0x38;
	[tilespmem:$0x1C800] =	vst v63  }
0xbb: {  	s29 =	sadd.s32 $0x280, s9  }
0xbc: {  	[hbm4b:s29+s3] =	stream.linear.scatter [tilespmem:s15], [sflag:$0x7], $0x1400, $0x38;
	[tilespmem:$0x1C800] =	vst v63  }
0xbd: {  	_ =	swait.ge [sflag:s24], $0x1400  }
0xbe: {  	[sflag:s24] =	ssyncset.done $0x0  }
0xbf: {  	[sflag:s24] =	ssyncadd.s32 $0xFFFFEC00  }
0xc0: {  	_ =	swait.ge [sflag:s24], $0x1400  }
0xc1: {  	[sflag:s24] =	ssyncset.done $0x0  }
0xc2: {  	s28 =	sadd.s32 $0x500, s10;
	[sflag:s24] =	ssyncadd.s32 $0xFFFFEC00  }
0xc3: {  	[hbm4b:s28+s3] =	stream.linear.scatter [tilespmem:s16], [sflag:$0x8], $0x1400, $0x38;
	[tilespmem:$0x1C800] =	vst v63  }
0xc4: {  	s29 =	sadd.s32 $0x500, s9  }
0xc5: {  	[hbm4b:s29+s3] =	stream.linear.scatter [tilespmem:s17], [sflag:$0x8], $0x1400, $0x38;
	[tilespmem:$0x1C800] =	vst v63  }
0xc6: {  	_ =	swait.ge [sflag:s25], $0x1400  }
0xc7: {  	[sflag:s25] =	ssyncset.done $0x0  }
0xc8: {  	[sflag:s25] =	ssyncadd.s32 $0xFFFFEC00  }
0xc9: {  	_ =	swait.ge [sflag:s25], $0x1400  }
0xca: {  	[sflag:s25] =	ssyncset.done $0x0  }
0xcb: {  	s28 =	sadd.s32 $0x780, s10;
	[sflag:s25] =	ssyncadd.s32 $0xFFFFEC00  }
0xcc: {  	[hbm4b:s28+s3] =	stream.linear.scatter [tilespmem:s18], [sflag:$0x9], $0x1400, $0x38;
	[tilespmem:$0x1C800] =	vst v63  }
0xcd: {  	s29 =	sadd.s32 $0x780, s9  }
0xce: {  	[hbm4b:s29+s3] =	stream.linear.scatter [tilespmem:s19], [sflag:$0x9], $0x1400, $0x38;
	[tilespmem:$0x1C800] =	vst v63  }
0xcf: {  	_ =	swait.ge [sflag:s26], $0x1400  }
0xd0: {  	p2 =	seq.s32 s7, $0x0;
	s7 =	sadd.s32 $0xA00, s7;
	[sflag:s26] =	ssyncset.done $0x0  }
0xd1: {  	p1 =	sne.s32 s7, $0x1F400;
	[sflag:s26] =	ssyncadd.s32 $0xFFFFEC00  }
.Ltmp0:
0xd2: {  	_ =	swait.ge [sflag:s26], $0x1400;
	(pc) =	sbr.rel @p1 .LBB2_2-.Ltmp0, $4  }
0xd3: {  	s5 =	sadd.s32 $0xC80, s5;
	[sflag:s26] =	ssyncset.done $0x0  }
0xd4: {  	p0 =	por p2, p2;
	s10 =	sadd.s32 $0xA00, s10;
	[sflag:s26] =	ssyncadd.s32 $0xFFFFEC00  }
0xd5: {  	[hbm4b:s10+s3] =	stream.linear.scatter [tilespmem:s20], [sflag:$0xA], $0x1400, $0x38;
	[tilespmem:$0x1C800] =	vst v63  }
0xd6: {  	s12 =	sadd.s32 $0xC80, s12;
	s9 =	sadd.s32 $0xA00, s9;
	s10 =	simm.s32 @!p0 $0x6  }
0xd7: {  	[hbm4b:s9+s3] =	stream.linear.scatter [tilespmem:s21], [sflag:$0xA], $0x1400, $0x38;
	[tilespmem:$0x1C800] =	vst v63  }
0xd8: {  	s7 =	simm.s32 @p0 $0x28;
	s9 =	simm.s32 @p0 $0x0;
	s11 =	simm.s32 @p0 $0x10000  }
0xd9: {  	[tilespmem:s11], [sflag:$0x1] =	stream.indirect.gather @p0 [hbm4b:s1+s7], $0x80, s9, s7, $0xb8;
	[tilespmem:$0x1C800] =	vst v63  }
0xda: {  	s9 =	simm.s32 @p0 $0x8000;
	s11 =	simm.s32 @p0 $0x16400  }
0xdb: {  	[tilespmem:s11], [sflag:$0x1] =	stream.indirect.gather @p0 [hbm4b:s4+s7], $0x80, s9, s7, $0xb8;
	[tilespmem:$0x1C800] =	vst v63  }
0xdc: {  	_ =	swait.ge @!p0 [sflag:s10], $0x1400  }
0xdd: {  	[sflag:s10] =	ssyncset.done @!p0 $0x0  }
0xde: {  	[sflag:s10] =	ssyncadd.s32 @!p0 $0xFFFFEC00  }
0xdf: {  	_ =	swait.ge @!p0 [sflag:s10], $0x1400  }
0xe0: {  	s7 =	simm.s32 @!p0 $0x10000;
	[sflag:s10] =	ssyncset.done @!p0 $0x0  }
0xe1: {  	s9 =	sshra.s32 @!p0 s6, $0x2;
	[sflag:s10] =	ssyncadd.s32 @!p0 $0xFFFFEC00;
	s10 =	simm.s32 @!p0 $0x28  }
0xe2: {  	[tilespmem:s7], [sflag:$0x1] =	stream.indirect.gather @!p0 [hbm4b:s1+s10], $0x80, s9, s10, $0xb8;
	[tilespmem:$0x1C800] =	vst v63  }
0xe3: {  	s7 =	sadd.s32 @!p0 $0x8000, s9;
	s9 =	simm.s32 @!p0 $0x16400  }
0xe4: {  	[tilespmem:s9], [sflag:$0x1] =	stream.indirect.gather @!p0 [hbm4b:s4+s10], $0x80, s7, s10, $0xb8;
	[tilespmem:$0x1C800] =	vst v63  }
0xe5: {  	s7 =	simm.s32 @!p0 $0x7  }
0xe6: {  	_ =	swait.ge @!p0 [sflag:s7], $0x1400  }
0xe7: {  	[sflag:s7] =	ssyncset.done @!p0 $0x0  }
0xe8: {  	[sflag:s7] =	ssyncadd.s32 @!p0 $0xFFFFEC00  }
0xe9: {  	_ =	swait.ge @!p0 [sflag:s7], $0x1400  }
0xea: {  	s6 =	sshra.s32 s6, $0x2;
	[sflag:s7] =	ssyncset.done @!p0 $0x0  }
0xeb: {  	s28 =	sadd.s32 $0x80, s6;
	[sflag:s7] =	ssyncadd.s32 @!p0 $0xFFFFEC00  }
0xec: {  	[tilespmem:s14], [sflag:$0x2] =	stream.indirect.gather [hbm4b:s1+s13], $0x80, s28, s13, $0xb8;
	[tilespmem:$0x1C800] =	vst v63  }
0xed: {  	s29 =	sadd.s32 $0x8080, s6;
	s7 =	simm.s32 @!p0 $0x8  }
0xee: {  	[tilespmem:s15], [sflag:$0x2] =	stream.indirect.gather [hbm4b:s4+s13], $0x80, s29, s13, $0xb8;
	[tilespmem:$0x1C800] =	vst v63  }
0xef: {  	_ =	swait.ge @!p0 [sflag:s7], $0x1400  }
0xf0: {  	[sflag:s7] =	ssyncset.done @!p0 $0x0  }
0xf1: {  	[sflag:s7] =	ssyncadd.s32 @!p0 $0xFFFFEC00  }
0xf2: {  	_ =	swait.ge @!p0 [sflag:s7], $0x1400  }
0xf3: {  	[sflag:s7] =	ssyncset.done @!p0 $0x0  }
0xf4: {  	s9 =	sadd.s32 $0x100, s6;
	[sflag:s7] =	ssyncadd.s32 @!p0 $0xFFFFEC00  }
0xf5: {  	[tilespmem:s16], [sflag:$0x3] =	stream.indirect.gather [hbm4b:s1+s13], $0x80, s9, s13, $0xb8;
	[tilespmem:$0x1C800] =	vst v63  }
0xf6: {  	s10 =	sadd.s32 $0x8100, s6;
	s7 =	simm.s32 @!p0 $0x9  }
0xf7: {  	[tilespmem:s17], [sflag:$0x3] =	stream.indirect.gather [hbm4b:s4+s13], $0x80, s10, s13, $0xb8;
	[tilespmem:$0x1C800] =	vst v63  }
0xf8: {  	_ =	swait.ge @!p0 [sflag:s7], $0x1400  }
0xf9: {  	[sflag:s7] =	ssyncset.done @!p0 $0x0  }
0xfa: {  	[sflag:s7] =	ssyncadd.s32 @!p0 $0xFFFFEC00  }
0xfb: {  	_ =	swait.ge @!p0 [sflag:s7], $0x1400  }
0xfc: {  	[sflag:s7] =	ssyncset.done @!p0 $0x0  }
0xfd: {  	s11 =	sadd.s32 $0x180, s6;
	[sflag:s7] =	ssyncadd.s32 @!p0 $0xFFFFEC00  }
0xfe: {  	[tilespmem:s18], [sflag:$0x4] =	stream.indirect.gather [hbm4b:s1+s13], $0x80, s11, s13, $0xb8;
	[tilespmem:$0x1C800] =	vst v63  }
0xff: {  	s28 =	sadd.s32 $0x8180, s6;
	s7 =	simm.s32 @!p0 $0xA  }
0x100: {  	[tilespmem:s19], [sflag:$0x4] =	stream.indirect.gather [hbm4b:s4+s13], $0x80, s28, s13, $0xb8;
	[tilespmem:$0x1C800] =	vst v63  }
0x101: {  	_ =	swait.ge @!p0 [sflag:s7], $0x1400  }
0x102: {  	[sflag:s7] =	ssyncset.done @!p0 $0x0  }
0x103: {  	[sflag:s7] =	ssyncadd.s32 @!p0 $0xFFFFEC00  }
0x104: {  	_ =	swait.ge @!p0 [sflag:s7], $0x1400  }
0x105: {  	[sflag:s7] =	ssyncset.done @!p0 $0x0  }
0x106: {  	s29 =	sadd.s32 $0x200, s6;
	[sflag:s7] =	ssyncadd.s32 @!p0 $0xFFFFEC00  }
0x107: {  	[tilespmem:s20], [sflag:$0x5] =	stream.indirect.gather [hbm4b:s1+s13], $0x80, s29, s13, $0xb8;
	[tilespmem:$0x1C800] =	vst v63  }
0x108: {  	s6 =	sadd.s32 $0x8200, s6  }
0x109: {  	[tilespmem:s21], [sflag:$0x5] =	stream.indirect.gather [hbm4b:s4+s13], $0x80, s6, s13, $0xb8;
	[tilespmem:$0x1C800] =	vst v63  }
0x10a: {  	_ =	swait.ge [sflag:s22], $0x1400  }
0x10b: {  	[sflag:s22] =	ssyncset.done $0x0  }
0x10c: {  	[sflag:s22] =	ssyncadd.s32 $0xFFFFEC00  }
0x10d: {  	_ =	swait.ge [sflag:s22], $0x1400  }
0x10e: {  	[sflag:s22] =	ssyncset.done $0x0  }
0x10f: {  	s5 =	sadd.s32 s5, s8;
	s9 =	rddreg [dreg:$0x3];
	[sflag:s22] =	ssyncadd.s32 $0xFFFFEC00  }
0x110: {  	[hbm4b:s5+s3] =	stream.linear.scatter [tilespmem:s9], [sflag:$0x6], $0x1400, $0x38;
	[tilespmem:$0x1C800] =	vst v63  }
0x111: {  	s6 =	sadd.s32 s12, s8;
	s10 =	rddreg [dreg:$0x4]  }
0x112: {  	[hbm4b:s6+s3] =	stream.linear.scatter [tilespmem:s10], [sflag:$0x6], $0x1400, $0x38;
	[tilespmem:$0x1C800] =	vst v63  }
0x113: {  	_ =	swait.ge [sflag:s23], $0x1400  }
0x114: {  	[sflag:s23] =	ssyncset.done $0x0  }
0x115: {  	[sflag:s23] =	ssyncadd.s32 $0xFFFFEC00  }
0x116: {  	_ =	swait.ge [sflag:s23], $0x1400  }
0x117: {  	[sflag:s23] =	ssyncset.done $0x0  }
0x118: {  	s11 =	sadd.s32 $0x280, s5;
	[sflag:s23] =	ssyncadd.s32 $0xFFFFEC00  }
0x119: {  	[hbm4b:s11+s3] =	stream.linear.scatter [tilespmem:s14], [sflag:$0x7], $0x1400, $0x38;
	[tilespmem:$0x1C800] =	vst v63  }
0x11a: {  	s12 =	sadd.s32 $0x280, s6  }
0x11b: {  	[hbm4b:s12+s3] =	stream.linear.scatter [tilespmem:s15], [sflag:$0x7], $0x1400, $0x38;
	[tilespmem:$0x1C800] =	vst v63  }
0x11c: {  	_ =	swait.ge [sflag:s24], $0x1400  }
0x11d: {  	[sflag:s24] =	ssyncset.done $0x0  }
0x11e: {  	[sflag:s24] =	ssyncadd.s32 $0xFFFFEC00  }
0x11f: {  	_ =	swait.ge [sflag:s24], $0x1400  }
0x120: {  	[sflag:s24] =	ssyncset.done $0x0  }
0x121: {  	s28 =	sadd.s32 $0x500, s5;
	[sflag:s24] =	ssyncadd.s32 $0xFFFFEC00  }
0x122: {  	[hbm4b:s28+s3] =	stream.linear.scatter [tilespmem:s16], [sflag:$0x8], $0x1400, $0x38;
	[tilespmem:$0x1C800] =	vst v63  }
0x123: {  	s29 =	sadd.s32 $0x500, s6  }
0x124: {  	[hbm4b:s29+s3] =	stream.linear.scatter [tilespmem:s17], [sflag:$0x8], $0x1400, $0x38;
	[tilespmem:$0x1C800] =	vst v63  }
0x125: {  	_ =	swait.ge [sflag:s25], $0x1400  }
0x126: {  	[sflag:s25] =	ssyncset.done $0x0  }
0x127: {  	[sflag:s25] =	ssyncadd.s32 $0xFFFFEC00  }
0x128: {  	_ =	swait.ge [sflag:s25], $0x1400  }
0x129: {  	[sflag:s25] =	ssyncset.done $0x0  }
0x12a: {  	s9 =	sadd.s32 $0x780, s5;
	[sflag:s25] =	ssyncadd.s32 $0xFFFFEC00  }
0x12b: {  	[hbm4b:s9+s3] =	stream.linear.scatter [tilespmem:s18], [sflag:$0x9], $0x1400, $0x38;
	[tilespmem:$0x1C800] =	vst v63  }
0x12c: {  	s10 =	sadd.s32 $0x780, s6  }
0x12d: {  	[hbm4b:s10+s3] =	stream.linear.scatter [tilespmem:s19], [sflag:$0x9], $0x1400, $0x38;
	[tilespmem:$0x1C800] =	vst v63  }
0x12e: {  	_ =	swait.ge [sflag:s26], $0x1400  }
0x12f: {  	[sflag:s26] =	ssyncset.done $0x0  }
0x130: {  	[sflag:s26] =	ssyncadd.s32 $0xFFFFEC00  }
0x131: {  	_ =	swait.ge [sflag:s26], $0x1400  }
0x132: {  	[sflag:s26] =	ssyncset.done $0x0  }
0x133: {  	s5 =	sadd.s32 $0xA00, s5;
	[sflag:s26] =	ssyncadd.s32 $0xFFFFEC00  }
0x134: {  	[hbm4b:s5+s3] =	stream.linear.scatter [tilespmem:s20], [sflag:$0xA], $0x1400, $0x38;
	[tilespmem:$0x1C800] =	vst v63  }
0x135: {  	s11 =	sadd.s32 $0xA00, s6;
	s12 =	simm.s32 $0x6  }
0x136: {  	[hbm4b:s11+s3] =	stream.linear.scatter [tilespmem:s21], [sflag:$0xA], $0x1400, $0x38;
	[tilespmem:$0x1C800] =	vst v63  }
0x137: {  	_ =	swait.ge [sflag:s12], $0x1400  }
0x138: {  	[sflag:s12] =	ssyncset.done $0x0  }
0x139: {  	[sflag:s12] =	ssyncadd.s32 $0xFFFFEC00  }
0x13a: {  	_ =	swait.ge [sflag:s12], $0x1400  }
0x13b: {  	[sflag:s12] =	ssyncset.done $0x0  }
0x13c: {  	s28 =	simm.s32 $0x7;
	[sflag:s12] =	ssyncadd.s32 $0xFFFFEC00  }
0x13d: {  	_ =	swait.ge [sflag:s28], $0x1400  }
0x13e: {  	[sflag:s28] =	ssyncset.done $0x0  }
0x13f: {  	[sflag:s28] =	ssyncadd.s32 $0xFFFFEC00  }
0x140: {  	_ =	swait.ge [sflag:s28], $0x1400  }
0x141: {  	[sflag:s28] =	ssyncset.done $0x0  }
0x142: {  	[sflag:s28] =	ssyncadd.s32 $0xFFFFEC00  }
0x143: {  	_ =	swait.ge [sflag:s30], $0x1400  }
0x144: {  	[sflag:s30] =	ssyncset.done $0x0  }
0x145: {  	[sflag:s30] =	ssyncadd.s32 $0xFFFFEC00  }
0x146: {  	_ =	swait.ge [sflag:s30], $0x1400  }
0x147: {  	[sflag:s30] =	ssyncset.done $0x0  }
0x148: {  	[sflag:s30] =	ssyncadd.s32 $0xFFFFEC00  }
0x149: {  	_ =	swait.ge [sflag:s31], $0x1400  }
0x14a: {  	[sflag:s31] =	ssyncset.done $0x0  }
0x14b: {  	[sflag:s31] =	ssyncadd.s32 $0xFFFFEC00  }
0x14c: {  	_ =	swait.ge [sflag:s31], $0x1400  }
0x14d: {  	[sflag:s31] =	ssyncset.done $0x0  }
0x14e: {  	[sflag:s31] =	ssyncadd.s32 $0xFFFFEC00  }
0x14f: {  	_ =	swait.ge [sflag:s0], $0x1400  }
0x150: {  	[sflag:s0] =	ssyncset.done $0x0  }
0x151: {  	[sflag:s0] =	ssyncadd.s32 $0xFFFFEC00  }
0x152: {  	_ =	swait.ge [sflag:s0], $0x1400  }
0x153: {  	s2 =	sadd.s32 $0x1, s2;
	s29 =	rddreg [dreg:$0x7]  }
0x154: {  	p0 =	sne.s32 s2, s29  }
.Ltmp1:
0x155: {  	_ = 	snop;
	(pc) =	sbr.rel @p0 .LBB2_1-.Ltmp1, $3  }
0x156: {  	_ =	sdelay $0x1  }
0x157: {  	[sflag:s0] =	ssyncset.done $0x0  }
0x158: {  	[sflag:s0] =	ssyncadd.s32 $0xFFFFEC00  }
0x159: {  	_ =	sfence.sel $0x180000  }
0x15a: {  	[bflag:$0x0] =	sbarrier.arrive $0xFFFF  }
0x15b: {  	_ =	strace $0x90000047  }
0x15c: {  	s0 =	stileid.u32;
	[bflag:$0x2] =	sbarrier.arrive $0xFFFF  }
0x15d: {  	p0 =	sne.s32 s0, $0x0;
	s0 =	rddreg [dreg:$0x2]  }
0x15e: {  	s0 =	sadd.s32 @!p0 $0x100000, s0  }
0x15f: {  	[sflag:s0] =	ssyncadd.tile.s32 @!p0 $0x1;
	_ =	shalt  }
.Lfunc_end2:
_tile_overlayer_lowered:
.L_overlay_start_2:
0x160: {  	(tag) =	ssettag $0x2  }
0x161: {  	s0 =	rddreg [dreg:$0x0];
	s2 =	stileid.u32  }
0x162: {  	s1 =	rddreg [dreg:$0x1];
	p0 =	sne.s32 s2, $0x0  }
0x163: {  	s3 =	rddreg [dreg:$0x2];
	[bflag:$0x3] =	sbarrier.arrive $0xFFFF;
	s2 =	simm.s32 @!p0 $0x1C0B  }
0x164: {  	[timem:s3], [sflag:s2] =	dma.local @!p0 [hbm:s0], s1  }
0x165: {  	s0 =	simm.s32 @!p0 $0xB  }
0x166: {  	_ =	swait.ge @!p0 [sflag:s0], s1  }
0x167: {  	s1 =	ssub.s32 @!p0 $0x0, s1;
	[sflag:s0] =	ssyncset.done @!p0 $0x0  }
0x168: {  	[sflag:s0] =	ssyncadd.s32 @!p0 s1  }
0x169: {  	[bflag:$0x3] =	sbarrier.arrive $0xFFFF  }
0x16a: {  	_ =	shalt  }

// kernel: kernel.13.cloned.1.call-start
scs
__scs_entry_jumppad:
0x0: {  	(pc) =	sbr.rel $0x88, $3  }
0x1: {  	(tag) =	ssettag $0x0;
	lr =	simm.s32 $0x1  }
0x2: {  	[smem:$0x3F91] =	sst lr;
	_ =	strace $0xD0000000  }
0x3: {  	_ = 	snop  }
0x4: {  	_ = 	snop  }
0x5: {  	_ = 	snop  }
0x6: {  	_ = 	snop  }
0x7: {  	_ = 	snop  }
__scs_overlays_trampoline_lowered:
0x8: {  	[smem:$0x3FA0] =	sst s0  }
0x9: {  	[smem:$0x3FA1] =	sst s1  }
0xa: {  	[smem:$0x3FA2] =	sst s2  }
0xb: {  	[smem:$0x3FA3] =	sst s3  }
0xc: {  	[smem:$0x3FA4] =	sst s4  }
0xd: {  	[smem:$0x3FA5] =	sst s5  }
0xe: {  	[smem:$0x3FA6] =	sst s6  }
0xf: {  	[smem:$0x3FA7] =	sst s7  }
0x10: {  	[smem:$0x3FA8] =	sst s8  }
0x11: {  	[smem:$0x3FA9] =	sst s9;
	s0 =	simm.s32 @!p0 $0x0  }
0x12: {  	s1 =	sld [smem:$0x3F8F];
	s0 =	simm.s32 @p0 $0x1  }
0x13: {  	[smem:$0x3FAA] =	sst s0;
	s0 =	simm.s32 @!p1 $0x0  }
0x14: {  	s2 =	sld [smem:$0x3F8E];
	s0 =	simm.s32 @p1 $0x1  }
0x15: {  	[smem:$0x3FAB] =	sst s0;
	s0 =	simm.s32 @!p2 $0x0  }
0x16: {  	s3 =	sld [smem:$0x3FDB];
	s0 =	simm.s32 @p2 $0x1  }
0x17: {  	s4 =	simm.s32 $0x1BF5;
	[smem:$0x3FAD] =	sst s0  }
0x18: {  	s0 =	sld [smem:$0x3F90];
	_ =	swait.ge [sflag:s4], $0x0  }
0x19: {  	s7 =	sld [smem:$0x3F91]  }
0x1a: {  	s8 =	sadd.s32 $0xFFFFE003, lr  }
0x1b: {  	s9 =	sadd.s32 $0xFFFFFEF7, lr;
	s5 =	simm.s32 $0xFFFFFFFF;
	p2 =	slt.u32 s8, $0xFFFFF086  }
0x1c: {  	p1 =	slt.u32 s9, $0xF7A;
	s5 =	simm.s32 @!p2 $0x0  }
0x1d: {  	s5 =	simm.s32 @p1 $0x1;
	p0 =	seq.s32 s7, s2  }
0x1e: {  	s7 =	smul.u32 @!p0 $0xF7A, s2;
	p2 =	seq.s32 @!p0 s5, $0x0  }
0x1f: {  	s9 =	smul.u32 $0xF7A, s1;
	s8 =	simm.s32 @!p0 $0x1BF5;
	p2 =	por !p2, p0  }
0x20: {  	[sflag:s8] =	ssyncset.s32 @!p0 $0xFFFFF086;
	s6 =	sadd.s32 @!p0 s3, s7;
	s7 =	simm.s32 @!p0 $0x108  }
0x21: {  	s3 =	sadd.s32 s3, s9;
	s6 =	sadd.s32 @!p0 $0x88, s6;
	s7 =	simm.s32 @p2 $0x1082  }
0x22: {  	[simem:s7], [sflag:s8] =	dma.local @!p0 [hbm:s6], $0xF7A  }
0x23: {  	s9 =	sor.u32 $0xD0000000, s2;
	s6 =	simm.s32 $0x108;
	_ =	swait.ge @!p0 [sflag:s8], $0x0  }
0x24: {  	s3 =	sadd.s32 $0x88, s3;
	s6 =	simm.s32 @!p1 $0x1082;
	[sflag:s4] =	ssyncset.s32 $0xFFFFF086  }
0x25: {  	[simem:s6], [sflag:s4] =	dma.local [hbm:s3], $0xF7A  }
0x26: {  	[smem:$0x3F91] =	sst s1;
	(tag) =	ssettag s2;
	_ =	strace s9  }
0x27: {  	s1 =	sld [smem:$0x3FA1]  }
0x28: {  	s2 =	sld [smem:$0x3FA2]  }
0x29: {  	s4 =	sld [smem:$0x3FA4]  }
0x2a: {  	p0 =	seq.s32 s5, $0x0;
	s5 =	sld [smem:$0x3FA5]  }
0x2b: {  	s6 =	sld [smem:$0x3FA6]  }
0x2c: {  	s7 =	sld [smem:$0x3FA7]  }
0x2d: {  	s3 =	simm.s32 $0x108;
	s8 =	sld [smem:$0x3FA8]  }
0x2e: {  	s3 =	simm.s32 @!p0 $0x1082;
	s9 =	sld [smem:$0x3FA9]  }
0x2f: {  	lr =	sadd.s32 s0, s3;
	s0 =	sld [smem:$0x3FA0]  }
0x30: {  	s3 =	sld [smem:$0x3FA3]  }
0x31: {  	[smem:$0x3FAC] =	sst s10  }
0x32: {  	s10 =	sld [smem:$0x3FAA];
	_ =	sdelay $0x3  }
0x33: {  	p0 =	seq.s32 s10, $0x1;
	s10 =	sld [smem:$0x3FAC];
	_ =	sdelay $0x3  }
0x34: {  	[smem:$0x3FAC] =	sst s10  }
0x35: {  	s10 =	sld [smem:$0x3FAB];
	_ =	sdelay $0x3  }
0x36: {  	p1 =	seq.s32 s10, $0x1;
	s10 =	sld [smem:$0x3FAC];
	_ =	sdelay $0x3  }
0x37: {  	[smem:$0x3FAC] =	sst s10  }
0x38: {  	s10 =	sld [smem:$0x3FAD]  }
0x39: {  	_ = 	snop;
	(pc) =	sbr.ind lr, $3  }
0x3a: {  	_ = 	snop  }
0x3b: {  	_ = 	snop  }
0x3c: {  	p2 =	seq.s32 s10, $0x1;
	s10 =	sld [smem:$0x3FAC]  }
0x3d: {  	_ =	shalt  }
0x3e: {  	_ =	shalt  }
0x3f: {  	_ =	shalt  }
0x40: {  	_ =	shalt  }
0x41: {  	_ =	shalt  }
0x42: {  	_ =	shalt  }
0x43: {  	_ =	shalt  }
0x44: {  	_ =	shalt  }
0x45: {  	_ =	shalt  }
0x46: {  	_ =	shalt  }
0x47: {  	_ =	shalt  }
0x48: {  	_ =	shalt  }
0x49: {  	_ =	shalt  }
0x4a: {  	_ =	shalt  }
0x4b: {  	_ =	shalt  }
0x4c: {  	_ =	shalt  }
0x4d: {  	_ =	shalt  }
0x4e: {  	_ =	shalt  }
0x4f: {  	_ =	shalt  }
0x50: {  	_ =	shalt  }
0x51: {  	_ =	shalt  }
0x52: {  	_ =	shalt  }
0x53: {  	_ =	shalt  }
0x54: {  	_ =	shalt  }
0x55: {  	_ =	shalt  }
0x56: {  	_ =	shalt  }
0x57: {  	_ =	shalt  }
0x58: {  	_ =	shalt  }
0x59: {  	_ =	shalt  }
0x5a: {  	_ =	shalt  }
0x5b: {  	_ =	shalt  }
0x5c: {  	_ =	shalt  }
0x5d: {  	_ =	shalt  }
0x5e: {  	_ =	shalt  }
0x5f: {  	_ =	shalt  }
0x60: {  	_ =	shalt  }
0x61: {  	_ =	shalt  }
0x62: {  	_ =	shalt  }
0x63: {  	_ =	shalt  }
0x64: {  	_ =	shalt  }
0x65: {  	_ =	shalt  }
0x66: {  	_ =	shalt  }
0x67: {  	_ =	shalt  }
0x68: {  	_ =	shalt  }
0x69: {  	_ =	shalt  }
0x6a: {  	_ =	shalt  }
0x6b: {  	_ =	shalt  }
0x6c: {  	_ =	shalt  }
0x6d: {  	_ =	shalt  }
0x6e: {  	_ =	shalt  }
0x6f: {  	_ =	shalt  }
0x70: {  	_ =	shalt  }
0x71: {  	_ =	shalt  }
0x72: {  	_ =	shalt  }
0x73: {  	_ =	shalt  }
0x74: {  	_ =	shalt  }
0x75: {  	_ =	shalt  }
0x76: {  	_ =	shalt  }
0x77: {  	_ =	shalt  }
0x78: {  	_ =	shalt  }
0x79: {  	_ =	shalt  }
0x7a: {  	_ =	shalt  }
0x7b: {  	_ =	shalt  }
0x7c: {  	_ =	shalt  }
0x7d: {  	_ =	shalt  }
0x7e: {  	_ =	shalt  }
0x7f: {  	_ =	shalt  }
0x80: {  	_ =	shalt  }
0x81: {  	_ =	shalt  }
0x82: {  	_ =	shalt  }
0x83: {  	_ =	shalt  }
0x84: {  	_ =	shalt  }
0x85: {  	_ =	shalt  }
0x86: {  	_ =	shalt  }
0x87: {  	_ =	shalt  }
.Lfunc_end0:
.L_simem_size_0:
called_computation.1_lowered:
.L_overlay_start_0:
0x88: {  	s2 =	sld [smem:$0x3FD9]  }
0x89: {  	s3 =	sld [smem:$0x3FFE];
	_ =	sdelay $0x1  }
0x8a: {  	s1 =	srdreg.scid  }
0x8b: {  	s0 =	sand.u32 $0x1, s1  }
0x8c: {  	s16 =	sshll.u32 s0, $0xA;
	s2 =	sadd.s32 s3, s2  }
0x8d: {  	s2 =	sadd.s32 s2, s16  }
0x8e: {  	[smem:$0x3FB8] =	sst s2  }
0x8f: {  	_ = 	snop  }
0x90: {  	(tm) =	ssettm $0x1  }
0x91: {  	s17 =	sld [smem:$0x3FFB];
	_ =	sdelay $0x3  }
0x92: {  	_ =	strace s17  }
0x93: {  	s2 =	sld [smem:$0x3FFC];
	_ =	sdelay $0x3  }
0x94: {  	_ =	strace s2  }
0x95: {  	s2 =	sld [smem:$0x3FFD];
	_ =	sdelay $0x3  }
0x96: {  	_ =	strace s2  }
0x97: {  	_ =	strace $0x8FFFFFFF  }
0x98: {  	s18 =	sld [smem:$0x3FDB];
	_ =	sdelay $0x1  }
0x99: {  	s19 =	simm.s32 $_scs_section_size  }
0x9a: {  	s4 =	simm.s32 $_size__tile_overlayer_lowered;
	s5 =	simm.s32 $_tile_overlayer_lowered  }
0x9b: {  	s22 =	simm.s32 $0x1BFF;
	s21 =	sshll.u32 s5, $0x1;
	s2 =	sadd.s32 s19, s18  }
0x9c: {  	s6 =	simm.s32 $0x0;
	s20 =	sshll.u32 s4, $0x1;
	s4 =	sadd.s32 s21, s2  }
0x9d: {  	[timem:s6], [sflag:s22] =	dma.local [hbm:s4], s20  }
0x9e: {  	_ =	swait.ge [sflag:s22], s20  }
0x9f: {  	s3 =	ssub.s32 $0x0, s20;
	[sflag:s22] =	ssyncset.done $0x0  }
0xa0: {  	[sflag:s22] =	ssyncadd.s32 s3;
	_ =	sdelay $0x1  }
0xa1: {  	s23 =	simm.s32 $0x1B8B  }
0xa2: {  	_ =	swait.ge [sflag:s23], $0x1  }
0xa3: {  	[sflag:s23] =	ssyncset.done $0x0  }
0xa4: {  	s25 =	simm.s32 $0x1B8E;
	s24 =	sld [smem:$0x3FFE];
	[sflag:s23] =	ssyncadd.s32 $0xFFFFFFFF  }
0xa5: {  	s26 =	simm.s32 $execute0_lowered;
	[smem:$0x3FD2] =	sst s25  }
0xa6: {  	s4 =	sshll.u32 s26, $0x1;
	_ =	strace $0x80000049;
	[dreg:$0x1] =	wrdreg $0xFFFFFFFF  }
0xa7: {  	s28 =	simm.s32 $_size_execute0_lowered;
	s2 =	sadd.s32 s2, s4;
	[dreg:$0x0] =	wrdreg $0x0  }
0xa8: {  	s4 =	sshll.u32 s28, $0x1;
	[dreg:$0x2] =	wrdreg s2  }
0xa9: {  	[dreg:$0x3] =	wrdreg s4  }
0xaa: {  	[dreg:$0x4] =	wrdreg $0xC0  }
0xab: {  	_ =	task [dreg:s6], $0x5FFFF  }
0xac: {  	[dreg:$0x1] =	wrdreg $0xFFFFFFFF  }
0xad: {  	[dreg:$0x0] =	wrdreg $0x60  }
0xae: {  	[dreg:$0x2] =	wrdreg s24  }
0xaf: {  	[dreg:$0x3] =	wrdreg $0xA8000  }
0xb0: {  	[dreg:$0x4] =	wrdreg $0x9  }
0xb1: {  	_ =	task.clear_ibuf [dreg:s6], $0x5FFFF;
	_ =	strace $0x90000049  }
0xb2: {  	s29 =	simm.s32 $0x9;
	_ =	strace $0x8000004B  }
0xb3: {  	_ =	swait.ge [sflag:s29], $0x1  }
0xb4: {  	[sflag:s29] =	ssyncadd.s32 $0xFFFFFFFF  }
0xb5: {  	_ =	strace $0x9000004B  }
0xb6: {  	_ =	sfence  }
0xb7: {  	s30 =	sld [smem:$0x0];
	_ =	sdelay $0x2  }
0xb8: {  	s31 =	sshll.u32 s1, $0xD;
	s1 =	sshrl.u32 s1, $0x2  }
0xb9: {  	s3 =	sand.u32 $0x4000, s31;
	s1 =	sadd.s32 s1, s30  }
0xba: {  	s0 =	sor.u32 s3, s0;
	s1 =	sshll.u32 s1, $0x11  }
0xbb: {  	s0 =	sor.u32 s1, s0  }
0xbc: {  	s0 =	sadd.s32 $0x8F2B, s0  }
0xbd: {  	[sflag:s0] =	ssyncadd.remote.s32 $0x1  }
0xbe: {  	_ =	sfence.sel $0xFFFF  }
0xbf: {  	[dreg:$0x0] =	wrdreg $0xFFFFFFFF;
	(pc) =	sbr.abs _section_cstart, $3  }
0xc0: {  	[dreg:$0x1] =	wrdreg $0xFFFFFFFF  }
0xc1: {  	_ =	task.clear_ibuf [dreg:s6], $0x2FFFF;
	_ =	strace $0x9FFFFFFF  }
0xc2: {  	(tm) =	ssettm $0x7FFFFFFF  }
0xc3: {  	_ =	shalt  }
tec
execute0_lowered:
.L_overlay_start_1:
0x0: {  	(tag) =	ssettag $0x1  }
0x1: {  	s4 =	rddreg [dreg:$0x0]  }
0x2: {  	s1 =	rddreg [dreg:$0x1]  }
0x3: {  	s0 =	rddreg [dreg:$0x2];
	s3 =	srdreg.scid  }
0x4: {  	s2 =	simm.s32 $0x0;
	s14 =	simm.s32 $0x1;
	s5 =	sand.u32 $0x1, s3  }
0x5: {  	s15 =	simm.s32 $0x28;
	s3 =	stileid.u32;
	s6 =	smul.u32 $0x271000, s5  }
0x6: {  	s16 =	simm.s32 $0x2;
	[smem:$0x7FF] =	sst s2;
	s9 =	smul.u32 $0x2780, s3  }
0x7: {  	s17 =	simm.s32 $0x0;
	_ =	strace $0x8000004A;
	s25 =	smul.u32 $0x27800, s5  }
0x8: {  	s7 =	sshll.u32 s3, $0xC;
	s8 =	sshll.u32 s5, $0x10;
	s26 =	smul.u32 $0x4F000, s3  }
0x9: {  	s5 =	ssub.s32 $0x2, s5;
	s30 =	sshll.u32 s3, $0x6;
	s13 =	smul.u32 $0x27100, s3  }
0xa: {  	s24 =	sor.u32 s7, s8;
	s28 =	sshrl.u32 s5, $0x1;
	s10 =	sadd.s32 s6, s4  }
0xb: {  	s6 =	sadd.s32 s24, s4;
	s11 =	sadd.s32 s9, s4;
	s7 =	sadd.s32 s9, s25  }
0xc: {  	s9 =	ssub.s32 s5, s28;
	s29 =	sshrl.u32 s26, $0x2;
	s5 =	sor.u32 $0x1C03, s30  }
0xd: {  	s7 =	sadd.s32 s7, s4;
	s12 =	sadd.s32 s29, s1;
	s4 =	sadd.s32 $0x24E00, s11  }
0xe: {  	s6 =	sadd.s32 $0x4E00, s6;
	s8 =	smax.u32 s9, $0x1;
	s31 =	sadd.s32 s13, s10  }
0xf: {  	s11 =	simm.s32 $0x3;
	s13 =	simm.s32 $0x9400;
	s7 =	sadd.s32 $0x4C600, s7  }
0x10: {  	s9 =	sadd.s32 $0xF12000, s31;
	s10 =	sshrl.u32 s12, $0x3;
	s12 =	simm.s32 $0x8000  }
.LBB2_1:
0x11: {  	[spmem:s10], [sflag:s5] =	dma.local [hbm:s4], $0x2780  }
0x12: {  	_ =	swait.ge [sflag:s11], $0x2780  }
0x13: {  	[sflag:s11] =	ssyncset.done $0x0  }
0x14: {  	[sflag:s11] =	ssyncadd.s32 $0xFFFFD880  }
0x15: {  	[tilespmem:s2], [sflag:$0x3] =	stream.linear.gather [hbm4b:s6+s2], $0x7D00, $0x38;
	[tilespmem:$0x1E400] =	vst v63  }
0x16: {  	_ =	swait.ge [sflag:s11], $0x7D00  }
0x17: {  	[sflag:s11] =	ssyncset.done $0x0  }
0x18: {  	[sflag:s11] =	ssyncadd.s32 $0xFFFF8300  }
0x19: {  	[bflag:$0x0] =	sbarrier.arrive $0xFFFF  }
0x1a: {  	[tilespmem:s12], [sflag:$0x1] =	stream.linear.gather [hbm4b:s9+s2], $0x1400, $0x38;
	[tilespmem:$0x1E400] =	vst v63  }
0x1b: {  	s18 =	sadd.s32 $0x280, s9  }
0x1c: {  	[tilespmem:s13], [sflag:$0x2] =	stream.linear.gather [hbm4b:s18+s2], $0x1400, $0x38;
	[tilespmem:$0x1E400] =	vst v63  }
0x1d: {  	_ =	swait.ge [sflag:s14], $0x1400  }
0x1e: {  	[sflag:s14] =	ssyncset.done $0x0  }
0x1f: {  	s30 =	simm.s32 $0x0;
	[sflag:s14] =	ssyncadd.s32 $0xFFFFEC00  }
0x20: {  	[spmem:s1] =	stream.indirect.scatter.add.f32 [tilespmem:s12], [sflag:$0x3], $0x80, s30, s15, $0xb8;
	[tilespmem:$0x1E400] =	vst v63  }
0x21: {  	_ =	swait.ge [sflag:s11], $0x1400  }
0x22: {  	[sflag:s11] =	ssyncset.done $0x0  }
0x23: {  	[sflag:s11] =	ssyncadd.s32 $0xFFFFEC00  }
0x24: {  	_ =	swait.ge [sflag:s16], $0x1400  }
0x25: {  	[sflag:s16] =	ssyncset.done $0x0  }
0x26: {  	s31 =	simm.s32 $0x80;
	[sflag:s16] =	ssyncadd.s32 $0xFFFFEC00  }
0x27: {  	[spmem:s1] =	stream.indirect.scatter.add.f32 [tilespmem:s13], [sflag:$0x3], $0x80, s31, s15, $0xb8;
	[tilespmem:$0x1E400] =	vst v63  }
0x28: {  	_ =	swait.ge [sflag:s11], $0x1400  }
0x29: {  	s19 =	smov.u32 s9;
	s18 =	simm.s32 $0x400;
	[sflag:s11] =	ssyncset.done $0x0  }
.LBB2_2:
0x2a: {  	p0 =	sne.s32 s18, $0x1F000;
	[sflag:s11] =	ssyncadd.s32 $0xFFFFEC00;
	s19 =	sadd.s32 $0x500, s19  }
0x2b: {  	[tilespmem:s12], [sflag:$0x1] =	stream.linear.gather [hbm4b:s19+s2], $0x1400, $0x38;
	[tilespmem:$0x1E400] =	vst v63  }
0x2c: {  	s21 =	smov.u32 s18;
	s18 =	sadd.s32 $0x400, s18;
	s20 =	sadd.s32 $0x280, s19  }
0x2d: {  	[tilespmem:s13], [sflag:$0x2] =	stream.linear.gather [hbm4b:s20+s2], $0x1400, $0x38;
	[tilespmem:$0x1E400] =	vst v63  }
0x2e: {  	_ =	swait.ge [sflag:s14], $0x1400  }
0x2f: {  	[sflag:s14] =	ssyncset.done $0x0  }
0x30: {  	s20 =	sshra.s32 s21, $0x2;
	[sflag:s14] =	ssyncadd.s32 $0xFFFFEC00  }
0x31: {  	[spmem:s1] =	stream.indirect.scatter.add.f32 [tilespmem:s12], [sflag:$0x3], $0x80, s20, s15, $0xb8;
	[tilespmem:$0x1E400] =	vst v63  }
0x32: {  	_ =	swait.ge [sflag:s11], $0x1400  }
0x33: {  	[sflag:s11] =	ssyncset.done $0x0  }
0x34: {  	[sflag:s11] =	ssyncadd.s32 $0xFFFFEC00  }
0x35: {  	_ =	swait.ge [sflag:s16], $0x1400  }
.Ltmp0:
0x36: {  	[sflag:s16] =	ssyncset.done $0x0;
	(pc) =	sbr.rel @p0 .LBB2_2-.Ltmp0, $4  }
0x37: {  	s20 =	sadd.s32 $0x80, s20;
	[sflag:s16] =	ssyncadd.s32 $0xFFFFEC00  }
0x38: {  	[spmem:s1] =	stream.indirect.scatter.add.f32 [tilespmem:s13], [sflag:$0x3], $0x80, s20, s15, $0xb8;
	[tilespmem:$0x1E400] =	vst v63  }
0x39: {  	_ =	swait.ge [sflag:s11], $0x1400  }
0x3a: {  	[sflag:s11] =	ssyncset.done $0x0  }
0x3b: {  	s17 =	sadd.s32 $0x1, s17  }
0x3c: {  	[sflag:s11] =	ssyncadd.s32 $0xFFFFEC00;
	p0 =	sne.s32 s17, s8  }
.Ltmp1:
0x3d: {  	[bflag:$0x0] =	sbarrier.arrive $0xFFFF;
	(pc) =	sbr.rel @p0 .LBB2_1-.Ltmp1, $4  }
0x3e: {  	[hbm:s7], [sflag:s5] =	dma.local [spmem:s10], $0x2780  }
0x3f: {  	_ =	swait.ge [sflag:s11], $0x2780  }
0x40: {  	[sflag:s11] =	ssyncset.done $0x0  }
0x41: {  	[sflag:s11] =	ssyncadd.s32 $0xFFFFD880  }
0x42: {  	_ =	sfence.sel $0x180000  }
0x43: {  	[bflag:$0x0] =	sbarrier.arrive $0xFFFF  }
0x44: {  	p0 =	sne.s32 s3, $0x0;
	_ =	strace $0x9000004A  }
0x45: {  	s0 =	sadd.s32 @!p0 $0x100000, s0;
	[bflag:$0x2] =	sbarrier.arrive $0xFFFF  }
0x46: {  	[sflag:s0] =	ssyncadd.tile.s32 @!p0 $0x1;
	_ =	shalt  }
.Lfunc_end2:
_tile_overlayer_lowered:
.L_overlay_start_2:
0x47: {  	(tag) =	ssettag $0x2  }
0x48: {  	s0 =	rddreg [dreg:$0x0];
	s2 =	stileid.u32  }
0x49: {  	s1 =	rddreg [dreg:$0x1];
	p0 =	sne.s32 s2, $0x0  }
0x4a: {  	s3 =	rddreg [dreg:$0x2];
	[bflag:$0x3] =	sbarrier.arrive $0xFFFF;
	s2 =	simm.s32 @!p0 $0x1C03  }
0x4b: {  	[timem:s3], [sflag:s2] =	dma.local @!p0 [hbm:s0], s1  }
0x4c: {  	s0 =	simm.s32 @!p0 $0x3  }
0x4d: {  	_ =	swait.ge @!p0 [sflag:s0], s1  }
0x4e: {  	s1 =	ssub.s32 @!p0 $0x0, s1;
	[sflag:s0] =	ssyncset.done @!p0 $0x0  }
0x4f: {  	[sflag:s0] =	ssyncadd.s32 @!p0 s1  }
0x50: {  	[bflag:$0x3] =	sbarrier.arrive $0xFFFF  }
0x51: {  	_ =	shalt  }

</sc_bundles>
